<compile_context>
chip_gen: v7x
topology: tpu7x:2x2x1
jax: 0.10.2.dev20260603
libtpu: 0.0.44.dev20260713+nightly
codegen_flags: <defaults>
</compile_context>

<pallas_src>
import functools
import math

import jax
import jax.numpy as jnp
from jax import lax
from jax.experimental import pallas as pl
from jax.experimental.pallas import tpu as pltpu
from jax.experimental.pallas import tpu_sc as plsc

D_MODEL = 128
SCALE = math.sqrt(float(D_MODEL))
NUM_CORES = 2
NUM_SUBCORES = 16
NW = NUM_CORES * NUM_SUBCORES
N_I = 4096
N_J = 50
B_TOTAL = N_I * N_J
BPW = B_TOTAL // NW
CHUNK = 128
NCHUNK = BPW // CHUNK
NBUF = 6
MAIN = (NCHUNK // NBUF) * NBUF
LANES = 16
VECS_PER_ROW = D_MODEL // LANES

_mesh = plsc.VectorSubcoreMesh(core_axis_name="c", subcore_axis_name="s")


@functools.partial(
    pl.kernel,
    out_type=jax.ShapeDtypeStruct((B_TOTAL, D_MODEL), jnp.float32),
    mesh=_mesh,
    compiler_params=pltpu.CompilerParams(use_tc_tiling_on_sc=True),
    scratch_types=[
        pltpu.VMEM((BPW,), jnp.int32),
    ] + [pltpu.VMEM((CHUNK, D_MODEL), jnp.float32)] * 6
      + [pltpu.SemaphoreType.DMA] * 12,
)
def _emb_lookup(idx_hbm, table_hbm, out_hbm, idx_v, buf0, buf1, buf2, buf3,
                buf4, buf5, in0, in1, in2, in3, in4, in5,
                ot0, ot1, ot2, ot3, ot4, ot5):
    wid = lax.axis_index("s") * NUM_CORES + lax.axis_index("c")
    base = wid * BPW
    pltpu.sync_copy(idx_hbm.at[pl.ds(base, BPW)], idx_v)

    bufs = (buf0, buf1, buf2, buf3, buf4, buf5)
    in_sems = (in0, in1, in2, in3, in4, in5)
    out_sems = (ot0, ot1, ot2, ot3, ot4, ot5)

    def start_gather(g, b):
        pltpu.async_copy(
            table_hbm.at[idx_v.at[pl.ds(g * CHUNK, CHUNK)]], bufs[b], in_sems[b]
        )

    def wait_gather(g, b):
        pltpu.make_async_copy(
            table_hbm.at[idx_v.at[pl.ds(g * CHUNK, CHUNK)]], bufs[b], in_sems[b]
        ).wait()

    def start_store(g, b):
        pltpu.async_copy(
            bufs[b], out_hbm.at[pl.ds(base + g * CHUNK, CHUNK)], out_sems[b]
        )

    def wait_store(g, b):
        pltpu.make_async_copy(
            bufs[b], out_hbm.at[pl.ds(base + g * CHUNK, CHUNK)], out_sems[b]
        ).wait()

    def scale(b):
        buf = bufs[b]

        @plsc.parallel_loop(0, CHUNK, unroll=4)
        def _scale(i):
            for j in range(VECS_PER_ROW):
                sl = pl.ds(j * LANES, LANES)
                buf[i, sl] = buf[i, sl] * SCALE

    def body(g, b):
        @pl.when(g + 5 < NCHUNK)
        def _prefetch():
            pb = (b + 5) % NBUF

            @pl.when(g >= 1)
            def _drain():
                wait_store(g - 1, pb)

            start_gather(g + 5, pb)

        wait_gather(g, b)
        scale(b)
        start_store(g, b)

    for _g in range(5):
        start_gather(_g, _g)

    @pl.loop(0, MAIN, step=NBUF)
    def _outer(g0):
        for b in range(NBUF):
            body(g0 + b, b)

    for g in range(MAIN, NCHUNK):
        body(g, g % NBUF)

    for g in range(NCHUNK - NBUF, NCHUNK):
        wait_store(g, g % NBUF)


def kernel(x, lut):
    idx = x.T.reshape(-1).astype(jnp.int32)
    out = _emb_lookup(idx, lut)
    return out.reshape(N_J, N_I, D_MODEL).transpose(1, 0, 2)

# --- scband reference (transcript-rebuilt; emitter-appended) ---
"""Pipeline reference for scband-embeddings-8392366097106 (READ-ONLY COPY).

The authoritative reference and input builder live on the scoring server;
editing this copy changes nothing except your own understanding.
"""

import jax, jax.numpy as jnp
import numpy as np
import math

D_MODEL = 128
VOCAB = 100000

def setup_inputs(seed: int = 0) -> dict:
    key = jax.random.key(seed)
    k1, k2 = jax.random.split(key)
    x = jax.random.randint(k1, (4096, 50), 0, VOCAB, dtype=jnp.int64 if jax.config.jax_enable_x64 else jnp.int32)
    lut = jax.random.normal(k2, (VOCAB, D_MODEL), dtype=jnp.float32)
    return {"x": x, "lut": lut}

def reference(x, lut):
    # Embeddings.forward: self.lut(x) * sqrt(d_model)
    emb = jnp.take(lut, x, axis=0)
    return emb * math.sqrt(D_MODEL)

if __name__ == "__main__":
    import jax
    _d = setup_inputs()
    print(jax.jit(kernel)(*tuple(_d.values())))

</pallas_src>

<mosaic_0001>
#map = affine_map<(d0, d1) -> (0)>
#map1 = affine_map<(d0, d1) -> (0, 0)>
module attributes {stable_mosaic.version = 14 : i64} {
  func.func @_emb_lookup(%arg0: i32, %arg1: i32, %arg2: memref<204800xi32, #tpu.memory_space<hbm>>, %arg3: memref<100000x128xf32, #tpu.memory_space<hbm>>, %arg4: memref<204800x128xf32, #tpu.memory_space<hbm>>, %arg5: memref<6400xi32, #tpu.memory_space<vmem>>, %arg6: memref<128x128xf32, #tpu.memory_space<vmem>>, %arg7: memref<128x128xf32, #tpu.memory_space<vmem>>, %arg8: memref<128x128xf32, #tpu.memory_space<vmem>>, %arg9: memref<128x128xf32, #tpu.memory_space<vmem>>, %arg10: memref<128x128xf32, #tpu.memory_space<vmem>>, %arg11: memref<128x128xf32, #tpu.memory_space<vmem>>, %arg12: memref<!tpu.dma_semaphore, #tpu.memory_space<semaphore_mem>>, %arg13: memref<!tpu.dma_semaphore, #tpu.memory_space<semaphore_mem>>, %arg14: memref<!tpu.dma_semaphore, #tpu.memory_space<semaphore_mem>>, %arg15: memref<!tpu.dma_semaphore, #tpu.memory_space<semaphore_mem>>, %arg16: memref<!tpu.dma_semaphore, #tpu.memory_space<semaphore_mem>>, %arg17: memref<!tpu.dma_semaphore, #tpu.memory_space<semaphore_mem>>, %arg18: memref<!tpu.dma_semaphore, #tpu.memory_space<semaphore_mem>>, %arg19: memref<!tpu.dma_semaphore, #tpu.memory_space<semaphore_mem>>, %arg20: memref<!tpu.dma_semaphore, #tpu.memory_space<semaphore_mem>>, %arg21: memref<!tpu.dma_semaphore, #tpu.memory_space<semaphore_mem>>, %arg22: memref<!tpu.dma_semaphore, #tpu.memory_space<semaphore_mem>>, %arg23: memref<!tpu.dma_semaphore, #tpu.memory_space<semaphore_mem>>) attributes {dimension_semantics = [#tpu.dimension_semantics<core_parallel>, #tpu.dimension_semantics<subcore_parallel>], iteration_bounds = array<i64: 2, 16>, scalar_prefetch = 0 : i64, scratch_operands = 19 : i64, tpu.core_type = #tpu.core_type<sc_vector_subcore>, window_params = [{transform_indices = #map}, {transform_indices = #map1}, {transform_indices = #map1}]} {
    %mul3A = arith.constant 2 : i32
    %mul3A_0 = arith.muli %arg1, %mul3A : i32
    %add3A = arith.addi %mul3A_0, %arg0 : i32
    %mul3A_1 = arith.constant 6400 : i32
    %mul3A_2 = arith.muli %add3A, %mul3A_1 : i32
    "tpu.region"() ({
      %run_scoped3A = tpu.sem_alloc : memref<!tpu.dma_semaphore, #tpu.memory_space<semaphore_mem>>
      %dma_start3A_93 = tpu.memref_slice %arg2[%mul3A_2] : memref<204800xi32, #tpu.memory_space<hbm>> -> memref<6400xi32, #tpu.memory_space<hbm>>
      %dma_start3A_94 = tpu.memref_slice %arg2[%mul3A_2] : memref<204800xi32, #tpu.memory_space<hbm>> -> memref<6400xi32, #tpu.memory_space<hbm>>
      tpu.enqueue_dma source(%dma_start3A_94 : memref<6400xi32, #tpu.memory_space<hbm>>) target(%arg5 : memref<6400xi32, #tpu.memory_space<vmem>>) target_semaphore(%run_scoped3A : memref<!tpu.dma_semaphore, #tpu.memory_space<semaphore_mem>>)
      %dma_wait3A_95 = tpu.memref_slice %arg2[%mul3A_2] : memref<204800xi32, #tpu.memory_space<hbm>> -> memref<6400xi32, #tpu.memory_space<hbm>>
      %dma_wait3A_96 = tpu.memref_slice %arg2[%mul3A_2] : memref<204800xi32, #tpu.memory_space<hbm>> -> memref<6400xi32, #tpu.memory_space<hbm>>
      tpu.wait_dma2 semaphore(%run_scoped3A : memref<!tpu.dma_semaphore, #tpu.memory_space<semaphore_mem>>) src(%dma_wait3A_96 : memref<6400xi32, #tpu.memory_space<hbm>>) dst(%arg5 : memref<6400xi32, #tpu.memory_space<vmem>>)
      tpu.yield
    }) : () -> ()
    %dma_start3A = arith.constant 0 : i32
    %dma_start3A_3 = tpu.memref_slice %arg5[%dma_start3A] : memref<6400xi32, #tpu.memory_space<vmem>> -> memref<128xi32, #tpu.memory_space<vmem>>
    %dma_start3A_4 = arith.constant 0 : i32
    %dma_start3A_5 = arith.constant 0 : i32
    %dma_start3A_6 = tpu.memref_slice %arg3[%dma_start3A_4, %dma_start3A_5] : memref<100000x128xf32, #tpu.memory_space<hbm>> -> memref<100000x128xf32, #tpu.memory_space<hbm>>
    tpu.enqueue_indirect_dma source(%dma_start3A_6 : memref<100000x128xf32, #tpu.memory_space<hbm>>) target(%arg6 : memref<128x128xf32, #tpu.memory_space<vmem>>) offsets(%dma_start3A_3 : memref<128xi32, #tpu.memory_space<vmem>>) semaphore(%arg12 : memref<!tpu.dma_semaphore, #tpu.memory_space<semaphore_mem>>)
    %dma_start3A_7 = arith.constant 128 : i32
    %dma_start3A_8 = tpu.memref_slice %arg5[%dma_start3A_7] : memref<6400xi32, #tpu.memory_space<vmem>> -> memref<128xi32, #tpu.memory_space<vmem>>
    %dma_start3A_9 = arith.constant 0 : i32
    %dma_start3A_10 = arith.constant 0 : i32
    %dma_start3A_11 = tpu.memref_slice %arg3[%dma_start3A_9, %dma_start3A_10] : memref<100000x128xf32, #tpu.memory_space<hbm>> -> memref<100000x128xf32, #tpu.memory_space<hbm>>
    tpu.enqueue_indirect_dma source(%dma_start3A_11 : memref<100000x128xf32, #tpu.memory_space<hbm>>) target(%arg7 : memref<128x128xf32, #tpu.memory_space<vmem>>) offsets(%dma_start3A_8 : memref<128xi32, #tpu.memory_space<vmem>>) semaphore(%arg13 : memref<!tpu.dma_semaphore, #tpu.memory_space<semaphore_mem>>)
    %dma_start3A_12 = arith.constant 256 : i32
    %dma_start3A_13 = tpu.memref_slice %arg5[%dma_start3A_12] : memref<6400xi32, #tpu.memory_space<vmem>> -> memref<128xi32, #tpu.memory_space<vmem>>
    %dma_start3A_14 = arith.constant 0 : i32
    %dma_start3A_15 = arith.constant 0 : i32
    %dma_start3A_16 = tpu.memref_slice %arg3[%dma_start3A_14, %dma_start3A_15] : memref<100000x128xf32, #tpu.memory_space<hbm>> -> memref<100000x128xf32, #tpu.memory_space<hbm>>
    tpu.enqueue_indirect_dma source(%dma_start3A_16 : memref<100000x128xf32, #tpu.memory_space<hbm>>) target(%arg8 : memref<128x128xf32, #tpu.memory_space<vmem>>) offsets(%dma_start3A_13 : memref<128xi32, #tpu.memory_space<vmem>>) semaphore(%arg14 : memref<!tpu.dma_semaphore, #tpu.memory_space<semaphore_mem>>)
    %dma_start3A_17 = arith.constant 384 : i32
    %dma_start3A_18 = tpu.memref_slice %arg5[%dma_start3A_17] : memref<6400xi32, #tpu.memory_space<vmem>> -> memref<128xi32, #tpu.memory_space<vmem>>
    %dma_start3A_19 = arith.constant 0 : i32
    %dma_start3A_20 = arith.constant 0 : i32
    %dma_start3A_21 = tpu.memref_slice %arg3[%dma_start3A_19, %dma_start3A_20] : memref<100000x128xf32, #tpu.memory_space<hbm>> -> memref<100000x128xf32, #tpu.memory_space<hbm>>
    tpu.enqueue_indirect_dma source(%dma_start3A_21 : memref<100000x128xf32, #tpu.memory_space<hbm>>) target(%arg9 : memref<128x128xf32, #tpu.memory_space<vmem>>) offsets(%dma_start3A_18 : memref<128xi32, #tpu.memory_space<vmem>>) semaphore(%arg15 : memref<!tpu.dma_semaphore, #tpu.memory_space<semaphore_mem>>)
    %dma_start3A_22 = arith.constant 512 : i32
    %dma_start3A_23 = tpu.memref_slice %arg5[%dma_start3A_22] : memref<6400xi32, #tpu.memory_space<vmem>> -> memref<128xi32, #tpu.memory_space<vmem>>
    %dma_start3A_24 = arith.constant 0 : i32
    %dma_start3A_25 = arith.constant 0 : i32
    %dma_start3A_26 = tpu.memref_slice %arg3[%dma_start3A_24, %dma_start3A_25] : memref<100000x128xf32, #tpu.memory_space<hbm>> -> memref<100000x128xf32, #tpu.memory_space<hbm>>
    tpu.enqueue_indirect_dma source(%dma_start3A_26 : memref<100000x128xf32, #tpu.memory_space<hbm>>) target(%arg10 : memref<128x128xf32, #tpu.memory_space<vmem>>) offsets(%dma_start3A_23 : memref<128xi32, #tpu.memory_space<vmem>>) semaphore(%arg16 : memref<!tpu.dma_semaphore, #tpu.memory_space<semaphore_mem>>)
    %scan3A = arith.constant 0 : i32
    %scan3A_27 = arith.constant 8 : i32
    %scan3A_28 = arith.addi %scan3A, %scan3A_27 : i32
    %scan3A_29 = arith.constant 1 : i32
    scf.for %scan3A_93 = %scan3A to %scan3A_28 step %scan3A_29  : i32 {
      %mul3A_94 = arith.constant 6 : i32
      %mul3A_95 = arith.muli %scan3A_93, %mul3A_94 : i32
      %add3A_96 = arith.constant 0 : i32
      %add3A_97 = arith.addi %add3A_96, %mul3A_95 : i32
      %add3A_98 = arith.constant 0 : i32
      %add3A_99 = arith.addi %add3A_97, %add3A_98 : i32
      %add3A_100 = arith.constant 5 : i32
      %add3A_101 = arith.addi %add3A_99, %add3A_100 : i32
      %lt3A = arith.constant 50 : i32
      %lt3A_102 = arith.cmpi slt, %add3A_101, %lt3A : i32
      %convert_element_type3A = arith.extui %lt3A_102 : i1 to i32
      %cond3A = arith.constant 0 : i32
      %cond3A_103 = arith.cmpi ne, %convert_element_type3A, %cond3A : i32
      scf.if %cond3A_103 {
        %ge3A = arith.constant 1 : i32
        %ge3A_245 = arith.cmpi sge, %add3A_99, %ge3A : i32
        %convert_element_type3A_246 = arith.extui %ge3A_245 : i1 to i32
        %cond3A_247 = arith.constant 0 : i32
        %cond3A_248 = arith.cmpi ne, %convert_element_type3A_246, %cond3A_247 : i32
        scf.if %cond3A_248 {
          %sub3A = arith.constant 1 : i32
          %sub3A_257 = arith.subi %add3A_99, %sub3A : i32
          %mul3A_258 = arith.constant 128 : i32
          %mul3A_259 = arith.muli %sub3A_257, %mul3A_258 : i32
          %add3A_260 = arith.addi %mul3A_2, %mul3A_259 : i32
          %dma_wait3A_261 = arith.constant 0 : i32
          %dma_wait3A_262 = tpu.memref_slice %arg4[%add3A_260, %dma_wait3A_261] : memref<204800x128xf32, #tpu.memory_space<hbm>> -> memref<128x128xf32, #tpu.memory_space<hbm>>
          %dma_wait3A_263 = arith.constant 0 : i32
          %dma_wait3A_264 = tpu.memref_slice %arg4[%add3A_260, %dma_wait3A_263] : memref<204800x128xf32, #tpu.memory_space<hbm>> -> memref<128x128xf32, #tpu.memory_space<hbm>>
          tpu.wait_dma2 semaphore(%arg23 : memref<!tpu.dma_semaphore, #tpu.memory_space<semaphore_mem>>) src(%arg11 : memref<128x128xf32, #tpu.memory_space<vmem>>) dst(%dma_wait3A_264 : memref<128x128xf32, #tpu.memory_space<hbm>>)
        } else {
        }
        %add3A_249 = arith.constant 5 : i32
        %add3A_250 = arith.addi %add3A_99, %add3A_249 : i32
        %mul3A_251 = arith.constant 128 : i32
        %mul3A_252 = arith.muli %add3A_250, %mul3A_251 : i32
        %dma_start3A_253 = tpu.memref_slice %arg5[%mul3A_252] : memref<6400xi32, #tpu.memory_space<vmem>> -> memref<128xi32, #tpu.memory_space<vmem>>
        %dma_start3A_254 = arith.constant 0 : i32
        %dma_start3A_255 = arith.constant 0 : i32
        %dma_start3A_256 = tpu.memref_slice %arg3[%dma_start3A_254, %dma_start3A_255] : memref<100000x128xf32, #tpu.memory_space<hbm>> -> memref<100000x128xf32, #tpu.memory_space<hbm>>
        tpu.enqueue_indirect_dma source(%dma_start3A_256 : memref<100000x128xf32, #tpu.memory_space<hbm>>) target(%arg11 : memref<128x128xf32, #tpu.memory_space<vmem>>) offsets(%dma_start3A_253 : memref<128xi32, #tpu.memory_space<vmem>>) semaphore(%arg17 : memref<!tpu.dma_semaphore, #tpu.memory_space<semaphore_mem>>)
      } else {
      }
      %mul3A_104 = arith.constant 128 : i32
      %mul3A_105 = arith.muli %add3A_99, %mul3A_104 : i32
      %dma_wait3A_106 = tpu.memref_slice %arg5[%mul3A_105] : memref<6400xi32, #tpu.memory_space<vmem>> -> memref<128xi32, #tpu.memory_space<vmem>>
      %dma_wait3A_107 = arith.constant 0 : i32
      %dma_wait3A_108 = arith.constant 0 : i32
      %dma_wait3A_109 = tpu.memref_slice %arg3[%dma_wait3A_107, %dma_wait3A_108] : memref<100000x128xf32, #tpu.memory_space<hbm>> -> memref<100000x128xf32, #tpu.memory_space<hbm>>
      tpu.wait_indirect_dma semaphore(%arg12 : memref<!tpu.dma_semaphore, #tpu.memory_space<semaphore_mem>>) src(%dma_wait3A_109 : memref<100000x128xf32, #tpu.memory_space<hbm>>) dst(%arg6 : memref<128x128xf32, #tpu.memory_space<vmem>>)
      %parallel_loop3A_110 = arith.constant 0 : i32
      %parallel_loop3A_111 = arith.constant 128 : i32
      %parallel_loop3A_112 = arith.constant 1 : i32
      scf.for %parallel_loop3A_245 = %parallel_loop3A_110 to %parallel_loop3A_111 step %parallel_loop3A_112  : i32 {
        %parallel_loop3A_246 = arith.index_cast %parallel_loop3A_245 : i32 to index
        %parallel_loop3A_247 = arith.constant 0 : index
        %parallel_loop3A_248 = tpu.vector_load %arg6[%parallel_loop3A_246, %parallel_loop3A_247] {strides = array<i32>} : memref<128x128xf32, #tpu.memory_space<vmem>>, vector<1x16xf32>,
        %parallel_loop3A_249 = vector.shape_cast %parallel_loop3A_248 : vector<1x16xf32> to vector<16xf32>
        %parallel_loop3A_250 = arith.constant 11.3137083 : f32
        %parallel_loop3A_251 = vector.broadcast %parallel_loop3A_250 : f32 to vector<16xf32>
        %parallel_loop3A_252 = arith.mulf %parallel_loop3A_249, %parallel_loop3A_251 : vector<16xf32>
        %parallel_loop3A_253 = arith.index_cast %parallel_loop3A_245 : i32 to index
        %parallel_loop3A_254 = arith.constant 0 : index
        %parallel_loop3A_255 = tpu.vector_load %arg6[%parallel_loop3A_253, %parallel_loop3A_254] {strides = array<i32>} : memref<128x128xf32, #tpu.memory_space<vmem>>, vector<1x16xf32>,
        %parallel_loop3A_256 = vector.shape_cast %parallel_loop3A_255 : vector<1x16xf32> to vector<16xf32>
        %parallel_loop3A_257 = vector.shape_cast %parallel_loop3A_252 : vector<16xf32> to vector<1x16xf32>
        tpu.vector_store %arg6[%parallel_loop3A_253, %parallel_loop3A_254], %parallel_loop3A_257 {strides = array<i32>} : memref<128x128xf32, #tpu.memory_space<vmem>>, vector<1x16xf32>,
        %parallel_loop3A_258 = arith.index_cast %parallel_loop3A_245 : i32 to index
        %parallel_loop3A_259 = arith.constant 16 : index
        %parallel_loop3A_260 = tpu.vector_load %arg6[%parallel_loop3A_258, %parallel_loop3A_259] {strides = array<i32>} : memref<128x128xf32, #tpu.memory_space<vmem>>, vector<1x16xf32>,
        %parallel_loop3A_261 = vector.shape_cast %parallel_loop3A_260 : vector<1x16xf32> to vector<16xf32>
        %parallel_loop3A_262 = arith.constant 11.3137083 : f32
        %parallel_loop3A_263 = vector.broadcast %parallel_loop3A_262 : f32 to vector<16xf32>
        %parallel_loop3A_264 = arith.mulf %parallel_loop3A_261, %parallel_loop3A_263 : vector<16xf32>
        %parallel_loop3A_265 = arith.index_cast %parallel_loop3A_245 : i32 to index
        %parallel_loop3A_266 = arith.constant 16 : index
        %parallel_loop3A_267 = tpu.vector_load %arg6[%parallel_loop3A_265, %parallel_loop3A_266] {strides = array<i32>} : memref<128x128xf32, #tpu.memory_space<vmem>>, vector<1x16xf32>,
        %parallel_loop3A_268 = vector.shape_cast %parallel_loop3A_267 : vector<1x16xf32> to vector<16xf32>
        %parallel_loop3A_269 = vector.shape_cast %parallel_loop3A_264 : vector<16xf32> to vector<1x16xf32>
        tpu.vector_store %arg6[%parallel_loop3A_265, %parallel_loop3A_266], %parallel_loop3A_269 {strides = array<i32>} : memref<128x128xf32, #tpu.memory_space<vmem>>, vector<1x16xf32>,
        %parallel_loop3A_270 = arith.index_cast %parallel_loop3A_245 : i32 to index
        %parallel_loop3A_271 = arith.constant 32 : index
        %parallel_loop3A_272 = tpu.vector_load %arg6[%parallel_loop3A_270, %parallel_loop3A_271] {strides = array<i32>} : memref<128x128xf32, #tpu.memory_space<vmem>>, vector<1x16xf32>,
        %parallel_loop3A_273 = vector.shape_cast %parallel_loop3A_272 : vector<1x16xf32> to vector<16xf32>
        %parallel_loop3A_274 = arith.constant 11.3137083 : f32
        %parallel_loop3A_275 = vector.broadcast %parallel_loop3A_274 : f32 to vector<16xf32>
        %parallel_loop3A_276 = arith.mulf %parallel_loop3A_273, %parallel_loop3A_275 : vector<16xf32>
        %parallel_loop3A_277 = arith.index_cast %parallel_loop3A_245 : i32 to index
        %parallel_loop3A_278 = arith.constant 32 : index
        %parallel_loop3A_279 = tpu.vector_load %arg6[%parallel_loop3A_277, %parallel_loop3A_278] {strides = array<i32>} : memref<128x128xf32, #tpu.memory_space<vmem>>, vector<1x16xf32>,
        %parallel_loop3A_280 = vector.shape_cast %parallel_loop3A_279 : vector<1x16xf32> to vector<16xf32>
        %parallel_loop3A_281 = vector.shape_cast %parallel_loop3A_276 : vector<16xf32> to vector<1x16xf32>
        tpu.vector_store %arg6[%parallel_loop3A_277, %parallel_loop3A_278], %parallel_loop3A_281 {strides = array<i32>} : memref<128x128xf32, #tpu.memory_space<vmem>>, vector<1x16xf32>,
        %parallel_loop3A_282 = arith.index_cast %parallel_loop3A_245 : i32 to index
        %parallel_loop3A_283 = arith.constant 48 : index
        %parallel_loop3A_284 = tpu.vector_load %arg6[%parallel_loop3A_282, %parallel_loop3A_283] {strides = array<i32>} : memref<128x128xf32, #tpu.memory_space<vmem>>, vector<1x16xf32>,
        %parallel_loop3A_285 = vector.shape_cast %parallel_loop3A_284 : vector<1x16xf32> to vector<16xf32>
        %parallel_loop3A_286 = arith.constant 11.3137083 : f32
        %parallel_loop3A_287 = vector.broadcast %parallel_loop3A_286 : f32 to vector<16xf32>
        %parallel_loop3A_288 = arith.mulf %parallel_loop3A_285, %parallel_loop3A_287 : vector<16xf32>
        %parallel_loop3A_289 = arith.index_cast %parallel_loop3A_245 : i32 to index
        %parallel_loop3A_290 = arith.constant 48 : index
        %parallel_loop3A_291 = tpu.vector_load %arg6[%parallel_loop3A_289, %parallel_loop3A_290] {strides = array<i32>} : memref<128x128xf32, #tpu.memory_space<vmem>>, vector<1x16xf32>,
        %parallel_loop3A_292 = vector.shape_cast %parallel_loop3A_291 : vector<1x16xf32> to vector<16xf32>
        %parallel_loop3A_293 = vector.shape_cast %parallel_loop3A_288 : vector<16xf32> to vector<1x16xf32>
        tpu.vector_store %arg6[%parallel_loop3A_289, %parallel_loop3A_290], %parallel_loop3A_293 {strides = array<i32>} : memref<128x128xf32, #tpu.memory_space<vmem>>, vector<1x16xf32>,
        %parallel_loop3A_294 = arith.index_cast %parallel_loop3A_245 : i32 to index
        %parallel_loop3A_295 = arith.constant 64 : index
        %parallel_loop3A_296 = tpu.vector_load %arg6[%parallel_loop3A_294, %parallel_loop3A_295] {strides = array<i32>} : memref<128x128xf32, #tpu.memory_space<vmem>>, vector<1x16xf32>,
        %parallel_loop3A_297 = vector.shape_cast %parallel_loop3A_296 : vector<1x16xf32> to vector<16xf32>
        %parallel_loop3A_298 = arith.constant 11.3137083 : f32
        %parallel_loop3A_299 = vector.broadcast %parallel_loop3A_298 : f32 to vector<16xf32>
        %parallel_loop3A_300 = arith.mulf %parallel_loop3A_297, %parallel_loop3A_299 : vector<16xf32>
        %parallel_loop3A_301 = arith.index_cast %parallel_loop3A_245 : i32 to index
        %parallel_loop3A_302 = arith.constant 64 : index
        %parallel_loop3A_303 = tpu.vector_load %arg6[%parallel_loop3A_301, %parallel_loop3A_302] {strides = array<i32>} : memref<128x128xf32, #tpu.memory_space<vmem>>, vector<1x16xf32>,
        %parallel_loop3A_304 = vector.shape_cast %parallel_loop3A_303 : vector<1x16xf32> to vector<16xf32>
        %parallel_loop3A_305 = vector.shape_cast %parallel_loop3A_300 : vector<16xf32> to vector<1x16xf32>
        tpu.vector_store %arg6[%parallel_loop3A_301, %parallel_loop3A_302], %parallel_loop3A_305 {strides = array<i32>} : memref<128x128xf32, #tpu.memory_space<vmem>>, vector<1x16xf32>,
        %parallel_loop3A_306 = arith.index_cast %parallel_loop3A_245 : i32 to index
        %parallel_loop3A_307 = arith.constant 80 : index
        %parallel_loop3A_308 = tpu.vector_load %arg6[%parallel_loop3A_306, %parallel_loop3A_307] {strides = array<i32>} : memref<128x128xf32, #tpu.memory_space<vmem>>, vector<1x16xf32>,
        %parallel_loop3A_309 = vector.shape_cast %parallel_loop3A_308 : vector<1x16xf32> to vector<16xf32>
        %parallel_loop3A_310 = arith.constant 11.3137083 : f32
        %parallel_loop3A_311 = vector.broadcast %parallel_loop3A_310 : f32 to vector<16xf32>
        %parallel_loop3A_312 = arith.mulf %parallel_loop3A_309, %parallel_loop3A_311 : vector<16xf32>
        %parallel_loop3A_313 = arith.index_cast %parallel_loop3A_245 : i32 to index
        %parallel_loop3A_314 = arith.constant 80 : index
        %parallel_loop3A_315 = tpu.vector_load %arg6[%parallel_loop3A_313, %parallel_loop3A_314] {strides = array<i32>} : memref<128x128xf32, #tpu.memory_space<vmem>>, vector<1x16xf32>,
        %parallel_loop3A_316 = vector.shape_cast %parallel_loop3A_315 : vector<1x16xf32> to vector<16xf32>
        %parallel_loop3A_317 = vector.shape_cast %parallel_loop3A_312 : vector<16xf32> to vector<1x16xf32>
        tpu.vector_store %arg6[%parallel_loop3A_313, %parallel_loop3A_314], %parallel_loop3A_317 {strides = array<i32>} : memref<128x128xf32, #tpu.memory_space<vmem>>, vector<1x16xf32>,
        %parallel_loop3A_318 = arith.index_cast %parallel_loop3A_245 : i32 to index
        %parallel_loop3A_319 = arith.constant 96 : index
        %parallel_loop3A_320 = tpu.vector_load %arg6[%parallel_loop3A_318, %parallel_loop3A_319] {strides = array<i32>} : memref<128x128xf32, #tpu.memory_space<vmem>>, vector<1x16xf32>,
        %parallel_loop3A_321 = vector.shape_cast %parallel_loop3A_320 : vector<1x16xf32> to vector<16xf32>
        %parallel_loop3A_322 = arith.constant 11.3137083 : f32
        %parallel_loop3A_323 = vector.broadcast %parallel_loop3A_322 : f32 to vector<16xf32>
        %parallel_loop3A_324 = arith.mulf %parallel_loop3A_321, %parallel_loop3A_323 : vector<16xf32>
        %parallel_loop3A_325 = arith.index_cast %parallel_loop3A_245 : i32 to index
        %parallel_loop3A_326 = arith.constant 96 : index
        %parallel_loop3A_327 = tpu.vector_load %arg6[%parallel_loop3A_325, %parallel_loop3A_326] {strides = array<i32>} : memref<128x128xf32, #tpu.memory_space<vmem>>, vector<1x16xf32>,
        %parallel_loop3A_328 = vector.shape_cast %parallel_loop3A_327 : vector<1x16xf32> to vector<16xf32>
        %parallel_loop3A_329 = vector.shape_cast %parallel_loop3A_324 : vector<16xf32> to vector<1x16xf32>
        tpu.vector_store %arg6[%parallel_loop3A_325, %parallel_loop3A_326], %parallel_loop3A_329 {strides = array<i32>} : memref<128x128xf32, #tpu.memory_space<vmem>>, vector<1x16xf32>,
        %parallel_loop3A_330 = arith.index_cast %parallel_loop3A_245 : i32 to index
        %parallel_loop3A_331 = arith.constant 112 : index
        %parallel_loop3A_332 = tpu.vector_load %arg6[%parallel_loop3A_330, %parallel_loop3A_331] {strides = array<i32>} : memref<128x128xf32, #tpu.memory_space<vmem>>, vector<1x16xf32>,
        %parallel_loop3A_333 = vector.shape_cast %parallel_loop3A_332 : vector<1x16xf32> to vector<16xf32>
        %parallel_loop3A_334 = arith.constant 11.3137083 : f32
        %parallel_loop3A_335 = vector.broadcast %parallel_loop3A_334 : f32 to vector<16xf32>
        %parallel_loop3A_336 = arith.mulf %parallel_loop3A_333, %parallel_loop3A_335 : vector<16xf32>
        %parallel_loop3A_337 = arith.index_cast %parallel_loop3A_245 : i32 to index
        %parallel_loop3A_338 = arith.constant 112 : index
        %parallel_loop3A_339 = tpu.vector_load %arg6[%parallel_loop3A_337, %parallel_loop3A_338] {strides = array<i32>} : memref<128x128xf32, #tpu.memory_space<vmem>>, vector<1x16xf32>,
        %parallel_loop3A_340 = vector.shape_cast %parallel_loop3A_339 : vector<1x16xf32> to vector<16xf32>
        %parallel_loop3A_341 = vector.shape_cast %parallel_loop3A_336 : vector<16xf32> to vector<1x16xf32>
        tpu.vector_store %arg6[%parallel_loop3A_337, %parallel_loop3A_338], %parallel_loop3A_341 {strides = array<i32>} : memref<128x128xf32, #tpu.memory_space<vmem>>, vector<1x16xf32>,
      } {sc.loop_unroll_factor = 4 : i64, sc.parallel_access}
      %mul3A_113 = arith.constant 128 : i32
      %mul3A_114 = arith.muli %add3A_99, %mul3A_113 : i32
      %add3A_115 = arith.addi %mul3A_2, %mul3A_114 : i32
      %dma_start3A_116 = arith.constant 0 : i32
      %dma_start3A_117 = tpu.memref_slice %arg4[%add3A_115, %dma_start3A_116] : memref<204800x128xf32, #tpu.memory_space<hbm>> -> memref<128x128xf32, #tpu.memory_space<hbm>>
      %dma_start3A_118 = arith.constant 0 : i32
      %dma_start3A_119 = tpu.memref_slice %arg4[%add3A_115, %dma_start3A_118] : memref<204800x128xf32, #tpu.memory_space<hbm>> -> memref<128x128xf32, #tpu.memory_space<hbm>>
      tpu.enqueue_dma source(%arg6 : memref<128x128xf32, #tpu.memory_space<vmem>>) target(%dma_start3A_119 : memref<128x128xf32, #tpu.memory_space<hbm>>) target_semaphore(%arg18 : memref<!tpu.dma_semaphore, #tpu.memory_space<semaphore_mem>>)
      %add3A_120 = arith.constant 1 : i32
      %add3A_121 = arith.addi %add3A_97, %add3A_120 : i32
      %add3A_122 = arith.constant 5 : i32
      %add3A_123 = arith.addi %add3A_121, %add3A_122 : i32
      %lt3A_124 = arith.constant 50 : i32
      %lt3A_125 = arith.cmpi slt, %add3A_123, %lt3A_124 : i32
      %convert_element_type3A_126 = arith.extui %lt3A_125 : i1 to i32
      %cond3A_127 = arith.constant 0 : i32
      %cond3A_128 = arith.cmpi ne, %convert_element_type3A_126, %cond3A_127 : i32
      scf.if %cond3A_128 {
        %ge3A = arith.constant 1 : i32
        %ge3A_245 = arith.cmpi sge, %add3A_121, %ge3A : i32
        %convert_element_type3A_246 = arith.extui %ge3A_245 : i1 to i32
        %cond3A_247 = arith.constant 0 : i32
        %cond3A_248 = arith.cmpi ne, %convert_element_type3A_246, %cond3A_247 : i32
        scf.if %cond3A_248 {
          %sub3A = arith.constant 1 : i32
          %sub3A_257 = arith.subi %add3A_121, %sub3A : i32
          %mul3A_258 = arith.constant 128 : i32
          %mul3A_259 = arith.muli %sub3A_257, %mul3A_258 : i32
          %add3A_260 = arith.addi %mul3A_2, %mul3A_259 : i32
          %dma_wait3A_261 = arith.constant 0 : i32
          %dma_wait3A_262 = tpu.memref_slice %arg4[%add3A_260, %dma_wait3A_261] : memref<204800x128xf32, #tpu.memory_space<hbm>> -> memref<128x128xf32, #tpu.memory_space<hbm>>
          %dma_wait3A_263 = arith.constant 0 : i32
          %dma_wait3A_264 = tpu.memref_slice %arg4[%add3A_260, %dma_wait3A_263] : memref<204800x128xf32, #tpu.memory_space<hbm>> -> memref<128x128xf32, #tpu.memory_space<hbm>>
          tpu.wait_dma2 semaphore(%arg18 : memref<!tpu.dma_semaphore, #tpu.memory_space<semaphore_mem>>) src(%arg6 : memref<128x128xf32, #tpu.memory_space<vmem>>) dst(%dma_wait3A_264 : memref<128x128xf32, #tpu.memory_space<hbm>>)
        } else {
        }
        %add3A_249 = arith.constant 5 : i32
        %add3A_250 = arith.addi %add3A_121, %add3A_249 : i32
        %mul3A_251 = arith.constant 128 : i32
        %mul3A_252 = arith.muli %add3A_250, %mul3A_251 : i32
        %dma_start3A_253 = tpu.memref_slice %arg5[%mul3A_252] : memref<6400xi32, #tpu.memory_space<vmem>> -> memref<128xi32, #tpu.memory_space<vmem>>
        %dma_start3A_254 = arith.constant 0 : i32
        %dma_start3A_255 = arith.constant 0 : i32
        %dma_start3A_256 = tpu.memref_slice %arg3[%dma_start3A_254, %dma_start3A_255] : memref<100000x128xf32, #tpu.memory_space<hbm>> -> memref<100000x128xf32, #tpu.memory_space<hbm>>
        tpu.enqueue_indirect_dma source(%dma_start3A_256 : memref<100000x128xf32, #tpu.memory_space<hbm>>) target(%arg6 : memref<128x128xf32, #tpu.memory_space<vmem>>) offsets(%dma_start3A_253 : memref<128xi32, #tpu.memory_space<vmem>>) semaphore(%arg12 : memref<!tpu.dma_semaphore, #tpu.memory_space<semaphore_mem>>)
      } else {
      }
      %mul3A_129 = arith.constant 128 : i32
      %mul3A_130 = arith.muli %add3A_121, %mul3A_129 : i32
      %dma_wait3A_131 = tpu.memref_slice %arg5[%mul3A_130] : memref<6400xi32, #tpu.memory_space<vmem>> -> memref<128xi32, #tpu.memory_space<vmem>>
      %dma_wait3A_132 = arith.constant 0 : i32
      %dma_wait3A_133 = arith.constant 0 : i32
      %dma_wait3A_134 = tpu.memref_slice %arg3[%dma_wait3A_132, %dma_wait3A_133] : memref<100000x128xf32, #tpu.memory_space<hbm>> -> memref<100000x128xf32, #tpu.memory_space<hbm>>
      tpu.wait_indirect_dma semaphore(%arg13 : memref<!tpu.dma_semaphore, #tpu.memory_space<semaphore_mem>>) src(%dma_wait3A_134 : memref<100000x128xf32, #tpu.memory_space<hbm>>) dst(%arg7 : memref<128x128xf32, #tpu.memory_space<vmem>>)
      %parallel_loop3A_135 = arith.constant 0 : i32
      %parallel_loop3A_136 = arith.constant 128 : i32
      %parallel_loop3A_137 = arith.constant 1 : i32
      scf.for %parallel_loop3A_245 = %parallel_loop3A_135 to %parallel_loop3A_136 step %parallel_loop3A_137  : i32 {
        %parallel_loop3A_246 = arith.index_cast %parallel_loop3A_245 : i32 to index
        %parallel_loop3A_247 = arith.constant 0 : index
        %parallel_loop3A_248 = tpu.vector_load %arg7[%parallel_loop3A_246, %parallel_loop3A_247] {strides = array<i32>} : memref<128x128xf32, #tpu.memory_space<vmem>>, vector<1x16xf32>,
        %parallel_loop3A_249 = vector.shape_cast %parallel_loop3A_248 : vector<1x16xf32> to vector<16xf32>
        %parallel_loop3A_250 = arith.constant 11.3137083 : f32
        %parallel_loop3A_251 = vector.broadcast %parallel_loop3A_250 : f32 to vector<16xf32>
        %parallel_loop3A_252 = arith.mulf %parallel_loop3A_249, %parallel_loop3A_251 : vector<16xf32>
        %parallel_loop3A_253 = arith.index_cast %parallel_loop3A_245 : i32 to index
        %parallel_loop3A_254 = arith.constant 0 : index
        %parallel_loop3A_255 = tpu.vector_load %arg7[%parallel_loop3A_253, %parallel_loop3A_254] {strides = array<i32>} : memref<128x128xf32, #tpu.memory_space<vmem>>, vector<1x16xf32>,
        %parallel_loop3A_256 = vector.shape_cast %parallel_loop3A_255 : vector<1x16xf32> to vector<16xf32>
        %parallel_loop3A_257 = vector.shape_cast %parallel_loop3A_252 : vector<16xf32> to vector<1x16xf32>
        tpu.vector_store %arg7[%parallel_loop3A_253, %parallel_loop3A_254], %parallel_loop3A_257 {strides = array<i32>} : memref<128x128xf32, #tpu.memory_space<vmem>>, vector<1x16xf32>,
        %parallel_loop3A_258 = arith.index_cast %parallel_loop3A_245 : i32 to index
        %parallel_loop3A_259 = arith.constant 16 : index
        %parallel_loop3A_260 = tpu.vector_load %arg7[%parallel_loop3A_258, %parallel_loop3A_259] {strides = array<i32>} : memref<128x128xf32, #tpu.memory_space<vmem>>, vector<1x16xf32>,
        %parallel_loop3A_261 = vector.shape_cast %parallel_loop3A_260 : vector<1x16xf32> to vector<16xf32>
        %parallel_loop3A_262 = arith.constant 11.3137083 : f32
        %parallel_loop3A_263 = vector.broadcast %parallel_loop3A_262 : f32 to vector<16xf32>
        %parallel_loop3A_264 = arith.mulf %parallel_loop3A_261, %parallel_loop3A_263 : vector<16xf32>
        %parallel_loop3A_265 = arith.index_cast %parallel_loop3A_245 : i32 to index
        %parallel_loop3A_266 = arith.constant 16 : index
        %parallel_loop3A_267 = tpu.vector_load %arg7[%parallel_loop3A_265, %parallel_loop3A_266] {strides = array<i32>} : memref<128x128xf32, #tpu.memory_space<vmem>>, vector<1x16xf32>,
        %parallel_loop3A_268 = vector.shape_cast %parallel_loop3A_267 : vector<1x16xf32> to vector<16xf32>
        %parallel_loop3A_269 = vector.shape_cast %parallel_loop3A_264 : vector<16xf32> to vector<1x16xf32>
        tpu.vector_store %arg7[%parallel_loop3A_265, %parallel_loop3A_266], %parallel_loop3A_269 {strides = array<i32>} : memref<128x128xf32, #tpu.memory_space<vmem>>, vector<1x16xf32>,
        %parallel_loop3A_270 = arith.index_cast %parallel_loop3A_245 : i32 to index
        %parallel_loop3A_271 = arith.constant 32 : index
        %parallel_loop3A_272 = tpu.vector_load %arg7[%parallel_loop3A_270, %parallel_loop3A_271] {strides = array<i32>} : memref<128x128xf32, #tpu.memory_space<vmem>>, vector<1x16xf32>,
        %parallel_loop3A_273 = vector.shape_cast %parallel_loop3A_272 : vector<1x16xf32> to vector<16xf32>
        %parallel_loop3A_274 = arith.constant 11.3137083 : f32
        %parallel_loop3A_275 = vector.broadcast %parallel_loop3A_274 : f32 to vector<16xf32>
        %parallel_loop3A_276 = arith.mulf %parallel_loop3A_273, %parallel_loop3A_275 : vector<16xf32>
        %parallel_loop3A_277 = arith.index_cast %parallel_loop3A_245 : i32 to index
        %parallel_loop3A_278 = arith.constant 32 : index
        %parallel_loop3A_279 = tpu.vector_load %arg7[%parallel_loop3A_277, %parallel_loop3A_278] {strides = array<i32>} : memref<128x128xf32, #tpu.memory_space<vmem>>, vector<1x16xf32>,
        %parallel_loop3A_280 = vector.shape_cast %parallel_loop3A_279 : vector<1x16xf32> to vector<16xf32>
        %parallel_loop3A_281 = vector.shape_cast %parallel_loop3A_276 : vector<16xf32> to vector<1x16xf32>
        tpu.vector_store %arg7[%parallel_loop3A_277, %parallel_loop3A_278], %parallel_loop3A_281 {strides = array<i32>} : memref<128x128xf32, #tpu.memory_space<vmem>>, vector<1x16xf32>,
        %parallel_loop3A_282 = arith.index_cast %parallel_loop3A_245 : i32 to index
        %parallel_loop3A_283 = arith.constant 48 : index
        %parallel_loop3A_284 = tpu.vector_load %arg7[%parallel_loop3A_282, %parallel_loop3A_283] {strides = array<i32>} : memref<128x128xf32, #tpu.memory_space<vmem>>, vector<1x16xf32>,
        %parallel_loop3A_285 = vector.shape_cast %parallel_loop3A_284 : vector<1x16xf32> to vector<16xf32>
        %parallel_loop3A_286 = arith.constant 11.3137083 : f32
        %parallel_loop3A_287 = vector.broadcast %parallel_loop3A_286 : f32 to vector<16xf32>
        %parallel_loop3A_288 = arith.mulf %parallel_loop3A_285, %parallel_loop3A_287 : vector<16xf32>
        %parallel_loop3A_289 = arith.index_cast %parallel_loop3A_245 : i32 to index
        %parallel_loop3A_290 = arith.constant 48 : index
        %parallel_loop3A_291 = tpu.vector_load %arg7[%parallel_loop3A_289, %parallel_loop3A_290] {strides = array<i32>} : memref<128x128xf32, #tpu.memory_space<vmem>>, vector<1x16xf32>,
        %parallel_loop3A_292 = vector.shape_cast %parallel_loop3A_291 : vector<1x16xf32> to vector<16xf32>
        %parallel_loop3A_293 = vector.shape_cast %parallel_loop3A_288 : vector<16xf32> to vector<1x16xf32>
        tpu.vector_store %arg7[%parallel_loop3A_289, %parallel_loop3A_290], %parallel_loop3A_293 {strides = array<i32>} : memref<128x128xf32, #tpu.memory_space<vmem>>, vector<1x16xf32>,
        %parallel_loop3A_294 = arith.index_cast %parallel_loop3A_245 : i32 to index
        %parallel_loop3A_295 = arith.constant 64 : index
        %parallel_loop3A_296 = tpu.vector_load %arg7[%parallel_loop3A_294, %parallel_loop3A_295] {strides = array<i32>} : memref<128x128xf32, #tpu.memory_space<vmem>>, vector<1x16xf32>,
        %parallel_loop3A_297 = vector.shape_cast %parallel_loop3A_296 : vector<1x16xf32> to vector<16xf32>
        %parallel_loop3A_298 = arith.constant 11.3137083 : f32
        %parallel_loop3A_299 = vector.broadcast %parallel_loop3A_298 : f32 to vector<16xf32>
        %parallel_loop3A_300 = arith.mulf %parallel_loop3A_297, %parallel_loop3A_299 : vector<16xf32>
        %parallel_loop3A_301 = arith.index_cast %parallel_loop3A_245 : i32 to index
        %parallel_loop3A_302 = arith.constant 64 : index
        %parallel_loop3A_303 = tpu.vector_load %arg7[%parallel_loop3A_301, %parallel_loop3A_302] {strides = array<i32>} : memref<128x128xf32, #tpu.memory_space<vmem>>, vector<1x16xf32>,
        %parallel_loop3A_304 = vector.shape_cast %parallel_loop3A_303 : vector<1x16xf32> to vector<16xf32>
        %parallel_loop3A_305 = vector.shape_cast %parallel_loop3A_300 : vector<16xf32> to vector<1x16xf32>
        tpu.vector_store %arg7[%parallel_loop3A_301, %parallel_loop3A_302], %parallel_loop3A_305 {strides = array<i32>} : memref<128x128xf32, #tpu.memory_space<vmem>>, vector<1x16xf32>,
        %parallel_loop3A_306 = arith.index_cast %parallel_loop3A_245 : i32 to index
        %parallel_loop3A_307 = arith.constant 80 : index
        %parallel_loop3A_308 = tpu.vector_load %arg7[%parallel_loop3A_306, %parallel_loop3A_307] {strides = array<i32>} : memref<128x128xf32, #tpu.memory_space<vmem>>, vector<1x16xf32>,
        %parallel_loop3A_309 = vector.shape_cast %parallel_loop3A_308 : vector<1x16xf32> to vector<16xf32>
        %parallel_loop3A_310 = arith.constant 11.3137083 : f32
        %parallel_loop3A_311 = vector.broadcast %parallel_loop3A_310 : f32 to vector<16xf32>
        %parallel_loop3A_312 = arith.mulf %parallel_loop3A_309, %parallel_loop3A_311 : vector<16xf32>
        %parallel_loop3A_313 = arith.index_cast %parallel_loop3A_245 : i32 to index
        %parallel_loop3A_314 = arith.constant 80 : index
        %parallel_loop3A_315 = tpu.vector_load %arg7[%parallel_loop3A_313, %parallel_loop3A_314] {strides = array<i32>} : memref<128x128xf32, #tpu.memory_space<vmem>>, vector<1x16xf32>,
        %parallel_loop3A_316 = vector.shape_cast %parallel_loop3A_315 : vector<1x16xf32> to vector<16xf32>
        %parallel_loop3A_317 = vector.shape_cast %parallel_loop3A_312 : vector<16xf32> to vector<1x16xf32>
        tpu.vector_store %arg7[%parallel_loop3A_313, %parallel_loop3A_314], %parallel_loop3A_317 {strides = array<i32>} : memref<128x128xf32, #tpu.memory_space<vmem>>, vector<1x16xf32>,
        %parallel_loop3A_318 = arith.index_cast %parallel_loop3A_245 : i32 to index
        %parallel_loop3A_319 = arith.constant 96 : index
        %parallel_loop3A_320 = tpu.vector_load %arg7[%parallel_loop3A_318, %parallel_loop3A_319] {strides = array<i32>} : memref<128x128xf32, #tpu.memory_space<vmem>>, vector<1x16xf32>,
        %parallel_loop3A_321 = vector.shape_cast %parallel_loop3A_320 : vector<1x16xf32> to vector<16xf32>
        %parallel_loop3A_322 = arith.constant 11.3137083 : f32
        %parallel_loop3A_323 = vector.broadcast %parallel_loop3A_322 : f32 to vector<16xf32>
        %parallel_loop3A_324 = arith.mulf %parallel_loop3A_321, %parallel_loop3A_323 : vector<16xf32>
        %parallel_loop3A_325 = arith.index_cast %parallel_loop3A_245 : i32 to index
        %parallel_loop3A_326 = arith.constant 96 : index
        %parallel_loop3A_327 = tpu.vector_load %arg7[%parallel_loop3A_325, %parallel_loop3A_326] {strides = array<i32>} : memref<128x128xf32, #tpu.memory_space<vmem>>, vector<1x16xf32>,
        %parallel_loop3A_328 = vector.shape_cast %parallel_loop3A_327 : vector<1x16xf32> to vector<16xf32>
        %parallel_loop3A_329 = vector.shape_cast %parallel_loop3A_324 : vector<16xf32> to vector<1x16xf32>
        tpu.vector_store %arg7[%parallel_loop3A_325, %parallel_loop3A_326], %parallel_loop3A_329 {strides = array<i32>} : memref<128x128xf32, #tpu.memory_space<vmem>>, vector<1x16xf32>,
        %parallel_loop3A_330 = arith.index_cast %parallel_loop3A_245 : i32 to index
        %parallel_loop3A_331 = arith.constant 112 : index
        %parallel_loop3A_332 = tpu.vector_load %arg7[%parallel_loop3A_330, %parallel_loop3A_331] {strides = array<i32>} : memref<128x128xf32, #tpu.memory_space<vmem>>, vector<1x16xf32>,
        %parallel_loop3A_333 = vector.shape_cast %parallel_loop3A_332 : vector<1x16xf32> to vector<16xf32>
        %parallel_loop3A_334 = arith.constant 11.3137083 : f32
        %parallel_loop3A_335 = vector.broadcast %parallel_loop3A_334 : f32 to vector<16xf32>
        %parallel_loop3A_336 = arith.mulf %parallel_loop3A_333, %parallel_loop3A_335 : vector<16xf32>
        %parallel_loop3A_337 = arith.index_cast %parallel_loop3A_245 : i32 to index
        %parallel_loop3A_338 = arith.constant 112 : index
        %parallel_loop3A_339 = tpu.vector_load %arg7[%parallel_loop3A_337, %parallel_loop3A_338] {strides = array<i32>} : memref<128x128xf32, #tpu.memory_space<vmem>>, vector<1x16xf32>,
        %parallel_loop3A_340 = vector.shape_cast %parallel_loop3A_339 : vector<1x16xf32> to vector<16xf32>
        %parallel_loop3A_341 = vector.shape_cast %parallel_loop3A_336 : vector<16xf32> to vector<1x16xf32>
        tpu.vector_store %arg7[%parallel_loop3A_337, %parallel_loop3A_338], %parallel_loop3A_341 {strides = array<i32>} : memref<128x128xf32, #tpu.memory_space<vmem>>, vector<1x16xf32>,
      } {sc.loop_unroll_factor = 4 : i64, sc.parallel_access}
      %mul3A_138 = arith.constant 128 : i32
      %mul3A_139 = arith.muli %add3A_121, %mul3A_138 : i32
      %add3A_140 = arith.addi %mul3A_2, %mul3A_139 : i32
      %dma_start3A_141 = arith.constant 0 : i32
      %dma_start3A_142 = tpu.memref_slice %arg4[%add3A_140, %dma_start3A_141] : memref<204800x128xf32, #tpu.memory_space<hbm>> -> memref<128x128xf32, #tpu.memory_space<hbm>>
      %dma_start3A_143 = arith.constant 0 : i32
      %dma_start3A_144 = tpu.memref_slice %arg4[%add3A_140, %dma_start3A_143] : memref<204800x128xf32, #tpu.memory_space<hbm>> -> memref<128x128xf32, #tpu.memory_space<hbm>>
      tpu.enqueue_dma source(%arg7 : memref<128x128xf32, #tpu.memory_space<vmem>>) target(%dma_start3A_144 : memref<128x128xf32, #tpu.memory_space<hbm>>) target_semaphore(%arg19 : memref<!tpu.dma_semaphore, #tpu.memory_space<semaphore_mem>>)
      %add3A_145 = arith.constant 2 : i32
      %add3A_146 = arith.addi %add3A_97, %add3A_145 : i32
      %add3A_147 = arith.constant 5 : i32
      %add3A_148 = arith.addi %add3A_146, %add3A_147 : i32
      %lt3A_149 = arith.constant 50 : i32
      %lt3A_150 = arith.cmpi slt, %add3A_148, %lt3A_149 : i32
      %convert_element_type3A_151 = arith.extui %lt3A_150 : i1 to i32
      %cond3A_152 = arith.constant 0 : i32
      %cond3A_153 = arith.cmpi ne, %convert_element_type3A_151, %cond3A_152 : i32
      scf.if %cond3A_153 {
        %ge3A = arith.constant 1 : i32
        %ge3A_245 = arith.cmpi sge, %add3A_146, %ge3A : i32
        %convert_element_type3A_246 = arith.extui %ge3A_245 : i1 to i32
        %cond3A_247 = arith.constant 0 : i32
        %cond3A_248 = arith.cmpi ne, %convert_element_type3A_246, %cond3A_247 : i32
        scf.if %cond3A_248 {
          %sub3A = arith.constant 1 : i32
          %sub3A_257 = arith.subi %add3A_146, %sub3A : i32
          %mul3A_258 = arith.constant 128 : i32
          %mul3A_259 = arith.muli %sub3A_257, %mul3A_258 : i32
          %add3A_260 = arith.addi %mul3A_2, %mul3A_259 : i32
          %dma_wait3A_261 = arith.constant 0 : i32
          %dma_wait3A_262 = tpu.memref_slice %arg4[%add3A_260, %dma_wait3A_261] : memref<204800x128xf32, #tpu.memory_space<hbm>> -> memref<128x128xf32, #tpu.memory_space<hbm>>
          %dma_wait3A_263 = arith.constant 0 : i32
          %dma_wait3A_264 = tpu.memref_slice %arg4[%add3A_260, %dma_wait3A_263] : memref<204800x128xf32, #tpu.memory_space<hbm>> -> memref<128x128xf32, #tpu.memory_space<hbm>>
          tpu.wait_dma2 semaphore(%arg19 : memref<!tpu.dma_semaphore, #tpu.memory_space<semaphore_mem>>) src(%arg7 : memref<128x128xf32, #tpu.memory_space<vmem>>) dst(%dma_wait3A_264 : memref<128x128xf32, #tpu.memory_space<hbm>>)
        } else {
        }
        %add3A_249 = arith.constant 5 : i32
        %add3A_250 = arith.addi %add3A_146, %add3A_249 : i32
        %mul3A_251 = arith.constant 128 : i32
        %mul3A_252 = arith.muli %add3A_250, %mul3A_251 : i32
        %dma_start3A_253 = tpu.memref_slice %arg5[%mul3A_252] : memref<6400xi32, #tpu.memory_space<vmem>> -> memref<128xi32, #tpu.memory_space<vmem>>
        %dma_start3A_254 = arith.constant 0 : i32
        %dma_start3A_255 = arith.constant 0 : i32
        %dma_start3A_256 = tpu.memref_slice %arg3[%dma_start3A_254, %dma_start3A_255] : memref<100000x128xf32, #tpu.memory_space<hbm>> -> memref<100000x128xf32, #tpu.memory_space<hbm>>
        tpu.enqueue_indirect_dma source(%dma_start3A_256 : memref<100000x128xf32, #tpu.memory_space<hbm>>) target(%arg7 : memref<128x128xf32, #tpu.memory_space<vmem>>) offsets(%dma_start3A_253 : memref<128xi32, #tpu.memory_space<vmem>>) semaphore(%arg13 : memref<!tpu.dma_semaphore, #tpu.memory_space<semaphore_mem>>)
      } else {
      }
      %mul3A_154 = arith.constant 128 : i32
      %mul3A_155 = arith.muli %add3A_146, %mul3A_154 : i32
      %dma_wait3A_156 = tpu.memref_slice %arg5[%mul3A_155] : memref<6400xi32, #tpu.memory_space<vmem>> -> memref<128xi32, #tpu.memory_space<vmem>>
      %dma_wait3A_157 = arith.constant 0 : i32
      %dma_wait3A_158 = arith.constant 0 : i32
      %dma_wait3A_159 = tpu.memref_slice %arg3[%dma_wait3A_157, %dma_wait3A_158] : memref<100000x128xf32, #tpu.memory_space<hbm>> -> memref<100000x128xf32, #tpu.memory_space<hbm>>
      tpu.wait_indirect_dma semaphore(%arg14 : memref<!tpu.dma_semaphore, #tpu.memory_space<semaphore_mem>>) src(%dma_wait3A_159 : memref<100000x128xf32, #tpu.memory_space<hbm>>) dst(%arg8 : memref<128x128xf32, #tpu.memory_space<vmem>>)
      %parallel_loop3A_160 = arith.constant 0 : i32
      %parallel_loop3A_161 = arith.constant 128 : i32
      %parallel_loop3A_162 = arith.constant 1 : i32
      scf.for %parallel_loop3A_245 = %parallel_loop3A_160 to %parallel_loop3A_161 step %parallel_loop3A_162  : i32 {
        %parallel_loop3A_246 = arith.index_cast %parallel_loop3A_245 : i32 to index
        %parallel_loop3A_247 = arith.constant 0 : index
        %parallel_loop3A_248 = tpu.vector_load %arg8[%parallel_loop3A_246, %parallel_loop3A_247] {strides = array<i32>} : memref<128x128xf32, #tpu.memory_space<vmem>>, vector<1x16xf32>,
        %parallel_loop3A_249 = vector.shape_cast %parallel_loop3A_248 : vector<1x16xf32> to vector<16xf32>
        %parallel_loop3A_250 = arith.constant 11.3137083 : f32
        %parallel_loop3A_251 = vector.broadcast %parallel_loop3A_250 : f32 to vector<16xf32>
        %parallel_loop3A_252 = arith.mulf %parallel_loop3A_249, %parallel_loop3A_251 : vector<16xf32>
        %parallel_loop3A_253 = arith.index_cast %parallel_loop3A_245 : i32 to index
        %parallel_loop3A_254 = arith.constant 0 : index
        %parallel_loop3A_255 = tpu.vector_load %arg8[%parallel_loop3A_253, %parallel_loop3A_254] {strides = array<i32>} : memref<128x128xf32, #tpu.memory_space<vmem>>, vector<1x16xf32>,
        %parallel_loop3A_256 = vector.shape_cast %parallel_loop3A_255 : vector<1x16xf32> to vector<16xf32>
        %parallel_loop3A_257 = vector.shape_cast %parallel_loop3A_252 : vector<16xf32> to vector<1x16xf32>
        tpu.vector_store %arg8[%parallel_loop3A_253, %parallel_loop3A_254], %parallel_loop3A_257 {strides = array<i32>} : memref<128x128xf32, #tpu.memory_space<vmem>>, vector<1x16xf32>,
        %parallel_loop3A_258 = arith.index_cast %parallel_loop3A_245 : i32 to index
        %parallel_loop3A_259 = arith.constant 16 : index
        %parallel_loop3A_260 = tpu.vector_load %arg8[%parallel_loop3A_258, %parallel_loop3A_259] {strides = array<i32>} : memref<128x128xf32, #tpu.memory_space<vmem>>, vector<1x16xf32>,
        %parallel_loop3A_261 = vector.shape_cast %parallel_loop3A_260 : vector<1x16xf32> to vector<16xf32>
        %parallel_loop3A_262 = arith.constant 11.3137083 : f32
        %parallel_loop3A_263 = vector.broadcast %parallel_loop3A_262 : f32 to vector<16xf32>
        %parallel_loop3A_264 = arith.mulf %parallel_loop3A_261, %parallel_loop3A_263 : vector<16xf32>
        %parallel_loop3A_265 = arith.index_cast %parallel_loop3A_245 : i32 to index
        %parallel_loop3A_266 = arith.constant 16 : index
        %parallel_loop3A_267 = tpu.vector_load %arg8[%parallel_loop3A_265, %parallel_loop3A_266] {strides = array<i32>} : memref<128x128xf32, #tpu.memory_space<vmem>>, vector<1x16xf32>,
        %parallel_loop3A_268 = vector.shape_cast %parallel_loop3A_267 : vector<1x16xf32> to vector<16xf32>
        %parallel_loop3A_269 = vector.shape_cast %parallel_loop3A_264 : vector<16xf32> to vector<1x16xf32>
        tpu.vector_store %arg8[%parallel_loop3A_265, %parallel_loop3A_266], %parallel_loop3A_269 {strides = array<i32>} : memref<128x128xf32, #tpu.memory_space<vmem>>, vector<1x16xf32>,
        %parallel_loop3A_270 = arith.index_cast %parallel_loop3A_245 : i32 to index
        %parallel_loop3A_271 = arith.constant 32 : index
        %parallel_loop3A_272 = tpu.vector_load %arg8[%parallel_loop3A_270, %parallel_loop3A_271] {strides = array<i32>} : memref<128x128xf32, #tpu.memory_space<vmem>>, vector<1x16xf32>,
        %parallel_loop3A_273 = vector.shape_cast %parallel_loop3A_272 : vector<1x16xf32> to vector<16xf32>
        %parallel_loop3A_274 = arith.constant 11.3137083 : f32
        %parallel_loop3A_275 = vector.broadcast %parallel_loop3A_274 : f32 to vector<16xf32>
        %parallel_loop3A_276 = arith.mulf %parallel_loop3A_273, %parallel_loop3A_275 : vector<16xf32>
        %parallel_loop3A_277 = arith.index_cast %parallel_loop3A_245 : i32 to index
        %parallel_loop3A_278 = arith.constant 32 : index
        %parallel_loop3A_279 = tpu.vector_load %arg8[%parallel_loop3A_277, %parallel_loop3A_278] {strides = array<i32>} : memref<128x128xf32, #tpu.memory_space<vmem>>, vector<1x16xf32>,
        %parallel_loop3A_280 = vector.shape_cast %parallel_loop3A_279 : vector<1x16xf32> to vector<16xf32>
        %parallel_loop3A_281 = vector.shape_cast %parallel_loop3A_276 : vector<16xf32> to vector<1x16xf32>
        tpu.vector_store %arg8[%parallel_loop3A_277, %parallel_loop3A_278], %parallel_loop3A_281 {strides = array<i32>} : memref<128x128xf32, #tpu.memory_space<vmem>>, vector<1x16xf32>,
        %parallel_loop3A_282 = arith.index_cast %parallel_loop3A_245 : i32 to index
        %parallel_loop3A_283 = arith.constant 48 : index
        %parallel_loop3A_284 = tpu.vector_load %arg8[%parallel_loop3A_282, %parallel_loop3A_283] {strides = array<i32>} : memref<128x128xf32, #tpu.memory_space<vmem>>, vector<1x16xf32>,
        %parallel_loop3A_285 = vector.shape_cast %parallel_loop3A_284 : vector<1x16xf32> to vector<16xf32>
        %parallel_loop3A_286 = arith.constant 11.3137083 : f32
        %parallel_loop3A_287 = vector.broadcast %parallel_loop3A_286 : f32 to vector<16xf32>
        %parallel_loop3A_288 = arith.mulf %parallel_loop3A_285, %parallel_loop3A_287 : vector<16xf32>
        %parallel_loop3A_289 = arith.index_cast %parallel_loop3A_245 : i32 to index
        %parallel_loop3A_290 = arith.constant 48 : index
        %parallel_loop3A_291 = tpu.vector_load %arg8[%parallel_loop3A_289, %parallel_loop3A_290] {strides = array<i32>} : memref<128x128xf32, #tpu.memory_space<vmem>>, vector<1x16xf32>,
        %parallel_loop3A_292 = vector.shape_cast %parallel_loop3A_291 : vector<1x16xf32> to vector<16xf32>
        %parallel_loop3A_293 = vector.shape_cast %parallel_loop3A_288 : vector<16xf32> to vector<1x16xf32>
        tpu.vector_store %arg8[%parallel_loop3A_289, %parallel_loop3A_290], %parallel_loop3A_293 {strides = array<i32>} : memref<128x128xf32, #tpu.memory_space<vmem>>, vector<1x16xf32>,
        %parallel_loop3A_294 = arith.index_cast %parallel_loop3A_245 : i32 to index
        %parallel_loop3A_295 = arith.constant 64 : index
        %parallel_loop3A_296 = tpu.vector_load %arg8[%parallel_loop3A_294, %parallel_loop3A_295] {strides = array<i32>} : memref<128x128xf32, #tpu.memory_space<vmem>>, vector<1x16xf32>,
        %parallel_loop3A_297 = vector.shape_cast %parallel_loop3A_296 : vector<1x16xf32> to vector<16xf32>
        %parallel_loop3A_298 = arith.constant 11.3137083 : f32
        %parallel_loop3A_299 = vector.broadcast %parallel_loop3A_298 : f32 to vector<16xf32>
        %parallel_loop3A_300 = arith.mulf %parallel_loop3A_297, %parallel_loop3A_299 : vector<16xf32>
        %parallel_loop3A_301 = arith.index_cast %parallel_loop3A_245 : i32 to index
        %parallel_loop3A_302 = arith.constant 64 : index
        %parallel_loop3A_303 = tpu.vector_load %arg8[%parallel_loop3A_301, %parallel_loop3A_302] {strides = array<i32>} : memref<128x128xf32, #tpu.memory_space<vmem>>, vector<1x16xf32>,
        %parallel_loop3A_304 = vector.shape_cast %parallel_loop3A_303 : vector<1x16xf32> to vector<16xf32>
        %parallel_loop3A_305 = vector.shape_cast %parallel_loop3A_300 : vector<16xf32> to vector<1x16xf32>
        tpu.vector_store %arg8[%parallel_loop3A_301, %parallel_loop3A_302], %parallel_loop3A_305 {strides = array<i32>} : memref<128x128xf32, #tpu.memory_space<vmem>>, vector<1x16xf32>,
        %parallel_loop3A_306 = arith.index_cast %parallel_loop3A_245 : i32 to index
        %parallel_loop3A_307 = arith.constant 80 : index
        %parallel_loop3A_308 = tpu.vector_load %arg8[%parallel_loop3A_306, %parallel_loop3A_307] {strides = array<i32>} : memref<128x128xf32, #tpu.memory_space<vmem>>, vector<1x16xf32>,
        %parallel_loop3A_309 = vector.shape_cast %parallel_loop3A_308 : vector<1x16xf32> to vector<16xf32>
        %parallel_loop3A_310 = arith.constant 11.3137083 : f32
        %parallel_loop3A_311 = vector.broadcast %parallel_loop3A_310 : f32 to vector<16xf32>
        %parallel_loop3A_312 = arith.mulf %parallel_loop3A_309, %parallel_loop3A_311 : vector<16xf32>
        %parallel_loop3A_313 = arith.index_cast %parallel_loop3A_245 : i32 to index
        %parallel_loop3A_314 = arith.constant 80 : index
        %parallel_loop3A_315 = tpu.vector_load %arg8[%parallel_loop3A_313, %parallel_loop3A_314] {strides = array<i32>} : memref<128x128xf32, #tpu.memory_space<vmem>>, vector<1x16xf32>,
        %parallel_loop3A_316 = vector.shape_cast %parallel_loop3A_315 : vector<1x16xf32> to vector<16xf32>
        %parallel_loop3A_317 = vector.shape_cast %parallel_loop3A_312 : vector<16xf32> to vector<1x16xf32>
        tpu.vector_store %arg8[%parallel_loop3A_313, %parallel_loop3A_314], %parallel_loop3A_317 {strides = array<i32>} : memref<128x128xf32, #tpu.memory_space<vmem>>, vector<1x16xf32>,
        %parallel_loop3A_318 = arith.index_cast %parallel_loop3A_245 : i32 to index
        %parallel_loop3A_319 = arith.constant 96 : index
        %parallel_loop3A_320 = tpu.vector_load %arg8[%parallel_loop3A_318, %parallel_loop3A_319] {strides = array<i32>} : memref<128x128xf32, #tpu.memory_space<vmem>>, vector<1x16xf32>,
        %parallel_loop3A_321 = vector.shape_cast %parallel_loop3A_320 : vector<1x16xf32> to vector<16xf32>
        %parallel_loop3A_322 = arith.constant 11.3137083 : f32
        %parallel_loop3A_323 = vector.broadcast %parallel_loop3A_322 : f32 to vector<16xf32>
        %parallel_loop3A_324 = arith.mulf %parallel_loop3A_321, %parallel_loop3A_323 : vector<16xf32>
        %parallel_loop3A_325 = arith.index_cast %parallel_loop3A_245 : i32 to index
        %parallel_loop3A_326 = arith.constant 96 : index
        %parallel_loop3A_327 = tpu.vector_load %arg8[%parallel_loop3A_325, %parallel_loop3A_326] {strides = array<i32>} : memref<128x128xf32, #tpu.memory_space<vmem>>, vector<1x16xf32>,
        %parallel_loop3A_328 = vector.shape_cast %parallel_loop3A_327 : vector<1x16xf32> to vector<16xf32>
        %parallel_loop3A_329 = vector.shape_cast %parallel_loop3A_324 : vector<16xf32> to vector<1x16xf32>
        tpu.vector_store %arg8[%parallel_loop3A_325, %parallel_loop3A_326], %parallel_loop3A_329 {strides = array<i32>} : memref<128x128xf32, #tpu.memory_space<vmem>>, vector<1x16xf32>,
        %parallel_loop3A_330 = arith.index_cast %parallel_loop3A_245 : i32 to index
        %parallel_loop3A_331 = arith.constant 112 : index
        %parallel_loop3A_332 = tpu.vector_load %arg8[%parallel_loop3A_330, %parallel_loop3A_331] {strides = array<i32>} : memref<128x128xf32, #tpu.memory_space<vmem>>, vector<1x16xf32>,
        %parallel_loop3A_333 = vector.shape_cast %parallel_loop3A_332 : vector<1x16xf32> to vector<16xf32>
        %parallel_loop3A_334 = arith.constant 11.3137083 : f32
        %parallel_loop3A_335 = vector.broadcast %parallel_loop3A_334 : f32 to vector<16xf32>
        %parallel_loop3A_336 = arith.mulf %parallel_loop3A_333, %parallel_loop3A_335 : vector<16xf32>
        %parallel_loop3A_337 = arith.index_cast %parallel_loop3A_245 : i32 to index
        %parallel_loop3A_338 = arith.constant 112 : index
        %parallel_loop3A_339 = tpu.vector_load %arg8[%parallel_loop3A_337, %parallel_loop3A_338] {strides = array<i32>} : memref<128x128xf32, #tpu.memory_space<vmem>>, vector<1x16xf32>,
        %parallel_loop3A_340 = vector.shape_cast %parallel_loop3A_339 : vector<1x16xf32> to vector<16xf32>
        %parallel_loop3A_341 = vector.shape_cast %parallel_loop3A_336 : vector<16xf32> to vector<1x16xf32>
        tpu.vector_store %arg8[%parallel_loop3A_337, %parallel_loop3A_338], %parallel_loop3A_341 {strides = array<i32>} : memref<128x128xf32, #tpu.memory_space<vmem>>, vector<1x16xf32>,
      } {sc.loop_unroll_factor = 4 : i64, sc.parallel_access}
      %mul3A_163 = arith.constant 128 : i32
      %mul3A_164 = arith.muli %add3A_146, %mul3A_163 : i32
      %add3A_165 = arith.addi %mul3A_2, %mul3A_164 : i32
      %dma_start3A_166 = arith.constant 0 : i32
      %dma_start3A_167 = tpu.memref_slice %arg4[%add3A_165, %dma_start3A_166] : memref<204800x128xf32, #tpu.memory_space<hbm>> -> memref<128x128xf32, #tpu.memory_space<hbm>>
      %dma_start3A_168 = arith.constant 0 : i32
      %dma_start3A_169 = tpu.memref_slice %arg4[%add3A_165, %dma_start3A_168] : memref<204800x128xf32, #tpu.memory_space<hbm>> -> memref<128x128xf32, #tpu.memory_space<hbm>>
      tpu.enqueue_dma source(%arg8 : memref<128x128xf32, #tpu.memory_space<vmem>>) target(%dma_start3A_169 : memref<128x128xf32, #tpu.memory_space<hbm>>) target_semaphore(%arg20 : memref<!tpu.dma_semaphore, #tpu.memory_space<semaphore_mem>>)
      %add3A_170 = arith.constant 3 : i32
      %add3A_171 = arith.addi %add3A_97, %add3A_170 : i32
      %add3A_172 = arith.constant 5 : i32
      %add3A_173 = arith.addi %add3A_171, %add3A_172 : i32
      %lt3A_174 = arith.constant 50 : i32
      %lt3A_175 = arith.cmpi slt, %add3A_173, %lt3A_174 : i32
      %convert_element_type3A_176 = arith.extui %lt3A_175 : i1 to i32
      %cond3A_177 = arith.constant 0 : i32
      %cond3A_178 = arith.cmpi ne, %convert_element_type3A_176, %cond3A_177 : i32
      scf.if %cond3A_178 {
        %ge3A = arith.constant 1 : i32
        %ge3A_245 = arith.cmpi sge, %add3A_171, %ge3A : i32
        %convert_element_type3A_246 = arith.extui %ge3A_245 : i1 to i32
        %cond3A_247 = arith.constant 0 : i32
        %cond3A_248 = arith.cmpi ne, %convert_element_type3A_246, %cond3A_247 : i32
        scf.if %cond3A_248 {
          %sub3A = arith.constant 1 : i32
          %sub3A_257 = arith.subi %add3A_171, %sub3A : i32
          %mul3A_258 = arith.constant 128 : i32
          %mul3A_259 = arith.muli %sub3A_257, %mul3A_258 : i32
          %add3A_260 = arith.addi %mul3A_2, %mul3A_259 : i32
          %dma_wait3A_261 = arith.constant 0 : i32
          %dma_wait3A_262 = tpu.memref_slice %arg4[%add3A_260, %dma_wait3A_261] : memref<204800x128xf32, #tpu.memory_space<hbm>> -> memref<128x128xf32, #tpu.memory_space<hbm>>
          %dma_wait3A_263 = arith.constant 0 : i32
          %dma_wait3A_264 = tpu.memref_slice %arg4[%add3A_260, %dma_wait3A_263] : memref<204800x128xf32, #tpu.memory_space<hbm>> -> memref<128x128xf32, #tpu.memory_space<hbm>>
          tpu.wait_dma2 semaphore(%arg20 : memref<!tpu.dma_semaphore, #tpu.memory_space<semaphore_mem>>) src(%arg8 : memref<128x128xf32, #tpu.memory_space<vmem>>) dst(%dma_wait3A_264 : memref<128x128xf32, #tpu.memory_space<hbm>>)
        } else {
        }
        %add3A_249 = arith.constant 5 : i32
        %add3A_250 = arith.addi %add3A_171, %add3A_249 : i32
        %mul3A_251 = arith.constant 128 : i32
        %mul3A_252 = arith.muli %add3A_250, %mul3A_251 : i32
        %dma_start3A_253 = tpu.memref_slice %arg5[%mul3A_252] : memref<6400xi32, #tpu.memory_space<vmem>> -> memref<128xi32, #tpu.memory_space<vmem>>
        %dma_start3A_254 = arith.constant 0 : i32
        %dma_start3A_255 = arith.constant 0 : i32
        %dma_start3A_256 = tpu.memref_slice %arg3[%dma_start3A_254, %dma_start3A_255] : memref<100000x128xf32, #tpu.memory_space<hbm>> -> memref<100000x128xf32, #tpu.memory_space<hbm>>
        tpu.enqueue_indirect_dma source(%dma_start3A_256 : memref<100000x128xf32, #tpu.memory_space<hbm>>) target(%arg8 : memref<128x128xf32, #tpu.memory_space<vmem>>) offsets(%dma_start3A_253 : memref<128xi32, #tpu.memory_space<vmem>>) semaphore(%arg14 : memref<!tpu.dma_semaphore, #tpu.memory_space<semaphore_mem>>)
      } else {
      }
      %mul3A_179 = arith.constant 128 : i32
      %mul3A_180 = arith.muli %add3A_171, %mul3A_179 : i32
      %dma_wait3A_181 = tpu.memref_slice %arg5[%mul3A_180] : memref<6400xi32, #tpu.memory_space<vmem>> -> memref<128xi32, #tpu.memory_space<vmem>>
      %dma_wait3A_182 = arith.constant 0 : i32
      %dma_wait3A_183 = arith.constant 0 : i32
      %dma_wait3A_184 = tpu.memref_slice %arg3[%dma_wait3A_182, %dma_wait3A_183] : memref<100000x128xf32, #tpu.memory_space<hbm>> -> memref<100000x128xf32, #tpu.memory_space<hbm>>
      tpu.wait_indirect_dma semaphore(%arg15 : memref<!tpu.dma_semaphore, #tpu.memory_space<semaphore_mem>>) src(%dma_wait3A_184 : memref<100000x128xf32, #tpu.memory_space<hbm>>) dst(%arg9 : memref<128x128xf32, #tpu.memory_space<vmem>>)
      %parallel_loop3A_185 = arith.constant 0 : i32
      %parallel_loop3A_186 = arith.constant 128 : i32
      %parallel_loop3A_187 = arith.constant 1 : i32
      scf.for %parallel_loop3A_245 = %parallel_loop3A_185 to %parallel_loop3A_186 step %parallel_loop3A_187  : i32 {
        %parallel_loop3A_246 = arith.index_cast %parallel_loop3A_245 : i32 to index
        %parallel_loop3A_247 = arith.constant 0 : index
        %parallel_loop3A_248 = tpu.vector_load %arg9[%parallel_loop3A_246, %parallel_loop3A_247] {strides = array<i32>} : memref<128x128xf32, #tpu.memory_space<vmem>>, vector<1x16xf32>,
        %parallel_loop3A_249 = vector.shape_cast %parallel_loop3A_248 : vector<1x16xf32> to vector<16xf32>
        %parallel_loop3A_250 = arith.constant 11.3137083 : f32
        %parallel_loop3A_251 = vector.broadcast %parallel_loop3A_250 : f32 to vector<16xf32>
        %parallel_loop3A_252 = arith.mulf %parallel_loop3A_249, %parallel_loop3A_251 : vector<16xf32>
        %parallel_loop3A_253 = arith.index_cast %parallel_loop3A_245 : i32 to index
        %parallel_loop3A_254 = arith.constant 0 : index
        %parallel_loop3A_255 = tpu.vector_load %arg9[%parallel_loop3A_253, %parallel_loop3A_254] {strides = array<i32>} : memref<128x128xf32, #tpu.memory_space<vmem>>, vector<1x16xf32>,
        %parallel_loop3A_256 = vector.shape_cast %parallel_loop3A_255 : vector<1x16xf32> to vector<16xf32>
        %parallel_loop3A_257 = vector.shape_cast %parallel_loop3A_252 : vector<16xf32> to vector<1x16xf32>
        tpu.vector_store %arg9[%parallel_loop3A_253, %parallel_loop3A_254], %parallel_loop3A_257 {strides = array<i32>} : memref<128x128xf32, #tpu.memory_space<vmem>>, vector<1x16xf32>,
        %parallel_loop3A_258 = arith.index_cast %parallel_loop3A_245 : i32 to index
        %parallel_loop3A_259 = arith.constant 16 : index
        %parallel_loop3A_260 = tpu.vector_load %arg9[%parallel_loop3A_258, %parallel_loop3A_259] {strides = array<i32>} : memref<128x128xf32, #tpu.memory_space<vmem>>, vector<1x16xf32>,
        %parallel_loop3A_261 = vector.shape_cast %parallel_loop3A_260 : vector<1x16xf32> to vector<16xf32>
        %parallel_loop3A_262 = arith.constant 11.3137083 : f32
        %parallel_loop3A_263 = vector.broadcast %parallel_loop3A_262 : f32 to vector<16xf32>
        %parallel_loop3A_264 = arith.mulf %parallel_loop3A_261, %parallel_loop3A_263 : vector<16xf32>
        %parallel_loop3A_265 = arith.index_cast %parallel_loop3A_245 : i32 to index
        %parallel_loop3A_266 = arith.constant 16 : index
        %parallel_loop3A_267 = tpu.vector_load %arg9[%parallel_loop3A_265, %parallel_loop3A_266] {strides = array<i32>} : memref<128x128xf32, #tpu.memory_space<vmem>>, vector<1x16xf32>,
        %parallel_loop3A_268 = vector.shape_cast %parallel_loop3A_267 : vector<1x16xf32> to vector<16xf32>
        %parallel_loop3A_269 = vector.shape_cast %parallel_loop3A_264 : vector<16xf32> to vector<1x16xf32>
        tpu.vector_store %arg9[%parallel_loop3A_265, %parallel_loop3A_266], %parallel_loop3A_269 {strides = array<i32>} : memref<128x128xf32, #tpu.memory_space<vmem>>, vector<1x16xf32>,
        %parallel_loop3A_270 = arith.index_cast %parallel_loop3A_245 : i32 to index
        %parallel_loop3A_271 = arith.constant 32 : index
        %parallel_loop3A_272 = tpu.vector_load %arg9[%parallel_loop3A_270, %parallel_loop3A_271] {strides = array<i32>} : memref<128x128xf32, #tpu.memory_space<vmem>>, vector<1x16xf32>,
        %parallel_loop3A_273 = vector.shape_cast %parallel_loop3A_272 : vector<1x16xf32> to vector<16xf32>
        %parallel_loop3A_274 = arith.constant 11.3137083 : f32
        %parallel_loop3A_275 = vector.broadcast %parallel_loop3A_274 : f32 to vector<16xf32>
        %parallel_loop3A_276 = arith.mulf %parallel_loop3A_273, %parallel_loop3A_275 : vector<16xf32>
        %parallel_loop3A_277 = arith.index_cast %parallel_loop3A_245 : i32 to index
        %parallel_loop3A_278 = arith.constant 32 : index
        %parallel_loop3A_279 = tpu.vector_load %arg9[%parallel_loop3A_277, %parallel_loop3A_278] {strides = array<i32>} : memref<128x128xf32, #tpu.memory_space<vmem>>, vector<1x16xf32>,
        %parallel_loop3A_280 = vector.shape_cast %parallel_loop3A_279 : vector<1x16xf32> to vector<16xf32>
        %parallel_loop3A_281 = vector.shape_cast %parallel_loop3A_276 : vector<16xf32> to vector<1x16xf32>
        tpu.vector_store %arg9[%parallel_loop3A_277, %parallel_loop3A_278], %parallel_loop3A_281 {strides = array<i32>} : memref<128x128xf32, #tpu.memory_space<vmem>>, vector<1x16xf32>,
        %parallel_loop3A_282 = arith.index_cast %parallel_loop3A_245 : i32 to index
        %parallel_loop3A_283 = arith.constant 48 : index
        %parallel_loop3A_284 = tpu.vector_load %arg9[%parallel_loop3A_282, %parallel_loop3A_283] {strides = array<i32>} : memref<128x128xf32, #tpu.memory_space<vmem>>, vector<1x16xf32>,
        %parallel_loop3A_285 = vector.shape_cast %parallel_loop3A_284 : vector<1x16xf32> to vector<16xf32>
        %parallel_loop3A_286 = arith.constant 11.3137083 : f32
        %parallel_loop3A_287 = vector.broadcast %parallel_loop3A_286 : f32 to vector<16xf32>
        %parallel_loop3A_288 = arith.mulf %parallel_loop3A_285, %parallel_loop3A_287 : vector<16xf32>
        %parallel_loop3A_289 = arith.index_cast %parallel_loop3A_245 : i32 to index
        %parallel_loop3A_290 = arith.constant 48 : index
        %parallel_loop3A_291 = tpu.vector_load %arg9[%parallel_loop3A_289, %parallel_loop3A_290] {strides = array<i32>} : memref<128x128xf32, #tpu.memory_space<vmem>>, vector<1x16xf32>,
        %parallel_loop3A_292 = vector.shape_cast %parallel_loop3A_291 : vector<1x16xf32> to vector<16xf32>
        %parallel_loop3A_293 = vector.shape_cast %parallel_loop3A_288 : vector<16xf32> to vector<1x16xf32>
        tpu.vector_store %arg9[%parallel_loop3A_289, %parallel_loop3A_290], %parallel_loop3A_293 {strides = array<i32>} : memref<128x128xf32, #tpu.memory_space<vmem>>, vector<1x16xf32>,
        %parallel_loop3A_294 = arith.index_cast %parallel_loop3A_245 : i32 to index
        %parallel_loop3A_295 = arith.constant 64 : index
        %parallel_loop3A_296 = tpu.vector_load %arg9[%parallel_loop3A_294, %parallel_loop3A_295] {strides = array<i32>} : memref<128x128xf32, #tpu.memory_space<vmem>>, vector<1x16xf32>,
        %parallel_loop3A_297 = vector.shape_cast %parallel_loop3A_296 : vector<1x16xf32> to vector<16xf32>
        %parallel_loop3A_298 = arith.constant 11.3137083 : f32
        %parallel_loop3A_299 = vector.broadcast %parallel_loop3A_298 : f32 to vector<16xf32>
        %parallel_loop3A_300 = arith.mulf %parallel_loop3A_297, %parallel_loop3A_299 : vector<16xf32>
        %parallel_loop3A_301 = arith.index_cast %parallel_loop3A_245 : i32 to index
        %parallel_loop3A_302 = arith.constant 64 : index
        %parallel_loop3A_303 = tpu.vector_load %arg9[%parallel_loop3A_301, %parallel_loop3A_302] {strides = array<i32>} : memref<128x128xf32, #tpu.memory_space<vmem>>, vector<1x16xf32>,
        %parallel_loop3A_304 = vector.shape_cast %parallel_loop3A_303 : vector<1x16xf32> to vector<16xf32>
        %parallel_loop3A_305 = vector.shape_cast %parallel_loop3A_300 : vector<16xf32> to vector<1x16xf32>
        tpu.vector_store %arg9[%parallel_loop3A_301, %parallel_loop3A_302], %parallel_loop3A_305 {strides = array<i32>} : memref<128x128xf32, #tpu.memory_space<vmem>>, vector<1x16xf32>,
        %parallel_loop3A_306 = arith.index_cast %parallel_loop3A_245 : i32 to index
        %parallel_loop3A_307 = arith.constant 80 : index
        %parallel_loop3A_308 = tpu.vector_load %arg9[%parallel_loop3A_306, %parallel_loop3A_307] {strides = array<i32>} : memref<128x128xf32, #tpu.memory_space<vmem>>, vector<1x16xf32>,
        %parallel_loop3A_309 = vector.shape_cast %parallel_loop3A_308 : vector<1x16xf32> to vector<16xf32>
        %parallel_loop3A_310 = arith.constant 11.3137083 : f32
        %parallel_loop3A_311 = vector.broadcast %parallel_loop3A_310 : f32 to vector<16xf32>
        %parallel_loop3A_312 = arith.mulf %parallel_loop3A_309, %parallel_loop3A_311 : vector<16xf32>
        %parallel_loop3A_313 = arith.index_cast %parallel_loop3A_245 : i32 to index
        %parallel_loop3A_314 = arith.constant 80 : index
        %parallel_loop3A_315 = tpu.vector_load %arg9[%parallel_loop3A_313, %parallel_loop3A_314] {strides = array<i32>} : memref<128x128xf32, #tpu.memory_space<vmem>>, vector<1x16xf32>,
        %parallel_loop3A_316 = vector.shape_cast %parallel_loop3A_315 : vector<1x16xf32> to vector<16xf32>
        %parallel_loop3A_317 = vector.shape_cast %parallel_loop3A_312 : vector<16xf32> to vector<1x16xf32>
        tpu.vector_store %arg9[%parallel_loop3A_313, %parallel_loop3A_314], %parallel_loop3A_317 {strides = array<i32>} : memref<128x128xf32, #tpu.memory_space<vmem>>, vector<1x16xf32>,
        %parallel_loop3A_318 = arith.index_cast %parallel_loop3A_245 : i32 to index
        %parallel_loop3A_319 = arith.constant 96 : index
        %parallel_loop3A_320 = tpu.vector_load %arg9[%parallel_loop3A_318, %parallel_loop3A_319] {strides = array<i32>} : memref<128x128xf32, #tpu.memory_space<vmem>>, vector<1x16xf32>,
        %parallel_loop3A_321 = vector.shape_cast %parallel_loop3A_320 : vector<1x16xf32> to vector<16xf32>
        %parallel_loop3A_322 = arith.constant 11.3137083 : f32
        %parallel_loop3A_323 = vector.broadcast %parallel_loop3A_322 : f32 to vector<16xf32>
        %parallel_loop3A_324 = arith.mulf %parallel_loop3A_321, %parallel_loop3A_323 : vector<16xf32>
        %parallel_loop3A_325 = arith.index_cast %parallel_loop3A_245 : i32 to index
        %parallel_loop3A_326 = arith.constant 96 : index
        %parallel_loop3A_327 = tpu.vector_load %arg9[%parallel_loop3A_325, %parallel_loop3A_326] {strides = array<i32>} : memref<128x128xf32, #tpu.memory_space<vmem>>, vector<1x16xf32>,
        %parallel_loop3A_328 = vector.shape_cast %parallel_loop3A_327 : vector<1x16xf32> to vector<16xf32>
        %parallel_loop3A_329 = vector.shape_cast %parallel_loop3A_324 : vector<16xf32> to vector<1x16xf32>
        tpu.vector_store %arg9[%parallel_loop3A_325, %parallel_loop3A_326], %parallel_loop3A_329 {strides = array<i32>} : memref<128x128xf32, #tpu.memory_space<vmem>>, vector<1x16xf32>,
        %parallel_loop3A_330 = arith.index_cast %parallel_loop3A_245 : i32 to index
        %parallel_loop3A_331 = arith.constant 112 : index
        %parallel_loop3A_332 = tpu.vector_load %arg9[%parallel_loop3A_330, %parallel_loop3A_331] {strides = array<i32>} : memref<128x128xf32, #tpu.memory_space<vmem>>, vector<1x16xf32>,
        %parallel_loop3A_333 = vector.shape_cast %parallel_loop3A_332 : vector<1x16xf32> to vector<16xf32>
        %parallel_loop3A_334 = arith.constant 11.3137083 : f32
        %parallel_loop3A_335 = vector.broadcast %parallel_loop3A_334 : f32 to vector<16xf32>
        %parallel_loop3A_336 = arith.mulf %parallel_loop3A_333, %parallel_loop3A_335 : vector<16xf32>
        %parallel_loop3A_337 = arith.index_cast %parallel_loop3A_245 : i32 to index
        %parallel_loop3A_338 = arith.constant 112 : index
        %parallel_loop3A_339 = tpu.vector_load %arg9[%parallel_loop3A_337, %parallel_loop3A_338] {strides = array<i32>} : memref<128x128xf32, #tpu.memory_space<vmem>>, vector<1x16xf32>,
        %parallel_loop3A_340 = vector.shape_cast %parallel_loop3A_339 : vector<1x16xf32> to vector<16xf32>
        %parallel_loop3A_341 = vector.shape_cast %parallel_loop3A_336 : vector<16xf32> to vector<1x16xf32>
        tpu.vector_store %arg9[%parallel_loop3A_337, %parallel_loop3A_338], %parallel_loop3A_341 {strides = array<i32>} : memref<128x128xf32, #tpu.memory_space<vmem>>, vector<1x16xf32>,
      } {sc.loop_unroll_factor = 4 : i64, sc.parallel_access}
      %mul3A_188 = arith.constant 128 : i32
      %mul3A_189 = arith.muli %add3A_171, %mul3A_188 : i32
      %add3A_190 = arith.addi %mul3A_2, %mul3A_189 : i32
      %dma_start3A_191 = arith.constant 0 : i32
      %dma_start3A_192 = tpu.memref_slice %arg4[%add3A_190, %dma_start3A_191] : memref<204800x128xf32, #tpu.memory_space<hbm>> -> memref<128x128xf32, #tpu.memory_space<hbm>>
      %dma_start3A_193 = arith.constant 0 : i32
      %dma_start3A_194 = tpu.memref_slice %arg4[%add3A_190, %dma_start3A_193] : memref<204800x128xf32, #tpu.memory_space<hbm>> -> memref<128x128xf32, #tpu.memory_space<hbm>>
      tpu.enqueue_dma source(%arg9 : memref<128x128xf32, #tpu.memory_space<vmem>>) target(%dma_start3A_194 : memref<128x128xf32, #tpu.memory_space<hbm>>) target_semaphore(%arg21 : memref<!tpu.dma_semaphore, #tpu.memory_space<semaphore_mem>>)
      %add3A_195 = arith.constant 4 : i32
      %add3A_196 = arith.addi %add3A_97, %add3A_195 : i32
      %add3A_197 = arith.constant 5 : i32
      %add3A_198 = arith.addi %add3A_196, %add3A_197 : i32
      %lt3A_199 = arith.constant 50 : i32
      %lt3A_200 = arith.cmpi slt, %add3A_198, %lt3A_199 : i32
      %convert_element_type3A_201 = arith.extui %lt3A_200 : i1 to i32
      %cond3A_202 = arith.constant 0 : i32
      %cond3A_203 = arith.cmpi ne, %convert_element_type3A_201, %cond3A_202 : i32
      scf.if %cond3A_203 {
        %ge3A = arith.constant 1 : i32
        %ge3A_245 = arith.cmpi sge, %add3A_196, %ge3A : i32
        %convert_element_type3A_246 = arith.extui %ge3A_245 : i1 to i32
        %cond3A_247 = arith.constant 0 : i32
        %cond3A_248 = arith.cmpi ne, %convert_element_type3A_246, %cond3A_247 : i32
        scf.if %cond3A_248 {
          %sub3A = arith.constant 1 : i32
          %sub3A_257 = arith.subi %add3A_196, %sub3A : i32
          %mul3A_258 = arith.constant 128 : i32
          %mul3A_259 = arith.muli %sub3A_257, %mul3A_258 : i32
          %add3A_260 = arith.addi %mul3A_2, %mul3A_259 : i32
          %dma_wait3A_261 = arith.constant 0 : i32
          %dma_wait3A_262 = tpu.memref_slice %arg4[%add3A_260, %dma_wait3A_261] : memref<204800x128xf32, #tpu.memory_space<hbm>> -> memref<128x128xf32, #tpu.memory_space<hbm>>
          %dma_wait3A_263 = arith.constant 0 : i32
          %dma_wait3A_264 = tpu.memref_slice %arg4[%add3A_260, %dma_wait3A_263] : memref<204800x128xf32, #tpu.memory_space<hbm>> -> memref<128x128xf32, #tpu.memory_space<hbm>>
          tpu.wait_dma2 semaphore(%arg21 : memref<!tpu.dma_semaphore, #tpu.memory_space<semaphore_mem>>) src(%arg9 : memref<128x128xf32, #tpu.memory_space<vmem>>) dst(%dma_wait3A_264 : memref<128x128xf32, #tpu.memory_space<hbm>>)
        } else {
        }
        %add3A_249 = arith.constant 5 : i32
        %add3A_250 = arith.addi %add3A_196, %add3A_249 : i32
        %mul3A_251 = arith.constant 128 : i32
        %mul3A_252 = arith.muli %add3A_250, %mul3A_251 : i32
        %dma_start3A_253 = tpu.memref_slice %arg5[%mul3A_252] : memref<6400xi32, #tpu.memory_space<vmem>> -> memref<128xi32, #tpu.memory_space<vmem>>
        %dma_start3A_254 = arith.constant 0 : i32
        %dma_start3A_255 = arith.constant 0 : i32
        %dma_start3A_256 = tpu.memref_slice %arg3[%dma_start3A_254, %dma_start3A_255] : memref<100000x128xf32, #tpu.memory_space<hbm>> -> memref<100000x128xf32, #tpu.memory_space<hbm>>
        tpu.enqueue_indirect_dma source(%dma_start3A_256 : memref<100000x128xf32, #tpu.memory_space<hbm>>) target(%arg9 : memref<128x128xf32, #tpu.memory_space<vmem>>) offsets(%dma_start3A_253 : memref<128xi32, #tpu.memory_space<vmem>>) semaphore(%arg15 : memref<!tpu.dma_semaphore, #tpu.memory_space<semaphore_mem>>)
      } else {
      }
      %mul3A_204 = arith.constant 128 : i32
      %mul3A_205 = arith.muli %add3A_196, %mul3A_204 : i32
      %dma_wait3A_206 = tpu.memref_slice %arg5[%mul3A_205] : memref<6400xi32, #tpu.memory_space<vmem>> -> memref<128xi32, #tpu.memory_space<vmem>>
      %dma_wait3A_207 = arith.constant 0 : i32
      %dma_wait3A_208 = arith.constant 0 : i32
      %dma_wait3A_209 = tpu.memref_slice %arg3[%dma_wait3A_207, %dma_wait3A_208] : memref<100000x128xf32, #tpu.memory_space<hbm>> -> memref<100000x128xf32, #tpu.memory_space<hbm>>
      tpu.wait_indirect_dma semaphore(%arg16 : memref<!tpu.dma_semaphore, #tpu.memory_space<semaphore_mem>>) src(%dma_wait3A_209 : memref<100000x128xf32, #tpu.memory_space<hbm>>) dst(%arg10 : memref<128x128xf32, #tpu.memory_space<vmem>>)
      %parallel_loop3A_210 = arith.constant 0 : i32
      %parallel_loop3A_211 = arith.constant 128 : i32
      %parallel_loop3A_212 = arith.constant 1 : i32
      scf.for %parallel_loop3A_245 = %parallel_loop3A_210 to %parallel_loop3A_211 step %parallel_loop3A_212  : i32 {
        %parallel_loop3A_246 = arith.index_cast %parallel_loop3A_245 : i32 to index
        %parallel_loop3A_247 = arith.constant 0 : index
        %parallel_loop3A_248 = tpu.vector_load %arg10[%parallel_loop3A_246, %parallel_loop3A_247] {strides = array<i32>} : memref<128x128xf32, #tpu.memory_space<vmem>>, vector<1x16xf32>,
        %parallel_loop3A_249 = vector.shape_cast %parallel_loop3A_248 : vector<1x16xf32> to vector<16xf32>
        %parallel_loop3A_250 = arith.constant 11.3137083 : f32
        %parallel_loop3A_251 = vector.broadcast %parallel_loop3A_250 : f32 to vector<16xf32>
        %parallel_loop3A_252 = arith.mulf %parallel_loop3A_249, %parallel_loop3A_251 : vector<16xf32>
        %parallel_loop3A_253 = arith.index_cast %parallel_loop3A_245 : i32 to index
        %parallel_loop3A_254 = arith.constant 0 : index
        %parallel_loop3A_255 = tpu.vector_load %arg10[%parallel_loop3A_253, %parallel_loop3A_254] {strides = array<i32>} : memref<128x128xf32, #tpu.memory_space<vmem>>, vector<1x16xf32>,
        %parallel_loop3A_256 = vector.shape_cast %parallel_loop3A_255 : vector<1x16xf32> to vector<16xf32>
        %parallel_loop3A_257 = vector.shape_cast %parallel_loop3A_252 : vector<16xf32> to vector<1x16xf32>
        tpu.vector_store %arg10[%parallel_loop3A_253, %parallel_loop3A_254], %parallel_loop3A_257 {strides = array<i32>} : memref<128x128xf32, #tpu.memory_space<vmem>>, vector<1x16xf32>,
        %parallel_loop3A_258 = arith.index_cast %parallel_loop3A_245 : i32 to index
        %parallel_loop3A_259 = arith.constant 16 : index
        %parallel_loop3A_260 = tpu.vector_load %arg10[%parallel_loop3A_258, %parallel_loop3A_259] {strides = array<i32>} : memref<128x128xf32, #tpu.memory_space<vmem>>, vector<1x16xf32>,
        %parallel_loop3A_261 = vector.shape_cast %parallel_loop3A_260 : vector<1x16xf32> to vector<16xf32>
        %parallel_loop3A_262 = arith.constant 11.3137083 : f32
        %parallel_loop3A_263 = vector.broadcast %parallel_loop3A_262 : f32 to vector<16xf32>
        %parallel_loop3A_264 = arith.mulf %parallel_loop3A_261, %parallel_loop3A_263 : vector<16xf32>
        %parallel_loop3A_265 = arith.index_cast %parallel_loop3A_245 : i32 to index
        %parallel_loop3A_266 = arith.constant 16 : index
        %parallel_loop3A_267 = tpu.vector_load %arg10[%parallel_loop3A_265, %parallel_loop3A_266] {strides = array<i32>} : memref<128x128xf32, #tpu.memory_space<vmem>>, vector<1x16xf32>,
        %parallel_loop3A_268 = vector.shape_cast %parallel_loop3A_267 : vector<1x16xf32> to vector<16xf32>
        %parallel_loop3A_269 = vector.shape_cast %parallel_loop3A_264 : vector<16xf32> to vector<1x16xf32>
        tpu.vector_store %arg10[%parallel_loop3A_265, %parallel_loop3A_266], %parallel_loop3A_269 {strides = array<i32>} : memref<128x128xf32, #tpu.memory_space<vmem>>, vector<1x16xf32>,
        %parallel_loop3A_270 = arith.index_cast %parallel_loop3A_245 : i32 to index
        %parallel_loop3A_271 = arith.constant 32 : index
        %parallel_loop3A_272 = tpu.vector_load %arg10[%parallel_loop3A_270, %parallel_loop3A_271] {strides = array<i32>} : memref<128x128xf32, #tpu.memory_space<vmem>>, vector<1x16xf32>,
        %parallel_loop3A_273 = vector.shape_cast %parallel_loop3A_272 : vector<1x16xf32> to vector<16xf32>
        %parallel_loop3A_274 = arith.constant 11.3137083 : f32
        %parallel_loop3A_275 = vector.broadcast %parallel_loop3A_274 : f32 to vector<16xf32>
        %parallel_loop3A_276 = arith.mulf %parallel_loop3A_273, %parallel_loop3A_275 : vector<16xf32>
        %parallel_loop3A_277 = arith.index_cast %parallel_loop3A_245 : i32 to index
        %parallel_loop3A_278 = arith.constant 32 : index
        %parallel_loop3A_279 = tpu.vector_load %arg10[%parallel_loop3A_277, %parallel_loop3A_278] {strides = array<i32>} : memref<128x128xf32, #tpu.memory_space<vmem>>, vector<1x16xf32>,
        %parallel_loop3A_280 = vector.shape_cast %parallel_loop3A_279 : vector<1x16xf32> to vector<16xf32>
        %parallel_loop3A_281 = vector.shape_cast %parallel_loop3A_276 : vector<16xf32> to vector<1x16xf32>
        tpu.vector_store %arg10[%parallel_loop3A_277, %parallel_loop3A_278], %parallel_loop3A_281 {strides = array<i32>} : memref<128x128xf32, #tpu.memory_space<vmem>>, vector<1x16xf32>,
        %parallel_loop3A_282 = arith.index_cast %parallel_loop3A_245 : i32 to index
        %parallel_loop3A_283 = arith.constant 48 : index
        %parallel_loop3A_284 = tpu.vector_load %arg10[%parallel_loop3A_282, %parallel_loop3A_283] {strides = array<i32>} : memref<128x128xf32, #tpu.memory_space<vmem>>, vector<1x16xf32>,
        %parallel_loop3A_285 = vector.shape_cast %parallel_loop3A_284 : vector<1x16xf32> to vector<16xf32>
        %parallel_loop3A_286 = arith.constant 11.3137083 : f32
        %parallel_loop3A_287 = vector.broadcast %parallel_loop3A_286 : f32 to vector<16xf32>
        %parallel_loop3A_288 = arith.mulf %parallel_loop3A_285, %parallel_loop3A_287 : vector<16xf32>
        %parallel_loop3A_289 = arith.index_cast %parallel_loop3A_245 : i32 to index
        %parallel_loop3A_290 = arith.constant 48 : index
        %parallel_loop3A_291 = tpu.vector_load %arg10[%parallel_loop3A_289, %parallel_loop3A_290] {strides = array<i32>} : memref<128x128xf32, #tpu.memory_space<vmem>>, vector<1x16xf32>,
        %parallel_loop3A_292 = vector.shape_cast %parallel_loop3A_291 : vector<1x16xf32> to vector<16xf32>
        %parallel_loop3A_293 = vector.shape_cast %parallel_loop3A_288 : vector<16xf32> to vector<1x16xf32>
        tpu.vector_store %arg10[%parallel_loop3A_289, %parallel_loop3A_290], %parallel_loop3A_293 {strides = array<i32>} : memref<128x128xf32, #tpu.memory_space<vmem>>, vector<1x16xf32>,
        %parallel_loop3A_294 = arith.index_cast %parallel_loop3A_245 : i32 to index
        %parallel_loop3A_295 = arith.constant 64 : index
        %parallel_loop3A_296 = tpu.vector_load %arg10[%parallel_loop3A_294, %parallel_loop3A_295] {strides = array<i32>} : memref<128x128xf32, #tpu.memory_space<vmem>>, vector<1x16xf32>,
        %parallel_loop3A_297 = vector.shape_cast %parallel_loop3A_296 : vector<1x16xf32> to vector<16xf32>
        %parallel_loop3A_298 = arith.constant 11.3137083 : f32
        %parallel_loop3A_299 = vector.broadcast %parallel_loop3A_298 : f32 to vector<16xf32>
        %parallel_loop3A_300 = arith.mulf %parallel_loop3A_297, %parallel_loop3A_299 : vector<16xf32>
        %parallel_loop3A_301 = arith.index_cast %parallel_loop3A_245 : i32 to index
        %parallel_loop3A_302 = arith.constant 64 : index
        %parallel_loop3A_303 = tpu.vector_load %arg10[%parallel_loop3A_301, %parallel_loop3A_302] {strides = array<i32>} : memref<128x128xf32, #tpu.memory_space<vmem>>, vector<1x16xf32>,
        %parallel_loop3A_304 = vector.shape_cast %parallel_loop3A_303 : vector<1x16xf32> to vector<16xf32>
        %parallel_loop3A_305 = vector.shape_cast %parallel_loop3A_300 : vector<16xf32> to vector<1x16xf32>
        tpu.vector_store %arg10[%parallel_loop3A_301, %parallel_loop3A_302], %parallel_loop3A_305 {strides = array<i32>} : memref<128x128xf32, #tpu.memory_space<vmem>>, vector<1x16xf32>,
        %parallel_loop3A_306 = arith.index_cast %parallel_loop3A_245 : i32 to index
        %parallel_loop3A_307 = arith.constant 80 : index
        %parallel_loop3A_308 = tpu.vector_load %arg10[%parallel_loop3A_306, %parallel_loop3A_307] {strides = array<i32>} : memref<128x128xf32, #tpu.memory_space<vmem>>, vector<1x16xf32>,
        %parallel_loop3A_309 = vector.shape_cast %parallel_loop3A_308 : vector<1x16xf32> to vector<16xf32>
        %parallel_loop3A_310 = arith.constant 11.3137083 : f32
        %parallel_loop3A_311 = vector.broadcast %parallel_loop3A_310 : f32 to vector<16xf32>
        %parallel_loop3A_312 = arith.mulf %parallel_loop3A_309, %parallel_loop3A_311 : vector<16xf32>
        %parallel_loop3A_313 = arith.index_cast %parallel_loop3A_245 : i32 to index
        %parallel_loop3A_314 = arith.constant 80 : index
        %parallel_loop3A_315 = tpu.vector_load %arg10[%parallel_loop3A_313, %parallel_loop3A_314] {strides = array<i32>} : memref<128x128xf32, #tpu.memory_space<vmem>>, vector<1x16xf32>,
        %parallel_loop3A_316 = vector.shape_cast %parallel_loop3A_315 : vector<1x16xf32> to vector<16xf32>
        %parallel_loop3A_317 = vector.shape_cast %parallel_loop3A_312 : vector<16xf32> to vector<1x16xf32>
        tpu.vector_store %arg10[%parallel_loop3A_313, %parallel_loop3A_314], %parallel_loop3A_317 {strides = array<i32>} : memref<128x128xf32, #tpu.memory_space<vmem>>, vector<1x16xf32>,
        %parallel_loop3A_318 = arith.index_cast %parallel_loop3A_245 : i32 to index
        %parallel_loop3A_319 = arith.constant 96 : index
        %parallel_loop3A_320 = tpu.vector_load %arg10[%parallel_loop3A_318, %parallel_loop3A_319] {strides = array<i32>} : memref<128x128xf32, #tpu.memory_space<vmem>>, vector<1x16xf32>,
        %parallel_loop3A_321 = vector.shape_cast %parallel_loop3A_320 : vector<1x16xf32> to vector<16xf32>
        %parallel_loop3A_322 = arith.constant 11.3137083 : f32
        %parallel_loop3A_323 = vector.broadcast %parallel_loop3A_322 : f32 to vector<16xf32>
        %parallel_loop3A_324 = arith.mulf %parallel_loop3A_321, %parallel_loop3A_323 : vector<16xf32>
        %parallel_loop3A_325 = arith.index_cast %parallel_loop3A_245 : i32 to index
        %parallel_loop3A_326 = arith.constant 96 : index
        %parallel_loop3A_327 = tpu.vector_load %arg10[%parallel_loop3A_325, %parallel_loop3A_326] {strides = array<i32>} : memref<128x128xf32, #tpu.memory_space<vmem>>, vector<1x16xf32>,
        %parallel_loop3A_328 = vector.shape_cast %parallel_loop3A_327 : vector<1x16xf32> to vector<16xf32>
        %parallel_loop3A_329 = vector.shape_cast %parallel_loop3A_324 : vector<16xf32> to vector<1x16xf32>
        tpu.vector_store %arg10[%parallel_loop3A_325, %parallel_loop3A_326], %parallel_loop3A_329 {strides = array<i32>} : memref<128x128xf32, #tpu.memory_space<vmem>>, vector<1x16xf32>,
        %parallel_loop3A_330 = arith.index_cast %parallel_loop3A_245 : i32 to index
        %parallel_loop3A_331 = arith.constant 112 : index
        %parallel_loop3A_332 = tpu.vector_load %arg10[%parallel_loop3A_330, %parallel_loop3A_331] {strides = array<i32>} : memref<128x128xf32, #tpu.memory_space<vmem>>, vector<1x16xf32>,
        %parallel_loop3A_333 = vector.shape_cast %parallel_loop3A_332 : vector<1x16xf32> to vector<16xf32>
        %parallel_loop3A_334 = arith.constant 11.3137083 : f32
        %parallel_loop3A_335 = vector.broadcast %parallel_loop3A_334 : f32 to vector<16xf32>
        %parallel_loop3A_336 = arith.mulf %parallel_loop3A_333, %parallel_loop3A_335 : vector<16xf32>
        %parallel_loop3A_337 = arith.index_cast %parallel_loop3A_245 : i32 to index
        %parallel_loop3A_338 = arith.constant 112 : index
        %parallel_loop3A_339 = tpu.vector_load %arg10[%parallel_loop3A_337, %parallel_loop3A_338] {strides = array<i32>} : memref<128x128xf32, #tpu.memory_space<vmem>>, vector<1x16xf32>,
        %parallel_loop3A_340 = vector.shape_cast %parallel_loop3A_339 : vector<1x16xf32> to vector<16xf32>
        %parallel_loop3A_341 = vector.shape_cast %parallel_loop3A_336 : vector<16xf32> to vector<1x16xf32>
        tpu.vector_store %arg10[%parallel_loop3A_337, %parallel_loop3A_338], %parallel_loop3A_341 {strides = array<i32>} : memref<128x128xf32, #tpu.memory_space<vmem>>, vector<1x16xf32>,
      } {sc.loop_unroll_factor = 4 : i64, sc.parallel_access}
      %mul3A_213 = arith.constant 128 : i32
      %mul3A_214 = arith.muli %add3A_196, %mul3A_213 : i32
      %add3A_215 = arith.addi %mul3A_2, %mul3A_214 : i32
      %dma_start3A_216 = arith.constant 0 : i32
      %dma_start3A_217 = tpu.memref_slice %arg4[%add3A_215, %dma_start3A_216] : memref<204800x128xf32, #tpu.memory_space<hbm>> -> memref<128x128xf32, #tpu.memory_space<hbm>>
      %dma_start3A_218 = arith.constant 0 : i32
      %dma_start3A_219 = tpu.memref_slice %arg4[%add3A_215, %dma_start3A_218] : memref<204800x128xf32, #tpu.memory_space<hbm>> -> memref<128x128xf32, #tpu.memory_space<hbm>>
      tpu.enqueue_dma source(%arg10 : memref<128x128xf32, #tpu.memory_space<vmem>>) target(%dma_start3A_219 : memref<128x128xf32, #tpu.memory_space<hbm>>) target_semaphore(%arg22 : memref<!tpu.dma_semaphore, #tpu.memory_space<semaphore_mem>>)
      %add3A_220 = arith.constant 5 : i32
      %add3A_221 = arith.addi %add3A_97, %add3A_220 : i32
      %add3A_222 = arith.constant 5 : i32
      %add3A_223 = arith.addi %add3A_221, %add3A_222 : i32
      %lt3A_224 = arith.constant 50 : i32
      %lt3A_225 = arith.cmpi slt, %add3A_223, %lt3A_224 : i32
      %convert_element_type3A_226 = arith.extui %lt3A_225 : i1 to i32
      %cond3A_227 = arith.constant 0 : i32
      %cond3A_228 = arith.cmpi ne, %convert_element_type3A_226, %cond3A_227 : i32
      scf.if %cond3A_228 {
        %ge3A = arith.constant 1 : i32
        %ge3A_245 = arith.cmpi sge, %add3A_221, %ge3A : i32
        %convert_element_type3A_246 = arith.extui %ge3A_245 : i1 to i32
        %cond3A_247 = arith.constant 0 : i32
        %cond3A_248 = arith.cmpi ne, %convert_element_type3A_246, %cond3A_247 : i32
        scf.if %cond3A_248 {
          %sub3A = arith.constant 1 : i32
          %sub3A_257 = arith.subi %add3A_221, %sub3A : i32
          %mul3A_258 = arith.constant 128 : i32
          %mul3A_259 = arith.muli %sub3A_257, %mul3A_258 : i32
          %add3A_260 = arith.addi %mul3A_2, %mul3A_259 : i32
          %dma_wait3A_261 = arith.constant 0 : i32
          %dma_wait3A_262 = tpu.memref_slice %arg4[%add3A_260, %dma_wait3A_261] : memref<204800x128xf32, #tpu.memory_space<hbm>> -> memref<128x128xf32, #tpu.memory_space<hbm>>
          %dma_wait3A_263 = arith.constant 0 : i32
          %dma_wait3A_264 = tpu.memref_slice %arg4[%add3A_260, %dma_wait3A_263] : memref<204800x128xf32, #tpu.memory_space<hbm>> -> memref<128x128xf32, #tpu.memory_space<hbm>>
          tpu.wait_dma2 semaphore(%arg22 : memref<!tpu.dma_semaphore, #tpu.memory_space<semaphore_mem>>) src(%arg10 : memref<128x128xf32, #tpu.memory_space<vmem>>) dst(%dma_wait3A_264 : memref<128x128xf32, #tpu.memory_space<hbm>>)
        } else {
        }
        %add3A_249 = arith.constant 5 : i32
        %add3A_250 = arith.addi %add3A_221, %add3A_249 : i32
        %mul3A_251 = arith.constant 128 : i32
        %mul3A_252 = arith.muli %add3A_250, %mul3A_251 : i32
        %dma_start3A_253 = tpu.memref_slice %arg5[%mul3A_252] : memref<6400xi32, #tpu.memory_space<vmem>> -> memref<128xi32, #tpu.memory_space<vmem>>
        %dma_start3A_254 = arith.constant 0 : i32
        %dma_start3A_255 = arith.constant 0 : i32
        %dma_start3A_256 = tpu.memref_slice %arg3[%dma_start3A_254, %dma_start3A_255] : memref<100000x128xf32, #tpu.memory_space<hbm>> -> memref<100000x128xf32, #tpu.memory_space<hbm>>
        tpu.enqueue_indirect_dma source(%dma_start3A_256 : memref<100000x128xf32, #tpu.memory_space<hbm>>) target(%arg10 : memref<128x128xf32, #tpu.memory_space<vmem>>) offsets(%dma_start3A_253 : memref<128xi32, #tpu.memory_space<vmem>>) semaphore(%arg16 : memref<!tpu.dma_semaphore, #tpu.memory_space<semaphore_mem>>)
      } else {
      }
      %mul3A_229 = arith.constant 128 : i32
      %mul3A_230 = arith.muli %add3A_221, %mul3A_229 : i32
      %dma_wait3A_231 = tpu.memref_slice %arg5[%mul3A_230] : memref<6400xi32, #tpu.memory_space<vmem>> -> memref<128xi32, #tpu.memory_space<vmem>>
      %dma_wait3A_232 = arith.constant 0 : i32
      %dma_wait3A_233 = arith.constant 0 : i32
      %dma_wait3A_234 = tpu.memref_slice %arg3[%dma_wait3A_232, %dma_wait3A_233] : memref<100000x128xf32, #tpu.memory_space<hbm>> -> memref<100000x128xf32, #tpu.memory_space<hbm>>
      tpu.wait_indirect_dma semaphore(%arg17 : memref<!tpu.dma_semaphore, #tpu.memory_space<semaphore_mem>>) src(%dma_wait3A_234 : memref<100000x128xf32, #tpu.memory_space<hbm>>) dst(%arg11 : memref<128x128xf32, #tpu.memory_space<vmem>>)
      %parallel_loop3A_235 = arith.constant 0 : i32
      %parallel_loop3A_236 = arith.constant 128 : i32
      %parallel_loop3A_237 = arith.constant 1 : i32
      scf.for %parallel_loop3A_245 = %parallel_loop3A_235 to %parallel_loop3A_236 step %parallel_loop3A_237  : i32 {
        %parallel_loop3A_246 = arith.index_cast %parallel_loop3A_245 : i32 to index
        %parallel_loop3A_247 = arith.constant 0 : index
        %parallel_loop3A_248 = tpu.vector_load %arg11[%parallel_loop3A_246, %parallel_loop3A_247] {strides = array<i32>} : memref<128x128xf32, #tpu.memory_space<vmem>>, vector<1x16xf32>,
        %parallel_loop3A_249 = vector.shape_cast %parallel_loop3A_248 : vector<1x16xf32> to vector<16xf32>
        %parallel_loop3A_250 = arith.constant 11.3137083 : f32
        %parallel_loop3A_251 = vector.broadcast %parallel_loop3A_250 : f32 to vector<16xf32>
        %parallel_loop3A_252 = arith.mulf %parallel_loop3A_249, %parallel_loop3A_251 : vector<16xf32>
        %parallel_loop3A_253 = arith.index_cast %parallel_loop3A_245 : i32 to index
        %parallel_loop3A_254 = arith.constant 0 : index
        %parallel_loop3A_255 = tpu.vector_load %arg11[%parallel_loop3A_253, %parallel_loop3A_254] {strides = array<i32>} : memref<128x128xf32, #tpu.memory_space<vmem>>, vector<1x16xf32>,
        %parallel_loop3A_256 = vector.shape_cast %parallel_loop3A_255 : vector<1x16xf32> to vector<16xf32>
        %parallel_loop3A_257 = vector.shape_cast %parallel_loop3A_252 : vector<16xf32> to vector<1x16xf32>
        tpu.vector_store %arg11[%parallel_loop3A_253, %parallel_loop3A_254], %parallel_loop3A_257 {strides = array<i32>} : memref<128x128xf32, #tpu.memory_space<vmem>>, vector<1x16xf32>,
        %parallel_loop3A_258 = arith.index_cast %parallel_loop3A_245 : i32 to index
        %parallel_loop3A_259 = arith.constant 16 : index
        %parallel_loop3A_260 = tpu.vector_load %arg11[%parallel_loop3A_258, %parallel_loop3A_259] {strides = array<i32>} : memref<128x128xf32, #tpu.memory_space<vmem>>, vector<1x16xf32>,
        %parallel_loop3A_261 = vector.shape_cast %parallel_loop3A_260 : vector<1x16xf32> to vector<16xf32>
        %parallel_loop3A_262 = arith.constant 11.3137083 : f32
        %parallel_loop3A_263 = vector.broadcast %parallel_loop3A_262 : f32 to vector<16xf32>
        %parallel_loop3A_264 = arith.mulf %parallel_loop3A_261, %parallel_loop3A_263 : vector<16xf32>
        %parallel_loop3A_265 = arith.index_cast %parallel_loop3A_245 : i32 to index
        %parallel_loop3A_266 = arith.constant 16 : index
        %parallel_loop3A_267 = tpu.vector_load %arg11[%parallel_loop3A_265, %parallel_loop3A_266] {strides = array<i32>} : memref<128x128xf32, #tpu.memory_space<vmem>>, vector<1x16xf32>,
        %parallel_loop3A_268 = vector.shape_cast %parallel_loop3A_267 : vector<1x16xf32> to vector<16xf32>
        %parallel_loop3A_269 = vector.shape_cast %parallel_loop3A_264 : vector<16xf32> to vector<1x16xf32>
        tpu.vector_store %arg11[%parallel_loop3A_265, %parallel_loop3A_266], %parallel_loop3A_269 {strides = array<i32>} : memref<128x128xf32, #tpu.memory_space<vmem>>, vector<1x16xf32>,
        %parallel_loop3A_270 = arith.index_cast %parallel_loop3A_245 : i32 to index
        %parallel_loop3A_271 = arith.constant 32 : index
        %parallel_loop3A_272 = tpu.vector_load %arg11[%parallel_loop3A_270, %parallel_loop3A_271] {strides = array<i32>} : memref<128x128xf32, #tpu.memory_space<vmem>>, vector<1x16xf32>,
        %parallel_loop3A_273 = vector.shape_cast %parallel_loop3A_272 : vector<1x16xf32> to vector<16xf32>
        %parallel_loop3A_274 = arith.constant 11.3137083 : f32
        %parallel_loop3A_275 = vector.broadcast %parallel_loop3A_274 : f32 to vector<16xf32>
        %parallel_loop3A_276 = arith.mulf %parallel_loop3A_273, %parallel_loop3A_275 : vector<16xf32>
        %parallel_loop3A_277 = arith.index_cast %parallel_loop3A_245 : i32 to index
        %parallel_loop3A_278 = arith.constant 32 : index
        %parallel_loop3A_279 = tpu.vector_load %arg11[%parallel_loop3A_277, %parallel_loop3A_278] {strides = array<i32>} : memref<128x128xf32, #tpu.memory_space<vmem>>, vector<1x16xf32>,
        %parallel_loop3A_280 = vector.shape_cast %parallel_loop3A_279 : vector<1x16xf32> to vector<16xf32>
        %parallel_loop3A_281 = vector.shape_cast %parallel_loop3A_276 : vector<16xf32> to vector<1x16xf32>
        tpu.vector_store %arg11[%parallel_loop3A_277, %parallel_loop3A_278], %parallel_loop3A_281 {strides = array<i32>} : memref<128x128xf32, #tpu.memory_space<vmem>>, vector<1x16xf32>,
        %parallel_loop3A_282 = arith.index_cast %parallel_loop3A_245 : i32 to index
        %parallel_loop3A_283 = arith.constant 48 : index
        %parallel_loop3A_284 = tpu.vector_load %arg11[%parallel_loop3A_282, %parallel_loop3A_283] {strides = array<i32>} : memref<128x128xf32, #tpu.memory_space<vmem>>, vector<1x16xf32>,
        %parallel_loop3A_285 = vector.shape_cast %parallel_loop3A_284 : vector<1x16xf32> to vector<16xf32>
        %parallel_loop3A_286 = arith.constant 11.3137083 : f32
        %parallel_loop3A_287 = vector.broadcast %parallel_loop3A_286 : f32 to vector<16xf32>
        %parallel_loop3A_288 = arith.mulf %parallel_loop3A_285, %parallel_loop3A_287 : vector<16xf32>
        %parallel_loop3A_289 = arith.index_cast %parallel_loop3A_245 : i32 to index
        %parallel_loop3A_290 = arith.constant 48 : index
        %parallel_loop3A_291 = tpu.vector_load %arg11[%parallel_loop3A_289, %parallel_loop3A_290] {strides = array<i32>} : memref<128x128xf32, #tpu.memory_space<vmem>>, vector<1x16xf32>,
        %parallel_loop3A_292 = vector.shape_cast %parallel_loop3A_291 : vector<1x16xf32> to vector<16xf32>
        %parallel_loop3A_293 = vector.shape_cast %parallel_loop3A_288 : vector<16xf32> to vector<1x16xf32>
        tpu.vector_store %arg11[%parallel_loop3A_289, %parallel_loop3A_290], %parallel_loop3A_293 {strides = array<i32>} : memref<128x128xf32, #tpu.memory_space<vmem>>, vector<1x16xf32>,
        %parallel_loop3A_294 = arith.index_cast %parallel_loop3A_245 : i32 to index
        %parallel_loop3A_295 = arith.constant 64 : index
        %parallel_loop3A_296 = tpu.vector_load %arg11[%parallel_loop3A_294, %parallel_loop3A_295] {strides = array<i32>} : memref<128x128xf32, #tpu.memory_space<vmem>>, vector<1x16xf32>,
        %parallel_loop3A_297 = vector.shape_cast %parallel_loop3A_296 : vector<1x16xf32> to vector<16xf32>
        %parallel_loop3A_298 = arith.constant 11.3137083 : f32
        %parallel_loop3A_299 = vector.broadcast %parallel_loop3A_298 : f32 to vector<16xf32>
        %parallel_loop3A_300 = arith.mulf %parallel_loop3A_297, %parallel_loop3A_299 : vector<16xf32>
        %parallel_loop3A_301 = arith.index_cast %parallel_loop3A_245 : i32 to index
        %parallel_loop3A_302 = arith.constant 64 : index
        %parallel_loop3A_303 = tpu.vector_load %arg11[%parallel_loop3A_301, %parallel_loop3A_302] {strides = array<i32>} : memref<128x128xf32, #tpu.memory_space<vmem>>, vector<1x16xf32>,
        %parallel_loop3A_304 = vector.shape_cast %parallel_loop3A_303 : vector<1x16xf32> to vector<16xf32>
        %parallel_loop3A_305 = vector.shape_cast %parallel_loop3A_300 : vector<16xf32> to vector<1x16xf32>
        tpu.vector_store %arg11[%parallel_loop3A_301, %parallel_loop3A_302], %parallel_loop3A_305 {strides = array<i32>} : memref<128x128xf32, #tpu.memory_space<vmem>>, vector<1x16xf32>,
        %parallel_loop3A_306 = arith.index_cast %parallel_loop3A_245 : i32 to index
        %parallel_loop3A_307 = arith.constant 80 : index
        %parallel_loop3A_308 = tpu.vector_load %arg11[%parallel_loop3A_306, %parallel_loop3A_307] {strides = array<i32>} : memref<128x128xf32, #tpu.memory_space<vmem>>, vector<1x16xf32>,
        %parallel_loop3A_309 = vector.shape_cast %parallel_loop3A_308 : vector<1x16xf32> to vector<16xf32>
        %parallel_loop3A_310 = arith.constant 11.3137083 : f32
        %parallel_loop3A_311 = vector.broadcast %parallel_loop3A_310 : f32 to vector<16xf32>
        %parallel_loop3A_312 = arith.mulf %parallel_loop3A_309, %parallel_loop3A_311 : vector<16xf32>
        %parallel_loop3A_313 = arith.index_cast %parallel_loop3A_245 : i32 to index
        %parallel_loop3A_314 = arith.constant 80 : index
        %parallel_loop3A_315 = tpu.vector_load %arg11[%parallel_loop3A_313, %parallel_loop3A_314] {strides = array<i32>} : memref<128x128xf32, #tpu.memory_space<vmem>>, vector<1x16xf32>,
        %parallel_loop3A_316 = vector.shape_cast %parallel_loop3A_315 : vector<1x16xf32> to vector<16xf32>
        %parallel_loop3A_317 = vector.shape_cast %parallel_loop3A_312 : vector<16xf32> to vector<1x16xf32>
        tpu.vector_store %arg11[%parallel_loop3A_313, %parallel_loop3A_314], %parallel_loop3A_317 {strides = array<i32>} : memref<128x128xf32, #tpu.memory_space<vmem>>, vector<1x16xf32>,
        %parallel_loop3A_318 = arith.index_cast %parallel_loop3A_245 : i32 to index
        %parallel_loop3A_319 = arith.constant 96 : index
        %parallel_loop3A_320 = tpu.vector_load %arg11[%parallel_loop3A_318, %parallel_loop3A_319] {strides = array<i32>} : memref<128x128xf32, #tpu.memory_space<vmem>>, vector<1x16xf32>,
        %parallel_loop3A_321 = vector.shape_cast %parallel_loop3A_320 : vector<1x16xf32> to vector<16xf32>
        %parallel_loop3A_322 = arith.constant 11.3137083 : f32
        %parallel_loop3A_323 = vector.broadcast %parallel_loop3A_322 : f32 to vector<16xf32>
        %parallel_loop3A_324 = arith.mulf %parallel_loop3A_321, %parallel_loop3A_323 : vector<16xf32>
        %parallel_loop3A_325 = arith.index_cast %parallel_loop3A_245 : i32 to index
        %parallel_loop3A_326 = arith.constant 96 : index
        %parallel_loop3A_327 = tpu.vector_load %arg11[%parallel_loop3A_325, %parallel_loop3A_326] {strides = array<i32>} : memref<128x128xf32, #tpu.memory_space<vmem>>, vector<1x16xf32>,
        %parallel_loop3A_328 = vector.shape_cast %parallel_loop3A_327 : vector<1x16xf32> to vector<16xf32>
        %parallel_loop3A_329 = vector.shape_cast %parallel_loop3A_324 : vector<16xf32> to vector<1x16xf32>
        tpu.vector_store %arg11[%parallel_loop3A_325, %parallel_loop3A_326], %parallel_loop3A_329 {strides = array<i32>} : memref<128x128xf32, #tpu.memory_space<vmem>>, vector<1x16xf32>,
        %parallel_loop3A_330 = arith.index_cast %parallel_loop3A_245 : i32 to index
        %parallel_loop3A_331 = arith.constant 112 : index
        %parallel_loop3A_332 = tpu.vector_load %arg11[%parallel_loop3A_330, %parallel_loop3A_331] {strides = array<i32>} : memref<128x128xf32, #tpu.memory_space<vmem>>, vector<1x16xf32>,
        %parallel_loop3A_333 = vector.shape_cast %parallel_loop3A_332 : vector<1x16xf32> to vector<16xf32>
        %parallel_loop3A_334 = arith.constant 11.3137083 : f32
        %parallel_loop3A_335 = vector.broadcast %parallel_loop3A_334 : f32 to vector<16xf32>
        %parallel_loop3A_336 = arith.mulf %parallel_loop3A_333, %parallel_loop3A_335 : vector<16xf32>
        %parallel_loop3A_337 = arith.index_cast %parallel_loop3A_245 : i32 to index
        %parallel_loop3A_338 = arith.constant 112 : index
        %parallel_loop3A_339 = tpu.vector_load %arg11[%parallel_loop3A_337, %parallel_loop3A_338] {strides = array<i32>} : memref<128x128xf32, #tpu.memory_space<vmem>>, vector<1x16xf32>,
        %parallel_loop3A_340 = vector.shape_cast %parallel_loop3A_339 : vector<1x16xf32> to vector<16xf32>
        %parallel_loop3A_341 = vector.shape_cast %parallel_loop3A_336 : vector<16xf32> to vector<1x16xf32>
        tpu.vector_store %arg11[%parallel_loop3A_337, %parallel_loop3A_338], %parallel_loop3A_341 {strides = array<i32>} : memref<128x128xf32, #tpu.memory_space<vmem>>, vector<1x16xf32>,
      } {sc.loop_unroll_factor = 4 : i64, sc.parallel_access}
      %mul3A_238 = arith.constant 128 : i32
      %mul3A_239 = arith.muli %add3A_221, %mul3A_238 : i32
      %add3A_240 = arith.addi %mul3A_2, %mul3A_239 : i32
      %dma_start3A_241 = arith.constant 0 : i32
      %dma_start3A_242 = tpu.memref_slice %arg4[%add3A_240, %dma_start3A_241] : memref<204800x128xf32, #tpu.memory_space<hbm>> -> memref<128x128xf32, #tpu.memory_space<hbm>>
      %dma_start3A_243 = arith.constant 0 : i32
      %dma_start3A_244 = tpu.memref_slice %arg4[%add3A_240, %dma_start3A_243] : memref<204800x128xf32, #tpu.memory_space<hbm>> -> memref<128x128xf32, #tpu.memory_space<hbm>>
      tpu.enqueue_dma source(%arg11 : memref<128x128xf32, #tpu.memory_space<vmem>>) target(%dma_start3A_244 : memref<128x128xf32, #tpu.memory_space<hbm>>) target_semaphore(%arg23 : memref<!tpu.dma_semaphore, #tpu.memory_space<semaphore_mem>>)
    }
    %scan3A_30 = arith.constant 8 : i32
    %dma_wait3A = arith.constant 6144 : i32
    %dma_wait3A_31 = tpu.memref_slice %arg5[%dma_wait3A] : memref<6400xi32, #tpu.memory_space<vmem>> -> memref<128xi32, #tpu.memory_space<vmem>>
    %dma_wait3A_32 = arith.constant 0 : i32
    %dma_wait3A_33 = arith.constant 0 : i32
    %dma_wait3A_34 = tpu.memref_slice %arg3[%dma_wait3A_32, %dma_wait3A_33] : memref<100000x128xf32, #tpu.memory_space<hbm>> -> memref<100000x128xf32, #tpu.memory_space<hbm>>
    tpu.wait_indirect_dma semaphore(%arg12 : memref<!tpu.dma_semaphore, #tpu.memory_space<semaphore_mem>>) src(%dma_wait3A_34 : memref<100000x128xf32, #tpu.memory_space<hbm>>) dst(%arg6 : memref<128x128xf32, #tpu.memory_space<vmem>>)
    %parallel_loop3A = arith.constant 0 : i32
    %parallel_loop3A_35 = arith.constant 128 : i32
    %parallel_loop3A_36 = arith.constant 1 : i32
    scf.for %parallel_loop3A_93 = %parallel_loop3A to %parallel_loop3A_35 step %parallel_loop3A_36  : i32 {
      %parallel_loop3A_94 = arith.index_cast %parallel_loop3A_93 : i32 to index
      %parallel_loop3A_95 = arith.constant 0 : index
      %parallel_loop3A_96 = tpu.vector_load %arg6[%parallel_loop3A_94, %parallel_loop3A_95] {strides = array<i32>} : memref<128x128xf32, #tpu.memory_space<vmem>>, vector<1x16xf32>,
      %parallel_loop3A_97 = vector.shape_cast %parallel_loop3A_96 : vector<1x16xf32> to vector<16xf32>
      %parallel_loop3A_98 = arith.constant 11.3137083 : f32
      %parallel_loop3A_99 = vector.broadcast %parallel_loop3A_98 : f32 to vector<16xf32>
      %parallel_loop3A_100 = arith.mulf %parallel_loop3A_97, %parallel_loop3A_99 : vector<16xf32>
      %parallel_loop3A_101 = arith.index_cast %parallel_loop3A_93 : i32 to index
      %parallel_loop3A_102 = arith.constant 0 : index
      %parallel_loop3A_103 = tpu.vector_load %arg6[%parallel_loop3A_101, %parallel_loop3A_102] {strides = array<i32>} : memref<128x128xf32, #tpu.memory_space<vmem>>, vector<1x16xf32>,
      %parallel_loop3A_104 = vector.shape_cast %parallel_loop3A_103 : vector<1x16xf32> to vector<16xf32>
      %parallel_loop3A_105 = vector.shape_cast %parallel_loop3A_100 : vector<16xf32> to vector<1x16xf32>
      tpu.vector_store %arg6[%parallel_loop3A_101, %parallel_loop3A_102], %parallel_loop3A_105 {strides = array<i32>} : memref<128x128xf32, #tpu.memory_space<vmem>>, vector<1x16xf32>,
      %parallel_loop3A_106 = arith.index_cast %parallel_loop3A_93 : i32 to index
      %parallel_loop3A_107 = arith.constant 16 : index
      %parallel_loop3A_108 = tpu.vector_load %arg6[%parallel_loop3A_106, %parallel_loop3A_107] {strides = array<i32>} : memref<128x128xf32, #tpu.memory_space<vmem>>, vector<1x16xf32>,
      %parallel_loop3A_109 = vector.shape_cast %parallel_loop3A_108 : vector<1x16xf32> to vector<16xf32>
      %parallel_loop3A_110 = arith.constant 11.3137083 : f32
      %parallel_loop3A_111 = vector.broadcast %parallel_loop3A_110 : f32 to vector<16xf32>
      %parallel_loop3A_112 = arith.mulf %parallel_loop3A_109, %parallel_loop3A_111 : vector<16xf32>
      %parallel_loop3A_113 = arith.index_cast %parallel_loop3A_93 : i32 to index
      %parallel_loop3A_114 = arith.constant 16 : index
      %parallel_loop3A_115 = tpu.vector_load %arg6[%parallel_loop3A_113, %parallel_loop3A_114] {strides = array<i32>} : memref<128x128xf32, #tpu.memory_space<vmem>>, vector<1x16xf32>,
      %parallel_loop3A_116 = vector.shape_cast %parallel_loop3A_115 : vector<1x16xf32> to vector<16xf32>
      %parallel_loop3A_117 = vector.shape_cast %parallel_loop3A_112 : vector<16xf32> to vector<1x16xf32>
      tpu.vector_store %arg6[%parallel_loop3A_113, %parallel_loop3A_114], %parallel_loop3A_117 {strides = array<i32>} : memref<128x128xf32, #tpu.memory_space<vmem>>, vector<1x16xf32>,
      %parallel_loop3A_118 = arith.index_cast %parallel_loop3A_93 : i32 to index
      %parallel_loop3A_119 = arith.constant 32 : index
      %parallel_loop3A_120 = tpu.vector_load %arg6[%parallel_loop3A_118, %parallel_loop3A_119] {strides = array<i32>} : memref<128x128xf32, #tpu.memory_space<vmem>>, vector<1x16xf32>,
      %parallel_loop3A_121 = vector.shape_cast %parallel_loop3A_120 : vector<1x16xf32> to vector<16xf32>
      %parallel_loop3A_122 = arith.constant 11.3137083 : f32
      %parallel_loop3A_123 = vector.broadcast %parallel_loop3A_122 : f32 to vector<16xf32>
      %parallel_loop3A_124 = arith.mulf %parallel_loop3A_121, %parallel_loop3A_123 : vector<16xf32>
      %parallel_loop3A_125 = arith.index_cast %parallel_loop3A_93 : i32 to index
      %parallel_loop3A_126 = arith.constant 32 : index
      %parallel_loop3A_127 = tpu.vector_load %arg6[%parallel_loop3A_125, %parallel_loop3A_126] {strides = array<i32>} : memref<128x128xf32, #tpu.memory_space<vmem>>, vector<1x16xf32>,
      %parallel_loop3A_128 = vector.shape_cast %parallel_loop3A_127 : vector<1x16xf32> to vector<16xf32>
      %parallel_loop3A_129 = vector.shape_cast %parallel_loop3A_124 : vector<16xf32> to vector<1x16xf32>
      tpu.vector_store %arg6[%parallel_loop3A_125, %parallel_loop3A_126], %parallel_loop3A_129 {strides = array<i32>} : memref<128x128xf32, #tpu.memory_space<vmem>>, vector<1x16xf32>,
      %parallel_loop3A_130 = arith.index_cast %parallel_loop3A_93 : i32 to index
      %parallel_loop3A_131 = arith.constant 48 : index
      %parallel_loop3A_132 = tpu.vector_load %arg6[%parallel_loop3A_130, %parallel_loop3A_131] {strides = array<i32>} : memref<128x128xf32, #tpu.memory_space<vmem>>, vector<1x16xf32>,
      %parallel_loop3A_133 = vector.shape_cast %parallel_loop3A_132 : vector<1x16xf32> to vector<16xf32>
      %parallel_loop3A_134 = arith.constant 11.3137083 : f32
      %parallel_loop3A_135 = vector.broadcast %parallel_loop3A_134 : f32 to vector<16xf32>
      %parallel_loop3A_136 = arith.mulf %parallel_loop3A_133, %parallel_loop3A_135 : vector<16xf32>
      %parallel_loop3A_137 = arith.index_cast %parallel_loop3A_93 : i32 to index
      %parallel_loop3A_138 = arith.constant 48 : index
      %parallel_loop3A_139 = tpu.vector_load %arg6[%parallel_loop3A_137, %parallel_loop3A_138] {strides = array<i32>} : memref<128x128xf32, #tpu.memory_space<vmem>>, vector<1x16xf32>,
      %parallel_loop3A_140 = vector.shape_cast %parallel_loop3A_139 : vector<1x16xf32> to vector<16xf32>
      %parallel_loop3A_141 = vector.shape_cast %parallel_loop3A_136 : vector<16xf32> to vector<1x16xf32>
      tpu.vector_store %arg6[%parallel_loop3A_137, %parallel_loop3A_138], %parallel_loop3A_141 {strides = array<i32>} : memref<128x128xf32, #tpu.memory_space<vmem>>, vector<1x16xf32>,
      %parallel_loop3A_142 = arith.index_cast %parallel_loop3A_93 : i32 to index
      %parallel_loop3A_143 = arith.constant 64 : index
      %parallel_loop3A_144 = tpu.vector_load %arg6[%parallel_loop3A_142, %parallel_loop3A_143] {strides = array<i32>} : memref<128x128xf32, #tpu.memory_space<vmem>>, vector<1x16xf32>,
      %parallel_loop3A_145 = vector.shape_cast %parallel_loop3A_144 : vector<1x16xf32> to vector<16xf32>
      %parallel_loop3A_146 = arith.constant 11.3137083 : f32
      %parallel_loop3A_147 = vector.broadcast %parallel_loop3A_146 : f32 to vector<16xf32>
      %parallel_loop3A_148 = arith.mulf %parallel_loop3A_145, %parallel_loop3A_147 : vector<16xf32>
      %parallel_loop3A_149 = arith.index_cast %parallel_loop3A_93 : i32 to index
      %parallel_loop3A_150 = arith.constant 64 : index
      %parallel_loop3A_151 = tpu.vector_load %arg6[%parallel_loop3A_149, %parallel_loop3A_150] {strides = array<i32>} : memref<128x128xf32, #tpu.memory_space<vmem>>, vector<1x16xf32>,
      %parallel_loop3A_152 = vector.shape_cast %parallel_loop3A_151 : vector<1x16xf32> to vector<16xf32>
      %parallel_loop3A_153 = vector.shape_cast %parallel_loop3A_148 : vector<16xf32> to vector<1x16xf32>
      tpu.vector_store %arg6[%parallel_loop3A_149, %parallel_loop3A_150], %parallel_loop3A_153 {strides = array<i32>} : memref<128x128xf32, #tpu.memory_space<vmem>>, vector<1x16xf32>,
      %parallel_loop3A_154 = arith.index_cast %parallel_loop3A_93 : i32 to index
      %parallel_loop3A_155 = arith.constant 80 : index
      %parallel_loop3A_156 = tpu.vector_load %arg6[%parallel_loop3A_154, %parallel_loop3A_155] {strides = array<i32>} : memref<128x128xf32, #tpu.memory_space<vmem>>, vector<1x16xf32>,
      %parallel_loop3A_157 = vector.shape_cast %parallel_loop3A_156 : vector<1x16xf32> to vector<16xf32>
      %parallel_loop3A_158 = arith.constant 11.3137083 : f32
      %parallel_loop3A_159 = vector.broadcast %parallel_loop3A_158 : f32 to vector<16xf32>
      %parallel_loop3A_160 = arith.mulf %parallel_loop3A_157, %parallel_loop3A_159 : vector<16xf32>
      %parallel_loop3A_161 = arith.index_cast %parallel_loop3A_93 : i32 to index
      %parallel_loop3A_162 = arith.constant 80 : index
      %parallel_loop3A_163 = tpu.vector_load %arg6[%parallel_loop3A_161, %parallel_loop3A_162] {strides = array<i32>} : memref<128x128xf32, #tpu.memory_space<vmem>>, vector<1x16xf32>,
      %parallel_loop3A_164 = vector.shape_cast %parallel_loop3A_163 : vector<1x16xf32> to vector<16xf32>
      %parallel_loop3A_165 = vector.shape_cast %parallel_loop3A_160 : vector<16xf32> to vector<1x16xf32>
      tpu.vector_store %arg6[%parallel_loop3A_161, %parallel_loop3A_162], %parallel_loop3A_165 {strides = array<i32>} : memref<128x128xf32, #tpu.memory_space<vmem>>, vector<1x16xf32>,
      %parallel_loop3A_166 = arith.index_cast %parallel_loop3A_93 : i32 to index
      %parallel_loop3A_167 = arith.constant 96 : index
      %parallel_loop3A_168 = tpu.vector_load %arg6[%parallel_loop3A_166, %parallel_loop3A_167] {strides = array<i32>} : memref<128x128xf32, #tpu.memory_space<vmem>>, vector<1x16xf32>,
      %parallel_loop3A_169 = vector.shape_cast %parallel_loop3A_168 : vector<1x16xf32> to vector<16xf32>
      %parallel_loop3A_170 = arith.constant 11.3137083 : f32
      %parallel_loop3A_171 = vector.broadcast %parallel_loop3A_170 : f32 to vector<16xf32>
      %parallel_loop3A_172 = arith.mulf %parallel_loop3A_169, %parallel_loop3A_171 : vector<16xf32>
      %parallel_loop3A_173 = arith.index_cast %parallel_loop3A_93 : i32 to index
      %parallel_loop3A_174 = arith.constant 96 : index
      %parallel_loop3A_175 = tpu.vector_load %arg6[%parallel_loop3A_173, %parallel_loop3A_174] {strides = array<i32>} : memref<128x128xf32, #tpu.memory_space<vmem>>, vector<1x16xf32>,
      %parallel_loop3A_176 = vector.shape_cast %parallel_loop3A_175 : vector<1x16xf32> to vector<16xf32>
      %parallel_loop3A_177 = vector.shape_cast %parallel_loop3A_172 : vector<16xf32> to vector<1x16xf32>
      tpu.vector_store %arg6[%parallel_loop3A_173, %parallel_loop3A_174], %parallel_loop3A_177 {strides = array<i32>} : memref<128x128xf32, #tpu.memory_space<vmem>>, vector<1x16xf32>,
      %parallel_loop3A_178 = arith.index_cast %parallel_loop3A_93 : i32 to index
      %parallel_loop3A_179 = arith.constant 112 : index
      %parallel_loop3A_180 = tpu.vector_load %arg6[%parallel_loop3A_178, %parallel_loop3A_179] {strides = array<i32>} : memref<128x128xf32, #tpu.memory_space<vmem>>, vector<1x16xf32>,
      %parallel_loop3A_181 = vector.shape_cast %parallel_loop3A_180 : vector<1x16xf32> to vector<16xf32>
      %parallel_loop3A_182 = arith.constant 11.3137083 : f32
      %parallel_loop3A_183 = vector.broadcast %parallel_loop3A_182 : f32 to vector<16xf32>
      %parallel_loop3A_184 = arith.mulf %parallel_loop3A_181, %parallel_loop3A_183 : vector<16xf32>
      %parallel_loop3A_185 = arith.index_cast %parallel_loop3A_93 : i32 to index
      %parallel_loop3A_186 = arith.constant 112 : index
      %parallel_loop3A_187 = tpu.vector_load %arg6[%parallel_loop3A_185, %parallel_loop3A_186] {strides = array<i32>} : memref<128x128xf32, #tpu.memory_space<vmem>>, vector<1x16xf32>,
      %parallel_loop3A_188 = vector.shape_cast %parallel_loop3A_187 : vector<1x16xf32> to vector<16xf32>
      %parallel_loop3A_189 = vector.shape_cast %parallel_loop3A_184 : vector<16xf32> to vector<1x16xf32>
      tpu.vector_store %arg6[%parallel_loop3A_185, %parallel_loop3A_186], %parallel_loop3A_189 {strides = array<i32>} : memref<128x128xf32, #tpu.memory_space<vmem>>, vector<1x16xf32>,
    } {sc.loop_unroll_factor = 4 : i64, sc.parallel_access}
    %add3A_37 = arith.constant 6144 : i32
    %add3A_38 = arith.addi %mul3A_2, %add3A_37 : i32
    %dma_start3A_39 = arith.constant 0 : i32
    %dma_start3A_40 = tpu.memref_slice %arg4[%add3A_38, %dma_start3A_39] : memref<204800x128xf32, #tpu.memory_space<hbm>> -> memref<128x128xf32, #tpu.memory_space<hbm>>
    %dma_start3A_41 = arith.constant 0 : i32
    %dma_start3A_42 = tpu.memref_slice %arg4[%add3A_38, %dma_start3A_41] : memref<204800x128xf32, #tpu.memory_space<hbm>> -> memref<128x128xf32, #tpu.memory_space<hbm>>
    tpu.enqueue_dma source(%arg6 : memref<128x128xf32, #tpu.memory_space<vmem>>) target(%dma_start3A_42 : memref<128x128xf32, #tpu.memory_space<hbm>>) target_semaphore(%arg18 : memref<!tpu.dma_semaphore, #tpu.memory_space<semaphore_mem>>)
    %dma_wait3A_43 = arith.constant 6272 : i32
    %dma_wait3A_44 = tpu.memref_slice %arg5[%dma_wait3A_43] : memref<6400xi32, #tpu.memory_space<vmem>> -> memref<128xi32, #tpu.memory_space<vmem>>
    %dma_wait3A_45 = arith.constant 0 : i32
    %dma_wait3A_46 = arith.constant 0 : i32
    %dma_wait3A_47 = tpu.memref_slice %arg3[%dma_wait3A_45, %dma_wait3A_46] : memref<100000x128xf32, #tpu.memory_space<hbm>> -> memref<100000x128xf32, #tpu.memory_space<hbm>>
    tpu.wait_indirect_dma semaphore(%arg13 : memref<!tpu.dma_semaphore, #tpu.memory_space<semaphore_mem>>) src(%dma_wait3A_47 : memref<100000x128xf32, #tpu.memory_space<hbm>>) dst(%arg7 : memref<128x128xf32, #tpu.memory_space<vmem>>)
    %parallel_loop3A_48 = arith.constant 0 : i32
    %parallel_loop3A_49 = arith.constant 128 : i32
    %parallel_loop3A_50 = arith.constant 1 : i32
    scf.for %parallel_loop3A_93 = %parallel_loop3A_48 to %parallel_loop3A_49 step %parallel_loop3A_50  : i32 {
      %parallel_loop3A_94 = arith.index_cast %parallel_loop3A_93 : i32 to index
      %parallel_loop3A_95 = arith.constant 0 : index
      %parallel_loop3A_96 = tpu.vector_load %arg7[%parallel_loop3A_94, %parallel_loop3A_95] {strides = array<i32>} : memref<128x128xf32, #tpu.memory_space<vmem>>, vector<1x16xf32>,
      %parallel_loop3A_97 = vector.shape_cast %parallel_loop3A_96 : vector<1x16xf32> to vector<16xf32>
      %parallel_loop3A_98 = arith.constant 11.3137083 : f32
      %parallel_loop3A_99 = vector.broadcast %parallel_loop3A_98 : f32 to vector<16xf32>
      %parallel_loop3A_100 = arith.mulf %parallel_loop3A_97, %parallel_loop3A_99 : vector<16xf32>
      %parallel_loop3A_101 = arith.index_cast %parallel_loop3A_93 : i32 to index
      %parallel_loop3A_102 = arith.constant 0 : index
      %parallel_loop3A_103 = tpu.vector_load %arg7[%parallel_loop3A_101, %parallel_loop3A_102] {strides = array<i32>} : memref<128x128xf32, #tpu.memory_space<vmem>>, vector<1x16xf32>,
      %parallel_loop3A_104 = vector.shape_cast %parallel_loop3A_103 : vector<1x16xf32> to vector<16xf32>
      %parallel_loop3A_105 = vector.shape_cast %parallel_loop3A_100 : vector<16xf32> to vector<1x16xf32>
      tpu.vector_store %arg7[%parallel_loop3A_101, %parallel_loop3A_102], %parallel_loop3A_105 {strides = array<i32>} : memref<128x128xf32, #tpu.memory_space<vmem>>, vector<1x16xf32>,
      %parallel_loop3A_106 = arith.index_cast %parallel_loop3A_93 : i32 to index
      %parallel_loop3A_107 = arith.constant 16 : index
      %parallel_loop3A_108 = tpu.vector_load %arg7[%parallel_loop3A_106, %parallel_loop3A_107] {strides = array<i32>} : memref<128x128xf32, #tpu.memory_space<vmem>>, vector<1x16xf32>,
      %parallel_loop3A_109 = vector.shape_cast %parallel_loop3A_108 : vector<1x16xf32> to vector<16xf32>
      %parallel_loop3A_110 = arith.constant 11.3137083 : f32
      %parallel_loop3A_111 = vector.broadcast %parallel_loop3A_110 : f32 to vector<16xf32>
      %parallel_loop3A_112 = arith.mulf %parallel_loop3A_109, %parallel_loop3A_111 : vector<16xf32>
      %parallel_loop3A_113 = arith.index_cast %parallel_loop3A_93 : i32 to index
      %parallel_loop3A_114 = arith.constant 16 : index
      %parallel_loop3A_115 = tpu.vector_load %arg7[%parallel_loop3A_113, %parallel_loop3A_114] {strides = array<i32>} : memref<128x128xf32, #tpu.memory_space<vmem>>, vector<1x16xf32>,
      %parallel_loop3A_116 = vector.shape_cast %parallel_loop3A_115 : vector<1x16xf32> to vector<16xf32>
      %parallel_loop3A_117 = vector.shape_cast %parallel_loop3A_112 : vector<16xf32> to vector<1x16xf32>
      tpu.vector_store %arg7[%parallel_loop3A_113, %parallel_loop3A_114], %parallel_loop3A_117 {strides = array<i32>} : memref<128x128xf32, #tpu.memory_space<vmem>>, vector<1x16xf32>,
      %parallel_loop3A_118 = arith.index_cast %parallel_loop3A_93 : i32 to index
      %parallel_loop3A_119 = arith.constant 32 : index
      %parallel_loop3A_120 = tpu.vector_load %arg7[%parallel_loop3A_118, %parallel_loop3A_119] {strides = array<i32>} : memref<128x128xf32, #tpu.memory_space<vmem>>, vector<1x16xf32>,
      %parallel_loop3A_121 = vector.shape_cast %parallel_loop3A_120 : vector<1x16xf32> to vector<16xf32>
      %parallel_loop3A_122 = arith.constant 11.3137083 : f32
      %parallel_loop3A_123 = vector.broadcast %parallel_loop3A_122 : f32 to vector<16xf32>
      %parallel_loop3A_124 = arith.mulf %parallel_loop3A_121, %parallel_loop3A_123 : vector<16xf32>
      %parallel_loop3A_125 = arith.index_cast %parallel_loop3A_93 : i32 to index
      %parallel_loop3A_126 = arith.constant 32 : index
      %parallel_loop3A_127 = tpu.vector_load %arg7[%parallel_loop3A_125, %parallel_loop3A_126] {strides = array<i32>} : memref<128x128xf32, #tpu.memory_space<vmem>>, vector<1x16xf32>,
      %parallel_loop3A_128 = vector.shape_cast %parallel_loop3A_127 : vector<1x16xf32> to vector<16xf32>
      %parallel_loop3A_129 = vector.shape_cast %parallel_loop3A_124 : vector<16xf32> to vector<1x16xf32>
      tpu.vector_store %arg7[%parallel_loop3A_125, %parallel_loop3A_126], %parallel_loop3A_129 {strides = array<i32>} : memref<128x128xf32, #tpu.memory_space<vmem>>, vector<1x16xf32>,
      %parallel_loop3A_130 = arith.index_cast %parallel_loop3A_93 : i32 to index
      %parallel_loop3A_131 = arith.constant 48 : index
      %parallel_loop3A_132 = tpu.vector_load %arg7[%parallel_loop3A_130, %parallel_loop3A_131] {strides = array<i32>} : memref<128x128xf32, #tpu.memory_space<vmem>>, vector<1x16xf32>,
      %parallel_loop3A_133 = vector.shape_cast %parallel_loop3A_132 : vector<1x16xf32> to vector<16xf32>
      %parallel_loop3A_134 = arith.constant 11.3137083 : f32
      %parallel_loop3A_135 = vector.broadcast %parallel_loop3A_134 : f32 to vector<16xf32>
      %parallel_loop3A_136 = arith.mulf %parallel_loop3A_133, %parallel_loop3A_135 : vector<16xf32>
      %parallel_loop3A_137 = arith.index_cast %parallel_loop3A_93 : i32 to index
      %parallel_loop3A_138 = arith.constant 48 : index
      %parallel_loop3A_139 = tpu.vector_load %arg7[%parallel_loop3A_137, %parallel_loop3A_138] {strides = array<i32>} : memref<128x128xf32, #tpu.memory_space<vmem>>, vector<1x16xf32>,
      %parallel_loop3A_140 = vector.shape_cast %parallel_loop3A_139 : vector<1x16xf32> to vector<16xf32>
      %parallel_loop3A_141 = vector.shape_cast %parallel_loop3A_136 : vector<16xf32> to vector<1x16xf32>
      tpu.vector_store %arg7[%parallel_loop3A_137, %parallel_loop3A_138], %parallel_loop3A_141 {strides = array<i32>} : memref<128x128xf32, #tpu.memory_space<vmem>>, vector<1x16xf32>,
      %parallel_loop3A_142 = arith.index_cast %parallel_loop3A_93 : i32 to index
      %parallel_loop3A_143 = arith.constant 64 : index
      %parallel_loop3A_144 = tpu.vector_load %arg7[%parallel_loop3A_142, %parallel_loop3A_143] {strides = array<i32>} : memref<128x128xf32, #tpu.memory_space<vmem>>, vector<1x16xf32>,
      %parallel_loop3A_145 = vector.shape_cast %parallel_loop3A_144 : vector<1x16xf32> to vector<16xf32>
      %parallel_loop3A_146 = arith.constant 11.3137083 : f32
      %parallel_loop3A_147 = vector.broadcast %parallel_loop3A_146 : f32 to vector<16xf32>
      %parallel_loop3A_148 = arith.mulf %parallel_loop3A_145, %parallel_loop3A_147 : vector<16xf32>
      %parallel_loop3A_149 = arith.index_cast %parallel_loop3A_93 : i32 to index
      %parallel_loop3A_150 = arith.constant 64 : index
      %parallel_loop3A_151 = tpu.vector_load %arg7[%parallel_loop3A_149, %parallel_loop3A_150] {strides = array<i32>} : memref<128x128xf32, #tpu.memory_space<vmem>>, vector<1x16xf32>,
      %parallel_loop3A_152 = vector.shape_cast %parallel_loop3A_151 : vector<1x16xf32> to vector<16xf32>
      %parallel_loop3A_153 = vector.shape_cast %parallel_loop3A_148 : vector<16xf32> to vector<1x16xf32>
      tpu.vector_store %arg7[%parallel_loop3A_149, %parallel_loop3A_150], %parallel_loop3A_153 {strides = array<i32>} : memref<128x128xf32, #tpu.memory_space<vmem>>, vector<1x16xf32>,
      %parallel_loop3A_154 = arith.index_cast %parallel_loop3A_93 : i32 to index
      %parallel_loop3A_155 = arith.constant 80 : index
      %parallel_loop3A_156 = tpu.vector_load %arg7[%parallel_loop3A_154, %parallel_loop3A_155] {strides = array<i32>} : memref<128x128xf32, #tpu.memory_space<vmem>>, vector<1x16xf32>,
      %parallel_loop3A_157 = vector.shape_cast %parallel_loop3A_156 : vector<1x16xf32> to vector<16xf32>
      %parallel_loop3A_158 = arith.constant 11.3137083 : f32
      %parallel_loop3A_159 = vector.broadcast %parallel_loop3A_158 : f32 to vector<16xf32>
      %parallel_loop3A_160 = arith.mulf %parallel_loop3A_157, %parallel_loop3A_159 : vector<16xf32>
      %parallel_loop3A_161 = arith.index_cast %parallel_loop3A_93 : i32 to index
      %parallel_loop3A_162 = arith.constant 80 : index
      %parallel_loop3A_163 = tpu.vector_load %arg7[%parallel_loop3A_161, %parallel_loop3A_162] {strides = array<i32>} : memref<128x128xf32, #tpu.memory_space<vmem>>, vector<1x16xf32>,
      %parallel_loop3A_164 = vector.shape_cast %parallel_loop3A_163 : vector<1x16xf32> to vector<16xf32>
      %parallel_loop3A_165 = vector.shape_cast %parallel_loop3A_160 : vector<16xf32> to vector<1x16xf32>
      tpu.vector_store %arg7[%parallel_loop3A_161, %parallel_loop3A_162], %parallel_loop3A_165 {strides = array<i32>} : memref<128x128xf32, #tpu.memory_space<vmem>>, vector<1x16xf32>,
      %parallel_loop3A_166 = arith.index_cast %parallel_loop3A_93 : i32 to index
      %parallel_loop3A_167 = arith.constant 96 : index
      %parallel_loop3A_168 = tpu.vector_load %arg7[%parallel_loop3A_166, %parallel_loop3A_167] {strides = array<i32>} : memref<128x128xf32, #tpu.memory_space<vmem>>, vector<1x16xf32>,
      %parallel_loop3A_169 = vector.shape_cast %parallel_loop3A_168 : vector<1x16xf32> to vector<16xf32>
      %parallel_loop3A_170 = arith.constant 11.3137083 : f32
      %parallel_loop3A_171 = vector.broadcast %parallel_loop3A_170 : f32 to vector<16xf32>
      %parallel_loop3A_172 = arith.mulf %parallel_loop3A_169, %parallel_loop3A_171 : vector<16xf32>
      %parallel_loop3A_173 = arith.index_cast %parallel_loop3A_93 : i32 to index
      %parallel_loop3A_174 = arith.constant 96 : index
      %parallel_loop3A_175 = tpu.vector_load %arg7[%parallel_loop3A_173, %parallel_loop3A_174] {strides = array<i32>} : memref<128x128xf32, #tpu.memory_space<vmem>>, vector<1x16xf32>,
      %parallel_loop3A_176 = vector.shape_cast %parallel_loop3A_175 : vector<1x16xf32> to vector<16xf32>
      %parallel_loop3A_177 = vector.shape_cast %parallel_loop3A_172 : vector<16xf32> to vector<1x16xf32>
      tpu.vector_store %arg7[%parallel_loop3A_173, %parallel_loop3A_174], %parallel_loop3A_177 {strides = array<i32>} : memref<128x128xf32, #tpu.memory_space<vmem>>, vector<1x16xf32>,
      %parallel_loop3A_178 = arith.index_cast %parallel_loop3A_93 : i32 to index
      %parallel_loop3A_179 = arith.constant 112 : index
      %parallel_loop3A_180 = tpu.vector_load %arg7[%parallel_loop3A_178, %parallel_loop3A_179] {strides = array<i32>} : memref<128x128xf32, #tpu.memory_space<vmem>>, vector<1x16xf32>,
      %parallel_loop3A_181 = vector.shape_cast %parallel_loop3A_180 : vector<1x16xf32> to vector<16xf32>
      %parallel_loop3A_182 = arith.constant 11.3137083 : f32
      %parallel_loop3A_183 = vector.broadcast %parallel_loop3A_182 : f32 to vector<16xf32>
      %parallel_loop3A_184 = arith.mulf %parallel_loop3A_181, %parallel_loop3A_183 : vector<16xf32>
      %parallel_loop3A_185 = arith.index_cast %parallel_loop3A_93 : i32 to index
      %parallel_loop3A_186 = arith.constant 112 : index
      %parallel_loop3A_187 = tpu.vector_load %arg7[%parallel_loop3A_185, %parallel_loop3A_186] {strides = array<i32>} : memref<128x128xf32, #tpu.memory_space<vmem>>, vector<1x16xf32>,
      %parallel_loop3A_188 = vector.shape_cast %parallel_loop3A_187 : vector<1x16xf32> to vector<16xf32>
      %parallel_loop3A_189 = vector.shape_cast %parallel_loop3A_184 : vector<16xf32> to vector<1x16xf32>
      tpu.vector_store %arg7[%parallel_loop3A_185, %parallel_loop3A_186], %parallel_loop3A_189 {strides = array<i32>} : memref<128x128xf32, #tpu.memory_space<vmem>>, vector<1x16xf32>,
    } {sc.loop_unroll_factor = 4 : i64, sc.parallel_access}
    %add3A_51 = arith.constant 6272 : i32
    %add3A_52 = arith.addi %mul3A_2, %add3A_51 : i32
    %dma_start3A_53 = arith.constant 0 : i32
    %dma_start3A_54 = tpu.memref_slice %arg4[%add3A_52, %dma_start3A_53] : memref<204800x128xf32, #tpu.memory_space<hbm>> -> memref<128x128xf32, #tpu.memory_space<hbm>>
    %dma_start3A_55 = arith.constant 0 : i32
    %dma_start3A_56 = tpu.memref_slice %arg4[%add3A_52, %dma_start3A_55] : memref<204800x128xf32, #tpu.memory_space<hbm>> -> memref<128x128xf32, #tpu.memory_space<hbm>>
    tpu.enqueue_dma source(%arg7 : memref<128x128xf32, #tpu.memory_space<vmem>>) target(%dma_start3A_56 : memref<128x128xf32, #tpu.memory_space<hbm>>) target_semaphore(%arg19 : memref<!tpu.dma_semaphore, #tpu.memory_space<semaphore_mem>>)
    %add3A_57 = arith.constant 5632 : i32
    %add3A_58 = arith.addi %mul3A_2, %add3A_57 : i32
    %dma_wait3A_59 = arith.constant 0 : i32
    %dma_wait3A_60 = tpu.memref_slice %arg4[%add3A_58, %dma_wait3A_59] : memref<204800x128xf32, #tpu.memory_space<hbm>> -> memref<128x128xf32, #tpu.memory_space<hbm>>
    %dma_wait3A_61 = arith.constant 0 : i32
    %dma_wait3A_62 = tpu.memref_slice %arg4[%add3A_58, %dma_wait3A_61] : memref<204800x128xf32, #tpu.memory_space<hbm>> -> memref<128x128xf32, #tpu.memory_space<hbm>>
    tpu.wait_dma2 semaphore(%arg20 : memref<!tpu.dma_semaphore, #tpu.memory_space<semaphore_mem>>) src(%arg8 : memref<128x128xf32, #tpu.memory_space<vmem>>) dst(%dma_wait3A_62 : memref<128x128xf32, #tpu.memory_space<hbm>>)
    %add3A_63 = arith.constant 5760 : i32
    %add3A_64 = arith.addi %mul3A_2, %add3A_63 : i32
    %dma_wait3A_65 = arith.constant 0 : i32
    %dma_wait3A_66 = tpu.memref_slice %arg4[%add3A_64, %dma_wait3A_65] : memref<204800x128xf32, #tpu.memory_space<hbm>> -> memref<128x128xf32, #tpu.memory_space<hbm>>
    %dma_wait3A_67 = arith.constant 0 : i32
    %dma_wait3A_68 = tpu.memref_slice %arg4[%add3A_64, %dma_wait3A_67] : memref<204800x128xf32, #tpu.memory_space<hbm>> -> memref<128x128xf32, #tpu.memory_space<hbm>>
    tpu.wait_dma2 semaphore(%arg21 : memref<!tpu.dma_semaphore, #tpu.memory_space<semaphore_mem>>) src(%arg9 : memref<128x128xf32, #tpu.memory_space<vmem>>) dst(%dma_wait3A_68 : memref<128x128xf32, #tpu.memory_space<hbm>>)
    %add3A_69 = arith.constant 5888 : i32
    %add3A_70 = arith.addi %mul3A_2, %add3A_69 : i32
    %dma_wait3A_71 = arith.constant 0 : i32
    %dma_wait3A_72 = tpu.memref_slice %arg4[%add3A_70, %dma_wait3A_71] : memref<204800x128xf32, #tpu.memory_space<hbm>> -> memref<128x128xf32, #tpu.memory_space<hbm>>
    %dma_wait3A_73 = arith.constant 0 : i32
    %dma_wait3A_74 = tpu.memref_slice %arg4[%add3A_70, %dma_wait3A_73] : memref<204800x128xf32, #tpu.memory_space<hbm>> -> memref<128x128xf32, #tpu.memory_space<hbm>>
    tpu.wait_dma2 semaphore(%arg22 : memref<!tpu.dma_semaphore, #tpu.memory_space<semaphore_mem>>) src(%arg10 : memref<128x128xf32, #tpu.memory_space<vmem>>) dst(%dma_wait3A_74 : memref<128x128xf32, #tpu.memory_space<hbm>>)
    %add3A_75 = arith.constant 6016 : i32
    %add3A_76 = arith.addi %mul3A_2, %add3A_75 : i32
    %dma_wait3A_77 = arith.constant 0 : i32
    %dma_wait3A_78 = tpu.memref_slice %arg4[%add3A_76, %dma_wait3A_77] : memref<204800x128xf32, #tpu.memory_space<hbm>> -> memref<128x128xf32, #tpu.memory_space<hbm>>
    %dma_wait3A_79 = arith.constant 0 : i32
    %dma_wait3A_80 = tpu.memref_slice %arg4[%add3A_76, %dma_wait3A_79] : memref<204800x128xf32, #tpu.memory_space<hbm>> -> memref<128x128xf32, #tpu.memory_space<hbm>>
    tpu.wait_dma2 semaphore(%arg23 : memref<!tpu.dma_semaphore, #tpu.memory_space<semaphore_mem>>) src(%arg11 : memref<128x128xf32, #tpu.memory_space<vmem>>) dst(%dma_wait3A_80 : memref<128x128xf32, #tpu.memory_space<hbm>>)
    %add3A_81 = arith.constant 6144 : i32
    %add3A_82 = arith.addi %mul3A_2, %add3A_81 : i32
    %dma_wait3A_83 = arith.constant 0 : i32
    %dma_wait3A_84 = tpu.memref_slice %arg4[%add3A_82, %dma_wait3A_83] : memref<204800x128xf32, #tpu.memory_space<hbm>> -> memref<128x128xf32, #tpu.memory_space<hbm>>
    %dma_wait3A_85 = arith.constant 0 : i32
    %dma_wait3A_86 = tpu.memref_slice %arg4[%add3A_82, %dma_wait3A_85] : memref<204800x128xf32, #tpu.memory_space<hbm>> -> memref<128x128xf32, #tpu.memory_space<hbm>>
    tpu.wait_dma2 semaphore(%arg18 : memref<!tpu.dma_semaphore, #tpu.memory_space<semaphore_mem>>) src(%arg6 : memref<128x128xf32, #tpu.memory_space<vmem>>) dst(%dma_wait3A_86 : memref<128x128xf32, #tpu.memory_space<hbm>>)
    %add3A_87 = arith.constant 6272 : i32
    %add3A_88 = arith.addi %mul3A_2, %add3A_87 : i32
    %dma_wait3A_89 = arith.constant 0 : i32
    %dma_wait3A_90 = tpu.memref_slice %arg4[%add3A_88, %dma_wait3A_89] : memref<204800x128xf32, #tpu.memory_space<hbm>> -> memref<128x128xf32, #tpu.memory_space<hbm>>
    %dma_wait3A_91 = arith.constant 0 : i32
    %dma_wait3A_92 = tpu.memref_slice %arg4[%add3A_88, %dma_wait3A_91] : memref<204800x128xf32, #tpu.memory_space<hbm>> -> memref<128x128xf32, #tpu.memory_space<hbm>>
    tpu.wait_dma2 semaphore(%arg19 : memref<!tpu.dma_semaphore, #tpu.memory_space<semaphore_mem>>) src(%arg7 : memref<128x128xf32, #tpu.memory_space<vmem>>) dst(%dma_wait3A_92 : memref<128x128xf32, #tpu.memory_space<hbm>>)
    return
  }
}

</mosaic_0001>

<sc_bundles>
// kernel: kernel.3.cloned.1.call-start
scs
__scs_entry_jumppad:
0x0: {  	(pc) =	sbr.rel $0x88, $3  }
0x1: {  	(tag) =	ssettag $0x0;
	lr =	simm.s32 $0x1  }
0x2: {  	[smem:$0x3F9F] =	sst lr;
	_ =	strace $0xD0000000  }
0x3: {  	_ = 	snop  }
0x4: {  	_ = 	snop  }
0x5: {  	_ = 	snop  }
0x6: {  	_ = 	snop  }
0x7: {  	_ = 	snop  }
__scs_overlays_trampoline_lowered:
0x8: {  	[smem:$0x3FAE] =	sst s0  }
0x9: {  	[smem:$0x3FAF] =	sst s1  }
0xa: {  	[smem:$0x3FB0] =	sst s2  }
0xb: {  	[smem:$0x3FB1] =	sst s3  }
0xc: {  	[smem:$0x3FB2] =	sst s4  }
0xd: {  	[smem:$0x3FB3] =	sst s5  }
0xe: {  	[smem:$0x3FB4] =	sst s6  }
0xf: {  	[smem:$0x3FB5] =	sst s7  }
0x10: {  	[smem:$0x3FB6] =	sst s8  }
0x11: {  	[smem:$0x3FB7] =	sst s9;
	s0 =	simm.s32 @!p0 $0x0  }
0x12: {  	s1 =	sld [smem:$0x3F9D];
	s0 =	simm.s32 @p0 $0x1  }
0x13: {  	[smem:$0x3FB8] =	sst s0;
	s0 =	simm.s32 @!p1 $0x0  }
0x14: {  	s2 =	sld [smem:$0x3F9C];
	s0 =	simm.s32 @p1 $0x1  }
0x15: {  	[smem:$0x3FB9] =	sst s0;
	s0 =	simm.s32 @!p2 $0x0  }
0x16: {  	s3 =	sld [smem:$0x3FDB];
	s0 =	simm.s32 @p2 $0x1  }
0x17: {  	s4 =	simm.s32 $0x1BF5;
	[smem:$0x3FBB] =	sst s0  }
0x18: {  	s0 =	sld [smem:$0x3F9E];
	_ =	swait.ge [sflag:s4], $0x0  }
0x19: {  	s7 =	sld [smem:$0x3F9F]  }
0x1a: {  	s8 =	sadd.s32 $0xFFFFE003, lr  }
0x1b: {  	s9 =	sadd.s32 $0xFFFFFEF7, lr;
	s5 =	simm.s32 $0xFFFFFFFF;
	p2 =	slt.u32 s8, $0xFFFFF086  }
0x1c: {  	p1 =	slt.u32 s9, $0xF7A;
	s5 =	simm.s32 @!p2 $0x0  }
0x1d: {  	s5 =	simm.s32 @p1 $0x1;
	p0 =	seq.s32 s7, s2  }
0x1e: {  	s7 =	smul.u32 @!p0 $0xF7A, s2;
	p2 =	seq.s32 @!p0 s5, $0x0  }
0x1f: {  	s9 =	smul.u32 $0xF7A, s1;
	s8 =	simm.s32 @!p0 $0x1BF5;
	p2 =	por !p2, p0  }
0x20: {  	[sflag:s8] =	ssyncset.s32 @!p0 $0xFFFFF086;
	s6 =	sadd.s32 @!p0 s3, s7;
	s7 =	simm.s32 @!p0 $0x108  }
0x21: {  	s3 =	sadd.s32 s3, s9;
	s6 =	sadd.s32 @!p0 $0x88, s6;
	s7 =	simm.s32 @p2 $0x1082  }
0x22: {  	[simem:s7], [sflag:s8] =	dma.local @!p0 [hbm:s6], $0xF7A  }
0x23: {  	s9 =	sor.u32 $0xD0000000, s2;
	s6 =	simm.s32 $0x108;
	_ =	swait.ge @!p0 [sflag:s8], $0x0  }
0x24: {  	s3 =	sadd.s32 $0x88, s3;
	s6 =	simm.s32 @!p1 $0x1082;
	[sflag:s4] =	ssyncset.s32 $0xFFFFF086  }
0x25: {  	[simem:s6], [sflag:s4] =	dma.local [hbm:s3], $0xF7A  }
0x26: {  	[smem:$0x3F9F] =	sst s1;
	(tag) =	ssettag s2;
	_ =	strace s9  }
0x27: {  	s1 =	sld [smem:$0x3FAF]  }
0x28: {  	s2 =	sld [smem:$0x3FB0]  }
0x29: {  	s4 =	sld [smem:$0x3FB2]  }
0x2a: {  	p0 =	seq.s32 s5, $0x0;
	s5 =	sld [smem:$0x3FB3]  }
0x2b: {  	s6 =	sld [smem:$0x3FB4]  }
0x2c: {  	s7 =	sld [smem:$0x3FB5]  }
0x2d: {  	s3 =	simm.s32 $0x108;
	s8 =	sld [smem:$0x3FB6]  }
0x2e: {  	s3 =	simm.s32 @!p0 $0x1082;
	s9 =	sld [smem:$0x3FB7]  }
0x2f: {  	lr =	sadd.s32 s0, s3;
	s0 =	sld [smem:$0x3FAE]  }
0x30: {  	s3 =	sld [smem:$0x3FB1]  }
0x31: {  	[smem:$0x3FBA] =	sst s10  }
0x32: {  	s10 =	sld [smem:$0x3FB8];
	_ =	sdelay $0x3  }
0x33: {  	p0 =	seq.s32 s10, $0x1;
	s10 =	sld [smem:$0x3FBA];
	_ =	sdelay $0x3  }
0x34: {  	[smem:$0x3FBA] =	sst s10  }
0x35: {  	s10 =	sld [smem:$0x3FB9];
	_ =	sdelay $0x3  }
0x36: {  	p1 =	seq.s32 s10, $0x1;
	s10 =	sld [smem:$0x3FBA];
	_ =	sdelay $0x3  }
0x37: {  	[smem:$0x3FBA] =	sst s10  }
0x38: {  	s10 =	sld [smem:$0x3FBB]  }
0x39: {  	_ = 	snop;
	(pc) =	sbr.ind lr, $3  }
0x3a: {  	_ = 	snop  }
0x3b: {  	_ = 	snop  }
0x3c: {  	p2 =	seq.s32 s10, $0x1;
	s10 =	sld [smem:$0x3FBA]  }
0x3d: {  	_ =	shalt  }
0x3e: {  	_ =	shalt  }
0x3f: {  	_ =	shalt  }
0x40: {  	_ =	shalt  }
0x41: {  	_ =	shalt  }
0x42: {  	_ =	shalt  }
0x43: {  	_ =	shalt  }
0x44: {  	_ =	shalt  }
0x45: {  	_ =	shalt  }
0x46: {  	_ =	shalt  }
0x47: {  	_ =	shalt  }
0x48: {  	_ =	shalt  }
0x49: {  	_ =	shalt  }
0x4a: {  	_ =	shalt  }
0x4b: {  	_ =	shalt  }
0x4c: {  	_ =	shalt  }
0x4d: {  	_ =	shalt  }
0x4e: {  	_ =	shalt  }
0x4f: {  	_ =	shalt  }
0x50: {  	_ =	shalt  }
0x51: {  	_ =	shalt  }
0x52: {  	_ =	shalt  }
0x53: {  	_ =	shalt  }
0x54: {  	_ =	shalt  }
0x55: {  	_ =	shalt  }
0x56: {  	_ =	shalt  }
0x57: {  	_ =	shalt  }
0x58: {  	_ =	shalt  }
0x59: {  	_ =	shalt  }
0x5a: {  	_ =	shalt  }
0x5b: {  	_ =	shalt  }
0x5c: {  	_ =	shalt  }
0x5d: {  	_ =	shalt  }
0x5e: {  	_ =	shalt  }
0x5f: {  	_ =	shalt  }
0x60: {  	_ =	shalt  }
0x61: {  	_ =	shalt  }
0x62: {  	_ =	shalt  }
0x63: {  	_ =	shalt  }
0x64: {  	_ =	shalt  }
0x65: {  	_ =	shalt  }
0x66: {  	_ =	shalt  }
0x67: {  	_ =	shalt  }
0x68: {  	_ =	shalt  }
0x69: {  	_ =	shalt  }
0x6a: {  	_ =	shalt  }
0x6b: {  	_ =	shalt  }
0x6c: {  	_ =	shalt  }
0x6d: {  	_ =	shalt  }
0x6e: {  	_ =	shalt  }
0x6f: {  	_ =	shalt  }
0x70: {  	_ =	shalt  }
0x71: {  	_ =	shalt  }
0x72: {  	_ =	shalt  }
0x73: {  	_ =	shalt  }
0x74: {  	_ =	shalt  }
0x75: {  	_ =	shalt  }
0x76: {  	_ =	shalt  }
0x77: {  	_ =	shalt  }
0x78: {  	_ =	shalt  }
0x79: {  	_ =	shalt  }
0x7a: {  	_ =	shalt  }
0x7b: {  	_ =	shalt  }
0x7c: {  	_ =	shalt  }
0x7d: {  	_ =	shalt  }
0x7e: {  	_ =	shalt  }
0x7f: {  	_ =	shalt  }
0x80: {  	_ =	shalt  }
0x81: {  	_ =	shalt  }
0x82: {  	_ =	shalt  }
0x83: {  	_ =	shalt  }
0x84: {  	_ =	shalt  }
0x85: {  	_ =	shalt  }
0x86: {  	_ =	shalt  }
0x87: {  	_ =	shalt  }
.Lfunc_end0:
.L_simem_size_0:
called_computation_lowered:
.L_overlay_start_0:
0x88: {  	s2 =	sld [smem:$0x3FD9]  }
0x89: {  	s3 =	sld [smem:$0x3FFE];
	_ =	sdelay $0x1  }
0x8a: {  	s1 =	srdreg.scid  }
0x8b: {  	s0 =	sand.u32 $0x1, s1  }
0x8c: {  	s17 =	sshll.u32 s0, $0xA;
	s2 =	sadd.s32 s3, s2  }
0x8d: {  	s2 =	sadd.s32 s2, s17  }
0x8e: {  	[smem:$0x3FC6] =	sst s2  }
0x8f: {  	_ = 	snop  }
0x90: {  	s2 =	sld [smem:$0x3FC8]  }
0x91: {  	s18 =	sld [smem:$0x3FD0];
	(tm) =	ssettm $0x1  }
0x92: {  	s4 =	sld [smem:$0x3FFB];
	_ =	sdelay $0x3  }
0x93: {  	_ =	strace s4  }
0x94: {  	s4 =	sld [smem:$0x3FFC];
	_ =	sdelay $0x3  }
0x95: {  	_ =	strace s4  }
0x96: {  	s4 =	sld [smem:$0x3FFD];
	_ =	sdelay $0x3  }
0x97: {  	_ =	strace s4  }
0x98: {  	_ =	strace $0x8FFFFFFF  }
0x99: {  	s19 =	sld [smem:$0x3FDB];
	_ =	sdelay $0x1  }
0x9a: {  	s5 =	simm.s32 $_scs_section_size  }
0x9b: {  	s6 =	simm.s32 $_size__tile_overlayer_lowered;
	s7 =	simm.s32 $_tile_overlayer_lowered  }
0x9c: {  	s22 =	simm.s32 $0x1BFF;
	s21 =	sshll.u32 s7, $0x1;
	s4 =	sadd.s32 s5, s19  }
0x9d: {  	s8 =	simm.s32 $0x0;
	s20 =	sshll.u32 s6, $0x1;
	s6 =	sadd.s32 s21, s4  }
0x9e: {  	[timem:s8], [sflag:s22] =	dma.local [hbm:s6], s20  }
0x9f: {  	_ =	swait.ge [sflag:s22], s20  }
0xa0: {  	s5 =	ssub.s32 $0x0, s20;
	[sflag:s22] =	ssyncset.done $0x0  }
0xa1: {  	[sflag:s22] =	ssyncadd.s32 s5;
	_ =	sdelay $0x1  }
0xa2: {  	s23 =	simm.s32 $0x1B8B  }
0xa3: {  	_ =	swait.ge [sflag:s23], $0x1  }
0xa4: {  	[sflag:s23] =	ssyncset.done $0x0  }
0xa5: {  	s25 =	simm.s32 $0x1B8E;
	s24 =	sld [smem:$0x3FFE];
	[sflag:s23] =	ssyncadd.s32 $0xFFFFFFFF  }
0xa6: {  	s26 =	simm.s32 $execute0_lowered;
	[smem:$0x3FD2] =	sst s25  }
0xa7: {  	s6 =	sshll.u32 s26, $0x1;
	_ =	strace $0x80000046;
	[dreg:$0x1] =	wrdreg $0xFFFFFFFF  }
0xa8: {  	s28 =	simm.s32 $_size_execute0_lowered;
	s4 =	sadd.s32 s4, s6;
	[dreg:$0x0] =	wrdreg $0x0  }
0xa9: {  	s6 =	sshll.u32 s28, $0x1;
	[dreg:$0x2] =	wrdreg s4  }
0xaa: {  	[dreg:$0x3] =	wrdreg s6  }
0xab: {  	[dreg:$0x4] =	wrdreg $0xC0  }
0xac: {  	_ =	task [dreg:s8], $0x5FFFF  }
0xad: {  	[dreg:$0x1] =	wrdreg $0xFFFFFFFF  }
0xae: {  	[dreg:$0x0] =	wrdreg $0x60  }
0xaf: {  	[dreg:$0x2] =	wrdreg s24  }
0xb0: {  	[dreg:$0x3] =	wrdreg s2  }
0xb1: {  	[dreg:$0x4] =	wrdreg s18  }
0xb2: {  	[dreg:$0x5] =	wrdreg $0x9  }
0xb3: {  	_ =	task.clear_ibuf [dreg:s8], $0x6FFFF;
	_ =	strace $0x90000046  }
0xb4: {  	s29 =	simm.s32 $0x9;
	_ =	strace $0x80000048  }
0xb5: {  	_ =	swait.ge [sflag:s29], $0x1  }
0xb6: {  	[sflag:s29] =	ssyncadd.s32 $0xFFFFFFFF  }
0xb7: {  	_ =	strace $0x90000048  }
0xb8: {  	_ =	sfence  }
0xb9: {  	s30 =	sld [smem:$0x0];
	_ =	sdelay $0x2  }
0xba: {  	s31 =	sshll.u32 s1, $0xD;
	s1 =	sshrl.u32 s1, $0x2  }
0xbb: {  	s3 =	sand.u32 $0x4000, s31;
	s1 =	sadd.s32 s1, s30  }
0xbc: {  	s0 =	sor.u32 s3, s0;
	s1 =	sshll.u32 s1, $0x11  }
0xbd: {  	s0 =	sor.u32 s1, s0  }
0xbe: {  	s0 =	sadd.s32 $0x8F2B, s0  }
0xbf: {  	[sflag:s0] =	ssyncadd.remote.s32 $0x1  }
0xc0: {  	_ =	sfence.sel $0xFFFF  }
0xc1: {  	[dreg:$0x0] =	wrdreg $0xFFFFFFFF;
	(pc) =	sbr.abs _section_cstart, $3  }
0xc2: {  	[dreg:$0x1] =	wrdreg $0xFFFFFFFF  }
0xc3: {  	_ =	task.clear_ibuf [dreg:s8], $0x2FFFF;
	_ =	strace $0x9FFFFFFF  }
0xc4: {  	(tm) =	ssettm $0x7FFFFFFF  }
0xc5: {  	_ =	shalt  }
tec
execute0_lowered:
.L_overlay_start_1:
0x0: {  	(tag) =	ssettag $0x1  }
0x1: {  	s0 =	srdreg.scid  }
0x2: {  	s2 =	stileid.u32;
	s1 =	rddreg [dreg:$0x0]  }
0x3: {  	s5 =	simm.s32 $0x0;
	s16 =	simm.s32 $0x80;
	s17 =	simm.s32 $0x1900  }
0x4: {  	s18 =	simm.s32 $0x5900;
	s20 =	simm.s32 $0x9900;
	s22 =	simm.s32 $0xD900  }
0x5: {  	s28 =	simm.s32 $0x7;
	s29 =	simm.s32 $0x2;
	s30 =	simm.s32 $0x8  }
0x6: {  	s31 =	simm.s32 $0x3;
	s19 =	simm.s32 $0x6;
	s12 =	simm.s32 $0x0  }
0x7: {  	s0 =	sand.u32 $0x1, s0;
	s3 =	sshll.u32 s2, $0x1;
	s2 =	rddreg [dreg:$0x1]  }
0x8: {  	[smem:$0x7FF] =	sst s5;
	s6 =	sor.u32 s0, s3;
	s0 =	ssub.s32 $0x2, s0  }
0x9: {  	s3 =	rddreg [dreg:$0x2];
	s4 =	smul.u32 $0x1900, s6;
	s24 =	sshrl.u32 s0, $0x1  }
0xa: {  	_ =	strace $0x80000047;
	s6 =	smul.u32 $0xC8000, s6;
	s0 =	ssub.s32 s0, s24  }
0xb: {  	s24 =	simm.s32 $0x11900;
	s7 =	sshrl.u32 s4, $0x3;
	s8 =	sor.u32 $0x80, s4  }
0xc: {  	s9 =	sadd.s32 $0x8000, s6;
	s25 =	sshrl.u32 s6, $0x3;
	s1 =	sadd.s32 s7, s1  }
0xd: {  	s10 =	sadd.s32 $0xC000, s6;
	s11 =	sadd.s32 $0x10000, s6;
	s1 =	sadd.s32 $0x400, s1  }
0xe: {  	s0 =	smax.u32 s0, $0x1;
	[dreg:$0x4] =	wrdreg s1;
	s1 =	sadd.s32 s3, s25  }
0xf: {  	[dreg:$0x7] =	wrdreg s0;
	s0 =	simm.s32 $0x5;
	s26 =	sadd.s32 $0x18000, s1  }
0x10: {  	s25 =	simm.s32 $0x15900;
	s1 =	sadd.s32 $0x18800, s1;
	[dreg:$0x5] =	wrdreg s26  }
0x11: {  	[dreg:$0x6] =	wrdreg s1;
	s26 =	simm.s32 $0x1;
	s1 =	simm.s32 $0x4  }
.LBB2_1:
0x12: {  	[dreg:$0x8] =	wrdreg s12  }
0x13: {  	s7 =	rddreg [dreg:$0x4];
	s14 =	simm.s32 $0xD  }
0x14: {  	[tilespmem:s5], [sflag:$0xD] =	stream.linear.gather [hbm4b:s7+s5], $0x1900, $0x38;
	[tilespmem:$0x19900] =	vst v63  }
0x15: {  	_ =	swait.ge [sflag:s14], $0x1900  }
0x16: {  	[sflag:s14] =	ssyncset.done $0x0  }
0x17: {  	[sflag:s14] =	ssyncadd.s32 $0xFFFFE700  }
0x18: {  	[tilespmem:s17], [sflag:$0x1] =	stream.indirect.gather [hbm4b:s2+s16], $0x80, s5, s16, $0xb8;
	[tilespmem:$0x19900] =	vst v63  }
0x19: {  	_ = 	snop  }
0x1a: {  	[tilespmem:s18], [sflag:$0x2] =	stream.indirect.gather [hbm4b:s2+s16], $0x80, s16, s16, $0xb8;
	[tilespmem:$0x19900] =	vst v63  }
0x1b: {  	s15 =	simm.s32 $0x100  }
0x1c: {  	[tilespmem:s20], [sflag:$0x3] =	stream.indirect.gather [hbm4b:s2+s16], $0x80, s15, s16, $0xb8;
	[tilespmem:$0x19900] =	vst v63  }
0x1d: {  	s21 =	simm.s32 $0x180  }
0x1e: {  	[tilespmem:s22], [sflag:$0x4] =	stream.indirect.gather [hbm4b:s2+s16], $0x80, s21, s16, $0xb8;
	[tilespmem:$0x19900] =	vst v63  }
0x1f: {  	s23 =	simm.s32 $0x200;
	s14 =	simm.s32 $0x0  }
0x20: {  	[tilespmem:s24], [sflag:$0x5] =	stream.indirect.gather [hbm4b:s2+s16], $0x80, s23, s16, $0xb8;
	[tilespmem:$0x19900] =	vst v63  }
.LBB2_2:
0x21: {  	s7 =	smul.u32 $0x6, s14;
	p0 =	seq.s32 s14, $0x0  }
0x22: {  	s12 =	simm.s32 @!p0 $0xC  }
0x23: {  	s15 =	sadd.s32 $0x5, s7;
	_ =	swait.ge @!p0 [sflag:s12], $0x4000  }
0x24: {  	[sflag:s12] =	ssyncset.done @!p0 $0x0;
	s7 =	sshll.u32 s15, $0x7  }
0x25: {  	[sflag:s12] =	ssyncadd.s32 @!p0 $0xFFFFC000;
	s7 =	sand.u32 $0x3FFFFF80, s7  }
0x26: {  	[tilespmem:s25], [sflag:$0x6] =	stream.indirect.gather [hbm4b:s2+s16], $0x80, s7, s16, $0xb8;
	[tilespmem:$0x19900] =	vst v63  }
0x27: {  	_ =	swait.ge [sflag:s26], $0x4000  }
0x28: {  	[sflag:s26] =	ssyncset.done $0x0  }
0x29: {  	s21 =	simm.s32 $0x1A00;
	[sflag:s26] =	ssyncadd.s32 $0xFFFFC000  }
0x2a: {  	v0 =	vld [tilespmem:s21+$0xF0]  }
0x2b: {  	v1 =	vld [tilespmem:s21+$0xFFFFFF10]  }
0x2c: {  	v2 =	vld [tilespmem:s21+$0xFFFFFF20]  }
0x2d: {  	v3 =	vld [tilespmem:s21+$0xFFFFFF30]  }
0x2e: {  	v6 =	vld [tilespmem:s21+$0xFFFFFF60]  }
0x2f: {  	v4 =	vld [tilespmem:s21+$0xFFFFFF40]  }
0x30: {  	v5 =	vld [tilespmem:s21+$0xFFFFFF50];
	v0 =	vmul.f32 $1.131370830e+01, v0  }
0x31: {  	v8 =	vld [tilespmem:s21+$0xFFFFFF80];
	v1 =	vmul.f32 $1.131370830e+01, v1  }
0x32: {  	v7 =	vld [tilespmem:s21+$0xFFFFFF70];
	v2 =	vmul.f32 $1.131370830e+01, v2;
	[tilespmem:s21+$0xF0] =	vst v0  }
0x33: {  	v6 =	vmul.f32 $1.131370830e+01, v6;
	v0 =	vld [tilespmem:s21+$0xFFFFFF90];
	[tilespmem:s21+$0xFFFFFF10] =	vst v1  }
0x34: {  	v1 =	vmul.f32 $1.131370830e+01, v3;
	v3 =	vld [tilespmem:s21+$0xFFFFFFA0];
	[tilespmem:s21+$0xFFFFFF20] =	vst v2;
	v2 =	vmul.f32 $1.131370830e+01, v4  }
0x35: {  	[tilespmem:s21+$0xFFFFFF60] =	vst v6;
	v6 =	vld [tilespmem:s21+$0xFFFFFFF0]  }
0x36: {  	v4 =	vld [tilespmem:s21+$0xFFFFFFB0];
	[tilespmem:s21+$0xFFFFFF40] =	vst v2;
	v2 =	vmul.f32 $1.131370830e+01, v8  }
0x37: {  	[tilespmem:s21+$0xFFFFFF30] =	vst v1;
	v1 =	vmul.f32 $1.131370830e+01, v5;
	v5 =	vld [tilespmem:s21+$0xFFFFFFC0]  }
0x38: {  	v8 =	vld [tilespmem:s21+$0xFFFFFFD0];
	[tilespmem:s21+$0xFFFFFF80] =	vst v2;
	v2 =	vmul.f32 $1.131370830e+01, v7  }
0x39: {  	[tilespmem:s21+$0xFFFFFF50] =	vst v1;
	v1 =	vld [tilespmem:s21+$0xFFFFFFE0];
	v0 =	vmul.f32 $1.131370830e+01, v0  }
0x3a: {  	v7 =	vld [tilespmem:s21+$0x30];
	v6 =	vmul.f32 $1.131370830e+01, v6;
	[tilespmem:s21+$0xFFFFFF70] =	vst v2  }
0x3b: {  	v2 =	vmul.f32 $1.131370830e+01, v3;
	v3 =	vld [tilespmem:s21+$0x0];
	[tilespmem:s21+$0xFFFFFF90] =	vst v0  }
0x3c: {  	v0 =	vmul.f32 $1.131370830e+01, v4;
	v4 =	vld [tilespmem:s21+$0x10];
	[tilespmem:s21+$0xFFFFFFF0] =	vst v6  }
0x3d: {  	[tilespmem:s21+$0xFFFFFFA0] =	vst v2;
	v2 =	vmul.f32 $1.131370830e+01, v5;
	v5 =	vld [tilespmem:s21+$0x20]  }
0x3e: {  	v6 =	vld [tilespmem:s21+$0x80];
	[tilespmem:s21+$0xFFFFFFB0] =	vst v0;
	v0 =	vmul.f32 $1.131370830e+01, v8  }
0x3f: {  	v1 =	vmul.f32 $1.131370830e+01, v1;
	[tilespmem:s21+$0xFFFFFFC0] =	vst v2;
	v2 =	vld [tilespmem:s21+$0x40]  }
0x40: {  	[tilespmem:s21+$0xFFFFFFD0] =	vst v0;
	v0 =	vmul.f32 $1.131370830e+01, v3;
	v3 =	vld [tilespmem:s21+$0x50]  }
0x41: {  	[tilespmem:s21+$0xFFFFFFE0] =	vst v1;
	v1 =	vld [tilespmem:s21+$0x60];
	v4 =	vmul.f32 $1.131370830e+01, v4  }
0x42: {  	[tilespmem:s21+$0x0] =	vst v0;
	v0 =	vmul.f32 $1.131370830e+01, v5;
	v5 =	vld [tilespmem:s21+$0x70]  }
0x43: {  	v6 =	vmul.f32 $1.131370830e+01, v6;
	[tilespmem:s21+$0x10] =	vst v4  }
0x44: {  	v4 =	vmul.f32 $1.131370830e+01, v7;
	v7 =	vld [tilespmem:s21+$0x90];
	[tilespmem:s21+$0x20] =	vst v0;
	v0 =	vmul.f32 $1.131370830e+01, v2  }
0x45: {  	v8 =	vld [tilespmem:s21+$0xA0];
	[tilespmem:s21+$0x80] =	vst v6;
	v2 =	vmul.f32 $1.131370830e+01, v3  }
0x46: {  	v3 =	vmul.f32 $1.131370830e+01, v1;
	[tilespmem:s21+$0x40] =	vst v0;
	v0 =	vld [tilespmem:s21+$0xB0]  }
0x47: {  	v1 =	vld [tilespmem:s21+$0xC0];
	[tilespmem:s21+$0x50] =	vst v2;
	v2 =	vmul.f32 $1.131370830e+01, v5  }
0x48: {  	[tilespmem:s21+$0x60] =	vst v3;
	v3 =	vld [tilespmem:s21+$0xD0]  }
0x49: {  	v5 =	vmul.f32 $1.131370830e+01, v7;
	[tilespmem:s21+$0x70] =	vst v2;
	v2 =	vld [tilespmem:s21+$0xE0]  }
0x4a: {  	s12 =	simm.s32 $0x1C00;
	s7 =	simm.s32 $0x0;
	v6 =	vmul.f32 $1.131370830e+01, v8;
	[tilespmem:s21+$0x30] =	vst v4;
	v4 =	vld [tilespmem:s21+$0xFFFFFF00]  }
.LBB2_3:
0x4b: {  	v7 =	vld [tilespmem:s12+$0xF0];
	s7 =	sadd.s32 $0x4, s7;
	[tilespmem:s21+$0x90] =	vst v5;
	v0 =	vmul.f32 $1.131370830e+01, v0  }
0x4c: {  	v5 =	vld [tilespmem:s12+$0xFFFFFF10];
	p0 =	slt.u32 s7, $0x7C;
	[tilespmem:s21+$0xA0] =	vst v6;
	v1 =	vmul.f32 $1.131370830e+01, v1  }
0x4d: {  	v6 =	vld [tilespmem:s12+$0xFFFFFF20];
	[tilespmem:s21+$0xB0] =	vst v0;
	v0 =	vmul.f32 $1.131370830e+01, v3  }
0x4e: {  	v3 =	vld [tilespmem:s12+$0xFFFFFF30];
	[tilespmem:s21+$0xC0] =	vst v1;
	v1 =	vmul.f32 $1.131370830e+01, v2  }
0x4f: {  	v2 =	vld [tilespmem:s12+$0xFFFFFF40];
	v4 =	vmul.f32 $1.131370830e+01, v4;
	[tilespmem:s21+$0xD0] =	vst v0  }
0x50: {  	v0 =	vld [tilespmem:s12+$0xFFFFFF50];
	v7 =	vmul.f32 $1.131370830e+01, v7;
	[tilespmem:s21+$0xE0] =	vst v1  }
0x51: {  	v1 =	vmul.f32 $1.131370830e+01, v5;
	v5 =	vld [tilespmem:s12+$0xFFFFFF60];
	[tilespmem:s21+$0xFFFFFF00] =	vst v4;
	s21 =	smov.u32 s12  }
0x52: {  	v4 =	vmul.f32 $1.131370830e+01, v6;
	v6 =	vld [tilespmem:s12+$0xFFFFFF70];
	[tilespmem:s12+$0xF0] =	vst v7  }
0x53: {  	[tilespmem:s12+$0xFFFFFF10] =	vst v1;
	v1 =	vmul.f32 $1.131370830e+01, v3;
	v3 =	vld [tilespmem:s12+$0xFFFFFF80]  }
0x54: {  	[tilespmem:s12+$0xFFFFFF20] =	vst v4;
	v2 =	vmul.f32 $1.131370830e+01, v2;
	v4 =	vld [tilespmem:s12+$0xFFFFFF90]  }
0x55: {  	[tilespmem:s12+$0xFFFFFF30] =	vst v1;
	v0 =	vmul.f32 $1.131370830e+01, v0;
	v1 =	vld [tilespmem:s12+$0xFFFFFFA0]  }
0x56: {  	[tilespmem:s12+$0xFFFFFF40] =	vst v2;
	v2 =	vmul.f32 $1.131370830e+01, v5;
	v5 =	vld [tilespmem:s12+$0xFFFFFFB0]  }
0x57: {  	[tilespmem:s12+$0xFFFFFF50] =	vst v0;
	v0 =	vmul.f32 $1.131370830e+01, v6;
	v6 =	vld [tilespmem:s12+$0xFFFFFFC0]  }
0x58: {  	[tilespmem:s12+$0xFFFFFF60] =	vst v2;
	v2 =	vmul.f32 $1.131370830e+01, v3;
	v3 =	vld [tilespmem:s12+$0xFFFFFFD0]  }
0x59: {  	[tilespmem:s12+$0xFFFFFF70] =	vst v0;
	v0 =	vmul.f32 $1.131370830e+01, v4;
	v4 =	vld [tilespmem:s12+$0xFFFFFFE0]  }
0x5a: {  	[tilespmem:s12+$0xFFFFFF80] =	vst v2;
	v1 =	vmul.f32 $1.131370830e+01, v1;
	v2 =	vld [tilespmem:s12+$0xFFFFFFF0]  }
0x5b: {  	[tilespmem:s12+$0xFFFFFF90] =	vst v0;
	v0 =	vmul.f32 $1.131370830e+01, v5;
	v5 =	vld [tilespmem:s12+$0x0]  }
0x5c: {  	[tilespmem:s12+$0xFFFFFFA0] =	vst v1;
	v1 =	vmul.f32 $1.131370830e+01, v6;
	v6 =	vld [tilespmem:s12+$0x10]  }
0x5d: {  	[tilespmem:s12+$0xFFFFFFB0] =	vst v0;
	v0 =	vmul.f32 $1.131370830e+01, v3;
	v3 =	vld [tilespmem:s12+$0x20]  }
0x5e: {  	[tilespmem:s12+$0xFFFFFFC0] =	vst v1;
	v1 =	vmul.f32 $1.131370830e+01, v4;
	v4 =	vld [tilespmem:s12+$0x30]  }
0x5f: {  	[tilespmem:s12+$0xFFFFFFD0] =	vst v0;
	v0 =	vmul.f32 $1.131370830e+01, v2;
	v2 =	vld [tilespmem:s12+$0x40]  }
0x60: {  	[tilespmem:s12+$0xFFFFFFE0] =	vst v1;
	v1 =	vmul.f32 $1.131370830e+01, v5;
	v5 =	vld [tilespmem:s12+$0x50]  }
0x61: {  	[tilespmem:s12+$0xFFFFFFF0] =	vst v0;
	v0 =	vmul.f32 $1.131370830e+01, v6;
	v6 =	vld [tilespmem:s12+$0x60]  }
0x62: {  	[tilespmem:s12+$0x0] =	vst v1;
	v1 =	vmul.f32 $1.131370830e+01, v3;
	v3 =	vld [tilespmem:s12+$0x70]  }
0x63: {  	[tilespmem:s12+$0x10] =	vst v0;
	v0 =	vmul.f32 $1.131370830e+01, v4;
	v4 =	vld [tilespmem:s12+$0x80]  }
0x64: {  	[tilespmem:s12+$0x20] =	vst v1;
	v1 =	vmul.f32 $1.131370830e+01, v2;
	v2 =	vld [tilespmem:s12+$0x90]  }
0x65: {  	[tilespmem:s12+$0x30] =	vst v0;
	v5 =	vmul.f32 $1.131370830e+01, v5;
	v7 =	vld [tilespmem:s12+$0xA0]  }
.Ltmp0:
0x66: {  	[tilespmem:s12+$0x40] =	vst v1;
	v6 =	vmul.f32 $1.131370830e+01, v6;
	v0 =	vld [tilespmem:s12+$0xB0];
	(pc) =	sbr.rel @p0 .LBB2_3-.Ltmp0, $4  }
0x67: {  	[tilespmem:s12+$0x50] =	vst v5;
	v5 =	vmul.f32 $1.131370830e+01, v3;
	v1 =	vld [tilespmem:s12+$0xC0]  }
0x68: {  	[tilespmem:s12+$0x60] =	vst v6;
	v6 =	vmul.f32 $1.131370830e+01, v4;
	v3 =	vld [tilespmem:s12+$0xD0]  }
0x69: {  	[tilespmem:s12+$0x70] =	vst v5;
	v5 =	vmul.f32 $1.131370830e+01, v2;
	v2 =	vld [tilespmem:s12+$0xE0]  }
0x6a: {  	s12 =	sadd.s32 $0x200, s12;
	v4 =	vld [tilespmem:s21+$0xFFFFFF00];
	[tilespmem:s21+$0x80] =	vst v6;
	v6 =	vmul.f32 $1.131370830e+01, v7  }
0x6b: {  	[tilespmem:s21+$0x90] =	vst v5;
	v0 =	vmul.f32 $1.131370830e+01, v0  }
0x6c: {  	[tilespmem:s21+$0xA0] =	vst v6;
	v1 =	vmul.f32 $1.131370830e+01, v1  }
0x6d: {  	s23 =	smul.u32 $0x300, s14;
	[tilespmem:s21+$0xB0] =	vst v0;
	v0 =	vmul.f32 $1.131370830e+01, v3  }
0x6e: {  	[tilespmem:s21+$0xC0] =	vst v1;
	v1 =	vmul.f32 $1.131370830e+01, v2  }
0x6f: {  	s7 =	sadd.s32 s4, s23;
	v2 =	vmul.f32 $1.131370830e+01, v4;
	[tilespmem:s21+$0xD0] =	vst v0  }
0x70: {  	s7 =	sshll.u32 s7, $0x4;
	[tilespmem:s21+$0xE0] =	vst v1  }
0x71: {  	s7 =	sadd.s32 s3, s7;
	[tilespmem:s21+$0xFFFFFF00] =	vst v2;
	s21 =	smul.u32 $0xC00, s14  }
0x72: {  	[hbm4b:s7+s5] =	stream.linear.scatter [tilespmem:s17], [sflag:$0x7], $0x4000, $0x38;
	[tilespmem:$0x19900] =	vst v63  }
0x73: {  	_ =	swait.ge [sflag:s28], $0x4000  }
0x74: {  	s21 =	sshra.s32 s21, $0x2;
	[sflag:s28] =	ssyncset.done $0x0  }
0x75: {  	s7 =	sadd.s32 $0x300, s21;
	[sflag:s28] =	ssyncadd.s32 $0xFFFFC000  }
0x76: {  	[tilespmem:s17], [sflag:$0x1] =	stream.indirect.gather [hbm4b:s2+s16], $0x80, s7, s16, $0xb8;
	[tilespmem:$0x19900] =	vst v63  }
0x77: {  	_ =	swait.ge [sflag:s29], $0x4000  }
0x78: {  	[sflag:s29] =	ssyncset.done $0x0  }
0x79: {  	s7 =	simm.s32 $0x5A00;
	[sflag:s29] =	ssyncadd.s32 $0xFFFFC000  }
0x7a: {  	v0 =	vld [tilespmem:s7+$0xF0]  }
0x7b: {  	v1 =	vld [tilespmem:s7+$0xFFFFFF10]  }
0x7c: {  	v2 =	vld [tilespmem:s7+$0xFFFFFF20]  }
0x7d: {  	v3 =	vld [tilespmem:s7+$0xFFFFFF30]  }
0x7e: {  	v6 =	vld [tilespmem:s7+$0xFFFFFF60]  }
0x7f: {  	v4 =	vld [tilespmem:s7+$0xFFFFFF40]  }
0x80: {  	v5 =	vld [tilespmem:s7+$0xFFFFFF50];
	v0 =	vmul.f32 $1.131370830e+01, v0  }
0x81: {  	v8 =	vld [tilespmem:s7+$0xFFFFFF80];
	v1 =	vmul.f32 $1.131370830e+01, v1  }
0x82: {  	v7 =	vld [tilespmem:s7+$0xFFFFFF70];
	v2 =	vmul.f32 $1.131370830e+01, v2;
	[tilespmem:s7+$0xF0] =	vst v0  }
0x83: {  	v6 =	vmul.f32 $1.131370830e+01, v6;
	v0 =	vld [tilespmem:s7+$0xFFFFFF90];
	[tilespmem:s7+$0xFFFFFF10] =	vst v1  }
0x84: {  	v1 =	vmul.f32 $1.131370830e+01, v3;
	v3 =	vld [tilespmem:s7+$0xFFFFFFA0];
	[tilespmem:s7+$0xFFFFFF20] =	vst v2;
	v2 =	vmul.f32 $1.131370830e+01, v4  }
0x85: {  	[tilespmem:s7+$0xFFFFFF60] =	vst v6;
	v6 =	vld [tilespmem:s7+$0xFFFFFFF0]  }
0x86: {  	v4 =	vld [tilespmem:s7+$0xFFFFFFB0];
	[tilespmem:s7+$0xFFFFFF40] =	vst v2;
	v2 =	vmul.f32 $1.131370830e+01, v8  }
0x87: {  	[tilespmem:s7+$0xFFFFFF30] =	vst v1;
	v1 =	vmul.f32 $1.131370830e+01, v5;
	v5 =	vld [tilespmem:s7+$0xFFFFFFC0]  }
0x88: {  	v8 =	vld [tilespmem:s7+$0xFFFFFFD0];
	[tilespmem:s7+$0xFFFFFF80] =	vst v2;
	v2 =	vmul.f32 $1.131370830e+01, v7  }
0x89: {  	[tilespmem:s7+$0xFFFFFF50] =	vst v1;
	v1 =	vld [tilespmem:s7+$0xFFFFFFE0];
	v0 =	vmul.f32 $1.131370830e+01, v0  }
0x8a: {  	v7 =	vld [tilespmem:s7+$0x30];
	v6 =	vmul.f32 $1.131370830e+01, v6;
	[tilespmem:s7+$0xFFFFFF70] =	vst v2  }
0x8b: {  	v2 =	vmul.f32 $1.131370830e+01, v3;
	v3 =	vld [tilespmem:s7+$0x0];
	[tilespmem:s7+$0xFFFFFF90] =	vst v0  }
0x8c: {  	v0 =	vmul.f32 $1.131370830e+01, v4;
	v4 =	vld [tilespmem:s7+$0x10];
	[tilespmem:s7+$0xFFFFFFF0] =	vst v6  }
0x8d: {  	[tilespmem:s7+$0xFFFFFFA0] =	vst v2;
	v2 =	vmul.f32 $1.131370830e+01, v5;
	v5 =	vld [tilespmem:s7+$0x20]  }
0x8e: {  	v6 =	vld [tilespmem:s7+$0x80];
	[tilespmem:s7+$0xFFFFFFB0] =	vst v0;
	v0 =	vmul.f32 $1.131370830e+01, v8  }
0x8f: {  	v1 =	vmul.f32 $1.131370830e+01, v1;
	[tilespmem:s7+$0xFFFFFFC0] =	vst v2;
	v2 =	vld [tilespmem:s7+$0x40]  }
0x90: {  	[tilespmem:s7+$0xFFFFFFD0] =	vst v0;
	v0 =	vmul.f32 $1.131370830e+01, v3  }
0x91: {  	v3 =	vld [tilespmem:s7+$0x50];
	[tilespmem:s7+$0xFFFFFFE0] =	vst v1;
	v4 =	vmul.f32 $1.131370830e+01, v4  }
0x92: {  	v1 =	vld [tilespmem:s7+$0x60];
	[tilespmem:s7+$0x0] =	vst v0;
	v0 =	vmul.f32 $1.131370830e+01, v5  }
0x93: {  	v6 =	vmul.f32 $1.131370830e+01, v6;
	v5 =	vld [tilespmem:s7+$0x70];
	[tilespmem:s7+$0x10] =	vst v4  }
0x94: {  	v4 =	vmul.f32 $1.131370830e+01, v7;
	v7 =	vld [tilespmem:s7+$0x90];
	[tilespmem:s7+$0x20] =	vst v0;
	v0 =	vmul.f32 $1.131370830e+01, v2  }
0x95: {  	v8 =	vld [tilespmem:s7+$0xA0];
	[tilespmem:s7+$0x80] =	vst v6  }
0x96: {  	v2 =	vmul.f32 $1.131370830e+01, v3;
	[tilespmem:s7+$0x40] =	vst v0;
	v0 =	vld [tilespmem:s7+$0xB0]  }
0x97: {  	[tilespmem:s7+$0x30] =	vst v4;
	v3 =	vmul.f32 $1.131370830e+01, v1;
	v1 =	vld [tilespmem:s7+$0xC0]  }
0x98: {  	[tilespmem:s7+$0x50] =	vst v2;
	v4 =	vmul.f32 $1.131370830e+01, v5;
	v2 =	vld [tilespmem:s7+$0xD0]  }
0x99: {  	[tilespmem:s7+$0x60] =	vst v3;
	v3 =	vld [tilespmem:s7+$0xE0];
	v5 =	vmul.f32 $1.131370830e+01, v7  }
0x9a: {  	s12 =	simm.s32 $0x0;
	s13 =	simm.s32 $0x5C00;
	v6 =	vmul.f32 $1.131370830e+01, v8;
	[tilespmem:s7+$0x70] =	vst v4;
	v4 =	vld [tilespmem:s7+$0xFFFFFF00]  }
.LBB2_5:
0x9b: {  	v7 =	vld [tilespmem:s13+$0xF0];
	s12 =	sadd.s32 $0x4, s12;
	[tilespmem:s7+$0x90] =	vst v5;
	v0 =	vmul.f32 $1.131370830e+01, v0  }
0x9c: {  	v5 =	vld [tilespmem:s13+$0xFFFFFF10];
	p0 =	slt.u32 s12, $0x7C;
	[tilespmem:s7+$0xA0] =	vst v6;
	v1 =	vmul.f32 $1.131370830e+01, v1  }
0x9d: {  	v6 =	vld [tilespmem:s13+$0xFFFFFF20];
	[tilespmem:s7+$0xB0] =	vst v0;
	v0 =	vmul.f32 $1.131370830e+01, v2  }
0x9e: {  	v2 =	vld [tilespmem:s13+$0xFFFFFF30];
	[tilespmem:s7+$0xC0] =	vst v1;
	v1 =	vmul.f32 $1.131370830e+01, v3  }
0x9f: {  	v3 =	vld [tilespmem:s13+$0xFFFFFF40];
	v4 =	vmul.f32 $1.131370830e+01, v4;
	[tilespmem:s7+$0xD0] =	vst v0  }
0xa0: {  	v0 =	vld [tilespmem:s13+$0xFFFFFF50];
	v7 =	vmul.f32 $1.131370830e+01, v7;
	[tilespmem:s7+$0xE0] =	vst v1  }
0xa1: {  	v1 =	vmul.f32 $1.131370830e+01, v5;
	v5 =	vld [tilespmem:s13+$0xFFFFFF60];
	[tilespmem:s7+$0xFFFFFF00] =	vst v4;
	s7 =	smov.u32 s13  }
0xa2: {  	v4 =	vmul.f32 $1.131370830e+01, v6;
	v6 =	vld [tilespmem:s13+$0xFFFFFF70];
	[tilespmem:s13+$0xF0] =	vst v7  }
0xa3: {  	[tilespmem:s13+$0xFFFFFF10] =	vst v1;
	v1 =	vmul.f32 $1.131370830e+01, v2;
	v2 =	vld [tilespmem:s13+$0xFFFFFF80]  }
0xa4: {  	[tilespmem:s13+$0xFFFFFF20] =	vst v4;
	v3 =	vmul.f32 $1.131370830e+01, v3;
	v4 =	vld [tilespmem:s13+$0xFFFFFF90]  }
0xa5: {  	[tilespmem:s13+$0xFFFFFF30] =	vst v1;
	v0 =	vmul.f32 $1.131370830e+01, v0;
	v1 =	vld [tilespmem:s13+$0xFFFFFFA0]  }
0xa6: {  	[tilespmem:s13+$0xFFFFFF40] =	vst v3;
	v3 =	vmul.f32 $1.131370830e+01, v5;
	v5 =	vld [tilespmem:s13+$0xFFFFFFB0]  }
0xa7: {  	[tilespmem:s13+$0xFFFFFF50] =	vst v0;
	v0 =	vmul.f32 $1.131370830e+01, v6;
	v6 =	vld [tilespmem:s13+$0xFFFFFFC0]  }
0xa8: {  	[tilespmem:s13+$0xFFFFFF60] =	vst v3;
	v2 =	vmul.f32 $1.131370830e+01, v2;
	v3 =	vld [tilespmem:s13+$0xFFFFFFD0]  }
0xa9: {  	[tilespmem:s13+$0xFFFFFF70] =	vst v0;
	v0 =	vmul.f32 $1.131370830e+01, v4;
	v4 =	vld [tilespmem:s13+$0xFFFFFFE0]  }
0xaa: {  	[tilespmem:s13+$0xFFFFFF80] =	vst v2;
	v1 =	vmul.f32 $1.131370830e+01, v1;
	v2 =	vld [tilespmem:s13+$0xFFFFFFF0]  }
0xab: {  	[tilespmem:s13+$0xFFFFFF90] =	vst v0;
	v0 =	vmul.f32 $1.131370830e+01, v5;
	v5 =	vld [tilespmem:s13+$0x0]  }
0xac: {  	[tilespmem:s13+$0xFFFFFFA0] =	vst v1;
	v1 =	vmul.f32 $1.131370830e+01, v6;
	v6 =	vld [tilespmem:s13+$0x10]  }
0xad: {  	[tilespmem:s13+$0xFFFFFFB0] =	vst v0;
	v0 =	vmul.f32 $1.131370830e+01, v3;
	v3 =	vld [tilespmem:s13+$0x20]  }
0xae: {  	[tilespmem:s13+$0xFFFFFFC0] =	vst v1;
	v1 =	vmul.f32 $1.131370830e+01, v4;
	v4 =	vld [tilespmem:s13+$0x30]  }
0xaf: {  	[tilespmem:s13+$0xFFFFFFD0] =	vst v0;
	v0 =	vmul.f32 $1.131370830e+01, v2;
	v2 =	vld [tilespmem:s13+$0x40]  }
0xb0: {  	[tilespmem:s13+$0xFFFFFFE0] =	vst v1;
	v1 =	vmul.f32 $1.131370830e+01, v5;
	v5 =	vld [tilespmem:s13+$0x50]  }
0xb1: {  	[tilespmem:s13+$0xFFFFFFF0] =	vst v0;
	v0 =	vmul.f32 $1.131370830e+01, v6;
	v6 =	vld [tilespmem:s13+$0x60]  }
0xb2: {  	[tilespmem:s13+$0x0] =	vst v1;
	v1 =	vmul.f32 $1.131370830e+01, v3;
	v3 =	vld [tilespmem:s13+$0x70]  }
0xb3: {  	[tilespmem:s13+$0x10] =	vst v0;
	v0 =	vmul.f32 $1.131370830e+01, v4;
	v4 =	vld [tilespmem:s13+$0x80]  }
0xb4: {  	[tilespmem:s13+$0x20] =	vst v1;
	v1 =	vmul.f32 $1.131370830e+01, v2;
	v7 =	vld [tilespmem:s13+$0x90]  }
0xb5: {  	[tilespmem:s13+$0x30] =	vst v0;
	v2 =	vmul.f32 $1.131370830e+01, v5;
	v8 =	vld [tilespmem:s13+$0xA0]  }
.Ltmp1:
0xb6: {  	[tilespmem:s13+$0x40] =	vst v1;
	v5 =	vmul.f32 $1.131370830e+01, v6;
	v0 =	vld [tilespmem:s13+$0xB0];
	(pc) =	sbr.rel @p0 .LBB2_5-.Ltmp1, $4  }
0xb7: {  	[tilespmem:s13+$0x50] =	vst v2;
	v3 =	vmul.f32 $1.131370830e+01, v3;
	v1 =	vld [tilespmem:s13+$0xC0]  }
0xb8: {  	[tilespmem:s13+$0x60] =	vst v5;
	v6 =	vmul.f32 $1.131370830e+01, v4;
	v2 =	vld [tilespmem:s13+$0xD0]  }
0xb9: {  	[tilespmem:s13+$0x70] =	vst v3;
	v5 =	vmul.f32 $1.131370830e+01, v7;
	v3 =	vld [tilespmem:s13+$0xE0]  }
0xba: {  	s13 =	sadd.s32 $0x200, s13;
	v4 =	vld [tilespmem:s7+$0xFFFFFF00];
	[tilespmem:s7+$0x80] =	vst v6;
	v6 =	vmul.f32 $1.131370830e+01, v8  }
0xbb: {  	[tilespmem:s7+$0x90] =	vst v5;
	v0 =	vmul.f32 $1.131370830e+01, v0  }
0xbc: {  	[tilespmem:s7+$0xA0] =	vst v6;
	v1 =	vmul.f32 $1.131370830e+01, v1  }
0xbd: {  	[tilespmem:s7+$0xB0] =	vst v0;
	v0 =	vmul.f32 $1.131370830e+01, v2  }
0xbe: {  	[tilespmem:s7+$0xC0] =	vst v1;
	v1 =	vmul.f32 $1.131370830e+01, v3  }
0xbf: {  	s12 =	sadd.s32 s23, s8;
	v2 =	vmul.f32 $1.131370830e+01, v4;
	[tilespmem:s7+$0xD0] =	vst v0  }
0xc0: {  	s12 =	sshll.u32 s12, $0x4;
	[tilespmem:s7+$0xE0] =	vst v1  }
0xc1: {  	s13 =	sadd.s32 s3, s12;
	[tilespmem:s7+$0xFFFFFF00] =	vst v2  }
0xc2: {  	[hbm4b:s13+s5] =	stream.linear.scatter [tilespmem:s18], [sflag:$0x8], $0x4000, $0x38;
	[tilespmem:$0x19900] =	vst v63  }
0xc3: {  	_ =	swait.ge [sflag:s30], $0x4000  }
0xc4: {  	[sflag:s30] =	ssyncset.done $0x0  }
0xc5: {  	s23 =	sadd.s32 $0x380, s21;
	[sflag:s30] =	ssyncadd.s32 $0xFFFFC000  }
0xc6: {  	[tilespmem:s18], [sflag:$0x2] =	stream.indirect.gather [hbm4b:s2+s16], $0x80, s23, s16, $0xb8;
	[tilespmem:$0x19900] =	vst v63  }
0xc7: {  	_ =	swait.ge [sflag:s31], $0x4000  }
0xc8: {  	[sflag:s31] =	ssyncset.done $0x0  }
0xc9: {  	s7 =	simm.s32 $0x9A00;
	[sflag:s31] =	ssyncadd.s32 $0xFFFFC000  }
0xca: {  	v0 =	vld [tilespmem:s7+$0xF0]  }
0xcb: {  	v1 =	vld [tilespmem:s7+$0xFFFFFF10]  }
0xcc: {  	v2 =	vld [tilespmem:s7+$0xFFFFFF20]  }
0xcd: {  	v3 =	vld [tilespmem:s7+$0xFFFFFF30]  }
0xce: {  	v6 =	vld [tilespmem:s7+$0xFFFFFF60]  }
0xcf: {  	v4 =	vld [tilespmem:s7+$0xFFFFFF40]  }
0xd0: {  	v5 =	vld [tilespmem:s7+$0xFFFFFF50];
	v0 =	vmul.f32 $1.131370830e+01, v0  }
0xd1: {  	v8 =	vld [tilespmem:s7+$0xFFFFFF80];
	v1 =	vmul.f32 $1.131370830e+01, v1  }
0xd2: {  	v7 =	vld [tilespmem:s7+$0xFFFFFF70];
	v2 =	vmul.f32 $1.131370830e+01, v2;
	[tilespmem:s7+$0xF0] =	vst v0  }
0xd3: {  	v6 =	vmul.f32 $1.131370830e+01, v6;
	v0 =	vld [tilespmem:s7+$0xFFFFFF90];
	[tilespmem:s7+$0xFFFFFF10] =	vst v1  }
0xd4: {  	v1 =	vmul.f32 $1.131370830e+01, v3;
	v3 =	vld [tilespmem:s7+$0xFFFFFFA0];
	[tilespmem:s7+$0xFFFFFF20] =	vst v2;
	v2 =	vmul.f32 $1.131370830e+01, v4  }
0xd5: {  	[tilespmem:s7+$0xFFFFFF60] =	vst v6;
	v6 =	vld [tilespmem:s7+$0xFFFFFFF0]  }
0xd6: {  	v4 =	vld [tilespmem:s7+$0xFFFFFFB0];
	[tilespmem:s7+$0xFFFFFF40] =	vst v2;
	v2 =	vmul.f32 $1.131370830e+01, v8  }
0xd7: {  	[tilespmem:s7+$0xFFFFFF30] =	vst v1;
	v1 =	vmul.f32 $1.131370830e+01, v5;
	v5 =	vld [tilespmem:s7+$0xFFFFFFC0]  }
0xd8: {  	v8 =	vld [tilespmem:s7+$0xFFFFFFD0];
	[tilespmem:s7+$0xFFFFFF80] =	vst v2;
	v2 =	vmul.f32 $1.131370830e+01, v7  }
0xd9: {  	[tilespmem:s7+$0xFFFFFF50] =	vst v1;
	v1 =	vld [tilespmem:s7+$0xFFFFFFE0];
	v0 =	vmul.f32 $1.131370830e+01, v0  }
0xda: {  	v7 =	vld [tilespmem:s7+$0x30];
	v6 =	vmul.f32 $1.131370830e+01, v6;
	[tilespmem:s7+$0xFFFFFF70] =	vst v2  }
0xdb: {  	v2 =	vmul.f32 $1.131370830e+01, v3;
	v3 =	vld [tilespmem:s7+$0x0];
	[tilespmem:s7+$0xFFFFFF90] =	vst v0  }
0xdc: {  	v0 =	vmul.f32 $1.131370830e+01, v4;
	v4 =	vld [tilespmem:s7+$0x10];
	[tilespmem:s7+$0xFFFFFFF0] =	vst v6  }
0xdd: {  	[tilespmem:s7+$0xFFFFFFA0] =	vst v2;
	v2 =	vmul.f32 $1.131370830e+01, v5;
	v5 =	vld [tilespmem:s7+$0x20]  }
0xde: {  	v6 =	vld [tilespmem:s7+$0x80];
	[tilespmem:s7+$0xFFFFFFB0] =	vst v0;
	v0 =	vmul.f32 $1.131370830e+01, v8  }
0xdf: {  	v1 =	vmul.f32 $1.131370830e+01, v1;
	[tilespmem:s7+$0xFFFFFFC0] =	vst v2;
	v2 =	vld [tilespmem:s7+$0x40]  }
0xe0: {  	[tilespmem:s7+$0xFFFFFFD0] =	vst v0;
	v0 =	vmul.f32 $1.131370830e+01, v3;
	v3 =	vld [tilespmem:s7+$0x50]  }
0xe1: {  	[tilespmem:s7+$0xFFFFFFE0] =	vst v1;
	v1 =	vld [tilespmem:s7+$0x60];
	v4 =	vmul.f32 $1.131370830e+01, v4  }
0xe2: {  	[tilespmem:s7+$0x0] =	vst v0;
	v0 =	vmul.f32 $1.131370830e+01, v5;
	v5 =	vld [tilespmem:s7+$0x70]  }
0xe3: {  	v6 =	vmul.f32 $1.131370830e+01, v6;
	[tilespmem:s7+$0x10] =	vst v4  }
0xe4: {  	v4 =	vmul.f32 $1.131370830e+01, v7;
	v7 =	vld [tilespmem:s7+$0x90];
	[tilespmem:s7+$0x20] =	vst v0;
	v0 =	vmul.f32 $1.131370830e+01, v2  }
0xe5: {  	v8 =	vld [tilespmem:s7+$0xA0];
	[tilespmem:s7+$0x80] =	vst v6;
	v2 =	vmul.f32 $1.131370830e+01, v3  }
0xe6: {  	v3 =	vmul.f32 $1.131370830e+01, v1;
	[tilespmem:s7+$0x40] =	vst v0;
	v0 =	vld [tilespmem:s7+$0xB0]  }
0xe7: {  	v1 =	vld [tilespmem:s7+$0xC0];
	[tilespmem:s7+$0x50] =	vst v2;
	v2 =	vmul.f32 $1.131370830e+01, v5  }
0xe8: {  	[tilespmem:s7+$0x60] =	vst v3;
	v3 =	vld [tilespmem:s7+$0xD0]  }
0xe9: {  	v5 =	vmul.f32 $1.131370830e+01, v7;
	[tilespmem:s7+$0x70] =	vst v2;
	v2 =	vld [tilespmem:s7+$0xE0]  }
0xea: {  	s12 =	simm.s32 $0x0;
	s13 =	simm.s32 $0x9C00;
	v6 =	vmul.f32 $1.131370830e+01, v8;
	[tilespmem:s7+$0x30] =	vst v4;
	v4 =	vld [tilespmem:s7+$0xFFFFFF00]  }
.LBB2_7:
0xeb: {  	v7 =	vld [tilespmem:s13+$0xF0];
	s12 =	sadd.s32 $0x4, s12;
	[tilespmem:s7+$0x90] =	vst v5;
	v0 =	vmul.f32 $1.131370830e+01, v0  }
0xec: {  	v5 =	vld [tilespmem:s13+$0xFFFFFF10];
	p0 =	slt.u32 s12, $0x7C;
	[tilespmem:s7+$0xA0] =	vst v6;
	v1 =	vmul.f32 $1.131370830e+01, v1  }
0xed: {  	v6 =	vld [tilespmem:s13+$0xFFFFFF20];
	[tilespmem:s7+$0xB0] =	vst v0;
	v0 =	vmul.f32 $1.131370830e+01, v3  }
0xee: {  	v3 =	vld [tilespmem:s13+$0xFFFFFF30];
	[tilespmem:s7+$0xC0] =	vst v1;
	v1 =	vmul.f32 $1.131370830e+01, v2  }
0xef: {  	v2 =	vld [tilespmem:s13+$0xFFFFFF40];
	v4 =	vmul.f32 $1.131370830e+01, v4;
	[tilespmem:s7+$0xD0] =	vst v0  }
0xf0: {  	v0 =	vld [tilespmem:s13+$0xFFFFFF50];
	v7 =	vmul.f32 $1.131370830e+01, v7;
	[tilespmem:s7+$0xE0] =	vst v1  }
0xf1: {  	v1 =	vmul.f32 $1.131370830e+01, v5;
	v5 =	vld [tilespmem:s13+$0xFFFFFF60];
	[tilespmem:s7+$0xFFFFFF00] =	vst v4;
	s7 =	smov.u32 s13  }
0xf2: {  	v4 =	vmul.f32 $1.131370830e+01, v6;
	v6 =	vld [tilespmem:s13+$0xFFFFFF70];
	[tilespmem:s13+$0xF0] =	vst v7  }
0xf3: {  	[tilespmem:s13+$0xFFFFFF10] =	vst v1;
	v1 =	vmul.f32 $1.131370830e+01, v3;
	v3 =	vld [tilespmem:s13+$0xFFFFFF80]  }
0xf4: {  	[tilespmem:s13+$0xFFFFFF20] =	vst v4;
	v2 =	vmul.f32 $1.131370830e+01, v2;
	v4 =	vld [tilespmem:s13+$0xFFFFFF90]  }
0xf5: {  	[tilespmem:s13+$0xFFFFFF30] =	vst v1;
	v0 =	vmul.f32 $1.131370830e+01, v0;
	v1 =	vld [tilespmem:s13+$0xFFFFFFA0]  }
0xf6: {  	[tilespmem:s13+$0xFFFFFF40] =	vst v2;
	v2 =	vmul.f32 $1.131370830e+01, v5;
	v5 =	vld [tilespmem:s13+$0xFFFFFFB0]  }
0xf7: {  	[tilespmem:s13+$0xFFFFFF50] =	vst v0;
	v0 =	vmul.f32 $1.131370830e+01, v6;
	v6 =	vld [tilespmem:s13+$0xFFFFFFC0]  }
0xf8: {  	[tilespmem:s13+$0xFFFFFF60] =	vst v2;
	v2 =	vmul.f32 $1.131370830e+01, v3;
	v3 =	vld [tilespmem:s13+$0xFFFFFFD0]  }
0xf9: {  	[tilespmem:s13+$0xFFFFFF70] =	vst v0;
	v0 =	vmul.f32 $1.131370830e+01, v4;
	v4 =	vld [tilespmem:s13+$0xFFFFFFE0]  }
0xfa: {  	[tilespmem:s13+$0xFFFFFF80] =	vst v2;
	v1 =	vmul.f32 $1.131370830e+01, v1;
	v2 =	vld [tilespmem:s13+$0xFFFFFFF0]  }
0xfb: {  	[tilespmem:s13+$0xFFFFFF90] =	vst v0;
	v0 =	vmul.f32 $1.131370830e+01, v5;
	v5 =	vld [tilespmem:s13+$0x0]  }
0xfc: {  	[tilespmem:s13+$0xFFFFFFA0] =	vst v1;
	v1 =	vmul.f32 $1.131370830e+01, v6;
	v6 =	vld [tilespmem:s13+$0x10]  }
0xfd: {  	[tilespmem:s13+$0xFFFFFFB0] =	vst v0;
	v0 =	vmul.f32 $1.131370830e+01, v3;
	v3 =	vld [tilespmem:s13+$0x20]  }
0xfe: {  	[tilespmem:s13+$0xFFFFFFC0] =	vst v1;
	v1 =	vmul.f32 $1.131370830e+01, v4;
	v4 =	vld [tilespmem:s13+$0x30]  }
0xff: {  	[tilespmem:s13+$0xFFFFFFD0] =	vst v0;
	v0 =	vmul.f32 $1.131370830e+01, v2;
	v2 =	vld [tilespmem:s13+$0x40]  }
0x100: {  	[tilespmem:s13+$0xFFFFFFE0] =	vst v1;
	v1 =	vmul.f32 $1.131370830e+01, v5;
	v5 =	vld [tilespmem:s13+$0x50]  }
0x101: {  	[tilespmem:s13+$0xFFFFFFF0] =	vst v0;
	v0 =	vmul.f32 $1.131370830e+01, v6;
	v6 =	vld [tilespmem:s13+$0x60]  }
0x102: {  	[tilespmem:s13+$0x0] =	vst v1;
	v1 =	vmul.f32 $1.131370830e+01, v3;
	v3 =	vld [tilespmem:s13+$0x70]  }
0x103: {  	[tilespmem:s13+$0x10] =	vst v0;
	v0 =	vmul.f32 $1.131370830e+01, v4;
	v4 =	vld [tilespmem:s13+$0x80]  }
0x104: {  	[tilespmem:s13+$0x20] =	vst v1;
	v1 =	vmul.f32 $1.131370830e+01, v2;
	v2 =	vld [tilespmem:s13+$0x90]  }
0x105: {  	[tilespmem:s13+$0x30] =	vst v0;
	v5 =	vmul.f32 $1.131370830e+01, v5;
	v7 =	vld [tilespmem:s13+$0xA0]  }
.Ltmp2:
0x106: {  	[tilespmem:s13+$0x40] =	vst v1;
	v6 =	vmul.f32 $1.131370830e+01, v6;
	v0 =	vld [tilespmem:s13+$0xB0];
	(pc) =	sbr.rel @p0 .LBB2_7-.Ltmp2, $4  }
0x107: {  	[tilespmem:s13+$0x50] =	vst v5;
	v5 =	vmul.f32 $1.131370830e+01, v3;
	v1 =	vld [tilespmem:s13+$0xC0]  }
0x108: {  	[tilespmem:s13+$0x60] =	vst v6;
	v6 =	vmul.f32 $1.131370830e+01, v4;
	v3 =	vld [tilespmem:s13+$0xD0]  }
0x109: {  	[tilespmem:s13+$0x70] =	vst v5;
	v5 =	vmul.f32 $1.131370830e+01, v2;
	v2 =	vld [tilespmem:s13+$0xE0]  }
0x10a: {  	s13 =	sadd.s32 $0x200, s13;
	v4 =	vld [tilespmem:s7+$0xFFFFFF00];
	[tilespmem:s7+$0x80] =	vst v6;
	v6 =	vmul.f32 $1.131370830e+01, v7  }
0x10b: {  	[tilespmem:s7+$0x90] =	vst v5;
	v0 =	vmul.f32 $1.131370830e+01, v0  }
0x10c: {  	[tilespmem:s7+$0xA0] =	vst v6;
	v1 =	vmul.f32 $1.131370830e+01, v1  }
0x10d: {  	s23 =	smul.u32 $0x18000, s14;
	[tilespmem:s7+$0xB0] =	vst v0;
	v0 =	vmul.f32 $1.131370830e+01, v3  }
0x10e: {  	[tilespmem:s7+$0xC0] =	vst v1;
	v1 =	vmul.f32 $1.131370830e+01, v2  }
0x10f: {  	s12 =	sadd.s32 s9, s23;
	v2 =	vmul.f32 $1.131370830e+01, v4;
	[tilespmem:s7+$0xD0] =	vst v0  }
0x110: {  	p0 =	seq.s32 s14, $0x7;
	s12 =	sshrl.u32 s12, $0x3;
	[tilespmem:s7+$0xE0] =	vst v1  }
0x111: {  	s13 =	sadd.s32 s3, s12;
	[tilespmem:s7+$0xFFFFFF00] =	vst v2;
	s7 =	simm.s32 @!p0 $0x9  }
0x112: {  	[hbm4b:s13+s5] =	stream.linear.scatter [tilespmem:s20], [sflag:$0x9], $0x4000, $0x38;
	[tilespmem:$0x19900] =	vst v63  }
0x113: {  	_ =	swait.ge @!p0 [sflag:s7], $0x4000  }
0x114: {  	s12 =	simm.s32 @!p0 $0x80;
	[sflag:s7] =	ssyncset.done @!p0 $0x0  }
0x115: {  	s13 =	simm.s32 @!p0 $0x9900;
	[sflag:s7] =	ssyncadd.s32 @!p0 $0xFFFFC000;
	s7 =	sadd.s32 @!p0 $0x400, s21  }
0x116: {  	[tilespmem:s13], [sflag:$0x3] =	stream.indirect.gather @!p0 [hbm4b:s2+s12], $0x80, s7, s12, $0xb8;
	[tilespmem:$0x19900] =	vst v63  }
0x117: {  	_ =	swait.ge [sflag:s1], $0x4000  }
0x118: {  	[sflag:s1] =	ssyncset.done $0x0  }
0x119: {  	s7 =	simm.s32 $0xDA00;
	[sflag:s1] =	ssyncadd.s32 $0xFFFFC000  }
0x11a: {  	v0 =	vld [tilespmem:s7+$0xF0]  }
0x11b: {  	v1 =	vld [tilespmem:s7+$0xFFFFFF10]  }
0x11c: {  	v2 =	vld [tilespmem:s7+$0xFFFFFF20]  }
0x11d: {  	v3 =	vld [tilespmem:s7+$0xFFFFFF30]  }
0x11e: {  	v6 =	vld [tilespmem:s7+$0xFFFFFF60]  }
0x11f: {  	v4 =	vld [tilespmem:s7+$0xFFFFFF40]  }
0x120: {  	v5 =	vld [tilespmem:s7+$0xFFFFFF50];
	v0 =	vmul.f32 $1.131370830e+01, v0  }
0x121: {  	v8 =	vld [tilespmem:s7+$0xFFFFFF80];
	v1 =	vmul.f32 $1.131370830e+01, v1  }
0x122: {  	v7 =	vld [tilespmem:s7+$0xFFFFFF70];
	v2 =	vmul.f32 $1.131370830e+01, v2;
	[tilespmem:s7+$0xF0] =	vst v0  }
0x123: {  	v6 =	vmul.f32 $1.131370830e+01, v6;
	v0 =	vld [tilespmem:s7+$0xFFFFFF90];
	[tilespmem:s7+$0xFFFFFF10] =	vst v1  }
0x124: {  	v1 =	vmul.f32 $1.131370830e+01, v3;
	v3 =	vld [tilespmem:s7+$0xFFFFFFA0];
	[tilespmem:s7+$0xFFFFFF20] =	vst v2;
	v2 =	vmul.f32 $1.131370830e+01, v4  }
0x125: {  	[tilespmem:s7+$0xFFFFFF60] =	vst v6;
	v6 =	vld [tilespmem:s7+$0xFFFFFFF0]  }
0x126: {  	v4 =	vld [tilespmem:s7+$0xFFFFFFB0];
	[tilespmem:s7+$0xFFFFFF40] =	vst v2;
	v2 =	vmul.f32 $1.131370830e+01, v8  }
0x127: {  	[tilespmem:s7+$0xFFFFFF30] =	vst v1;
	v1 =	vmul.f32 $1.131370830e+01, v5;
	v5 =	vld [tilespmem:s7+$0xFFFFFFC0]  }
0x128: {  	v8 =	vld [tilespmem:s7+$0xFFFFFFD0];
	[tilespmem:s7+$0xFFFFFF80] =	vst v2;
	v2 =	vmul.f32 $1.131370830e+01, v7  }
0x129: {  	[tilespmem:s7+$0xFFFFFF50] =	vst v1;
	v1 =	vld [tilespmem:s7+$0xFFFFFFE0];
	v0 =	vmul.f32 $1.131370830e+01, v0  }
0x12a: {  	v7 =	vld [tilespmem:s7+$0x30];
	v6 =	vmul.f32 $1.131370830e+01, v6;
	[tilespmem:s7+$0xFFFFFF70] =	vst v2  }
0x12b: {  	v2 =	vmul.f32 $1.131370830e+01, v3;
	v3 =	vld [tilespmem:s7+$0x0];
	[tilespmem:s7+$0xFFFFFF90] =	vst v0  }
0x12c: {  	v0 =	vmul.f32 $1.131370830e+01, v4;
	v4 =	vld [tilespmem:s7+$0x10];
	[tilespmem:s7+$0xFFFFFFF0] =	vst v6  }
0x12d: {  	[tilespmem:s7+$0xFFFFFFA0] =	vst v2;
	v2 =	vmul.f32 $1.131370830e+01, v5;
	v5 =	vld [tilespmem:s7+$0x20]  }
0x12e: {  	v6 =	vld [tilespmem:s7+$0x80];
	[tilespmem:s7+$0xFFFFFFB0] =	vst v0;
	v0 =	vmul.f32 $1.131370830e+01, v8  }
0x12f: {  	v1 =	vmul.f32 $1.131370830e+01, v1;
	[tilespmem:s7+$0xFFFFFFC0] =	vst v2;
	v2 =	vld [tilespmem:s7+$0x40]  }
0x130: {  	[tilespmem:s7+$0xFFFFFFD0] =	vst v0;
	v0 =	vmul.f32 $1.131370830e+01, v3  }
0x131: {  	v3 =	vld [tilespmem:s7+$0x50];
	[tilespmem:s7+$0xFFFFFFE0] =	vst v1;
	v4 =	vmul.f32 $1.131370830e+01, v4  }
0x132: {  	v1 =	vld [tilespmem:s7+$0x60];
	[tilespmem:s7+$0x0] =	vst v0;
	v0 =	vmul.f32 $1.131370830e+01, v5  }
0x133: {  	v6 =	vmul.f32 $1.131370830e+01, v6;
	v5 =	vld [tilespmem:s7+$0x70];
	[tilespmem:s7+$0x10] =	vst v4  }
0x134: {  	v4 =	vmul.f32 $1.131370830e+01, v7;
	v7 =	vld [tilespmem:s7+$0x90];
	[tilespmem:s7+$0x20] =	vst v0;
	v0 =	vmul.f32 $1.131370830e+01, v2  }
0x135: {  	v8 =	vld [tilespmem:s7+$0xA0];
	[tilespmem:s7+$0x80] =	vst v6  }
0x136: {  	v2 =	vmul.f32 $1.131370830e+01, v3;
	[tilespmem:s7+$0x40] =	vst v0;
	v0 =	vld [tilespmem:s7+$0xB0]  }
0x137: {  	[tilespmem:s7+$0x30] =	vst v4;
	v3 =	vmul.f32 $1.131370830e+01, v1;
	v1 =	vld [tilespmem:s7+$0xC0]  }
0x138: {  	[tilespmem:s7+$0x50] =	vst v2;
	v4 =	vmul.f32 $1.131370830e+01, v5;
	v2 =	vld [tilespmem:s7+$0xD0]  }
0x139: {  	[tilespmem:s7+$0x60] =	vst v3;
	v3 =	vld [tilespmem:s7+$0xE0];
	v5 =	vmul.f32 $1.131370830e+01, v7  }
0x13a: {  	s12 =	simm.s32 $0x0;
	s13 =	simm.s32 $0xDC00;
	v6 =	vmul.f32 $1.131370830e+01, v8;
	[tilespmem:s7+$0x70] =	vst v4;
	v4 =	vld [tilespmem:s7+$0xFFFFFF00]  }
.LBB2_9:
0x13b: {  	v7 =	vld [tilespmem:s13+$0xF0];
	s12 =	sadd.s32 $0x4, s12;
	[tilespmem:s7+$0x90] =	vst v5;
	v0 =	vmul.f32 $1.131370830e+01, v0  }
0x13c: {  	v5 =	vld [tilespmem:s13+$0xFFFFFF10];
	p1 =	slt.u32 s12, $0x7C;
	[tilespmem:s7+$0xA0] =	vst v6;
	v1 =	vmul.f32 $1.131370830e+01, v1  }
0x13d: {  	v6 =	vld [tilespmem:s13+$0xFFFFFF20];
	[tilespmem:s7+$0xB0] =	vst v0;
	v0 =	vmul.f32 $1.131370830e+01, v2  }
0x13e: {  	v2 =	vld [tilespmem:s13+$0xFFFFFF30];
	[tilespmem:s7+$0xC0] =	vst v1;
	v1 =	vmul.f32 $1.131370830e+01, v3  }
0x13f: {  	v3 =	vld [tilespmem:s13+$0xFFFFFF40];
	v4 =	vmul.f32 $1.131370830e+01, v4;
	[tilespmem:s7+$0xD0] =	vst v0  }
0x140: {  	v0 =	vld [tilespmem:s13+$0xFFFFFF50];
	v7 =	vmul.f32 $1.131370830e+01, v7;
	[tilespmem:s7+$0xE0] =	vst v1  }
0x141: {  	v1 =	vmul.f32 $1.131370830e+01, v5;
	v5 =	vld [tilespmem:s13+$0xFFFFFF60];
	[tilespmem:s7+$0xFFFFFF00] =	vst v4;
	s7 =	smov.u32 s13  }
0x142: {  	v4 =	vmul.f32 $1.131370830e+01, v6;
	v6 =	vld [tilespmem:s13+$0xFFFFFF70];
	[tilespmem:s13+$0xF0] =	vst v7  }
0x143: {  	[tilespmem:s13+$0xFFFFFF10] =	vst v1;
	v1 =	vmul.f32 $1.131370830e+01, v2;
	v2 =	vld [tilespmem:s13+$0xFFFFFF80]  }
0x144: {  	[tilespmem:s13+$0xFFFFFF20] =	vst v4;
	v3 =	vmul.f32 $1.131370830e+01, v3;
	v4 =	vld [tilespmem:s13+$0xFFFFFF90]  }
0x145: {  	[tilespmem:s13+$0xFFFFFF30] =	vst v1;
	v0 =	vmul.f32 $1.131370830e+01, v0;
	v1 =	vld [tilespmem:s13+$0xFFFFFFA0]  }
0x146: {  	[tilespmem:s13+$0xFFFFFF40] =	vst v3;
	v3 =	vmul.f32 $1.131370830e+01, v5;
	v5 =	vld [tilespmem:s13+$0xFFFFFFB0]  }
0x147: {  	[tilespmem:s13+$0xFFFFFF50] =	vst v0;
	v0 =	vmul.f32 $1.131370830e+01, v6;
	v6 =	vld [tilespmem:s13+$0xFFFFFFC0]  }
0x148: {  	[tilespmem:s13+$0xFFFFFF60] =	vst v3;
	v2 =	vmul.f32 $1.131370830e+01, v2;
	v3 =	vld [tilespmem:s13+$0xFFFFFFD0]  }
0x149: {  	[tilespmem:s13+$0xFFFFFF70] =	vst v0;
	v0 =	vmul.f32 $1.131370830e+01, v4;
	v4 =	vld [tilespmem:s13+$0xFFFFFFE0]  }
0x14a: {  	[tilespmem:s13+$0xFFFFFF80] =	vst v2;
	v1 =	vmul.f32 $1.131370830e+01, v1;
	v2 =	vld [tilespmem:s13+$0xFFFFFFF0]  }
0x14b: {  	[tilespmem:s13+$0xFFFFFF90] =	vst v0;
	v0 =	vmul.f32 $1.131370830e+01, v5;
	v5 =	vld [tilespmem:s13+$0x0]  }
0x14c: {  	[tilespmem:s13+$0xFFFFFFA0] =	vst v1;
	v1 =	vmul.f32 $1.131370830e+01, v6;
	v6 =	vld [tilespmem:s13+$0x10]  }
0x14d: {  	[tilespmem:s13+$0xFFFFFFB0] =	vst v0;
	v0 =	vmul.f32 $1.131370830e+01, v3;
	v3 =	vld [tilespmem:s13+$0x20]  }
0x14e: {  	[tilespmem:s13+$0xFFFFFFC0] =	vst v1;
	v1 =	vmul.f32 $1.131370830e+01, v4;
	v4 =	vld [tilespmem:s13+$0x30]  }
0x14f: {  	[tilespmem:s13+$0xFFFFFFD0] =	vst v0;
	v0 =	vmul.f32 $1.131370830e+01, v2;
	v2 =	vld [tilespmem:s13+$0x40]  }
0x150: {  	[tilespmem:s13+$0xFFFFFFE0] =	vst v1;
	v1 =	vmul.f32 $1.131370830e+01, v5;
	v5 =	vld [tilespmem:s13+$0x50]  }
0x151: {  	[tilespmem:s13+$0xFFFFFFF0] =	vst v0;
	v0 =	vmul.f32 $1.131370830e+01, v6;
	v6 =	vld [tilespmem:s13+$0x60]  }
0x152: {  	[tilespmem:s13+$0x0] =	vst v1;
	v1 =	vmul.f32 $1.131370830e+01, v3;
	v3 =	vld [tilespmem:s13+$0x70]  }
0x153: {  	[tilespmem:s13+$0x10] =	vst v0;
	v0 =	vmul.f32 $1.131370830e+01, v4;
	v4 =	vld [tilespmem:s13+$0x80]  }
0x154: {  	[tilespmem:s13+$0x20] =	vst v1;
	v1 =	vmul.f32 $1.131370830e+01, v2;
	v7 =	vld [tilespmem:s13+$0x90]  }
0x155: {  	[tilespmem:s13+$0x30] =	vst v0;
	v2 =	vmul.f32 $1.131370830e+01, v5;
	v8 =	vld [tilespmem:s13+$0xA0]  }
.Ltmp3:
0x156: {  	[tilespmem:s13+$0x40] =	vst v1;
	v5 =	vmul.f32 $1.131370830e+01, v6;
	v0 =	vld [tilespmem:s13+$0xB0];
	(pc) =	sbr.rel @p1 .LBB2_9-.Ltmp3, $4  }
0x157: {  	[tilespmem:s13+$0x50] =	vst v2;
	v3 =	vmul.f32 $1.131370830e+01, v3;
	v1 =	vld [tilespmem:s13+$0xC0]  }
0x158: {  	[tilespmem:s13+$0x60] =	vst v5;
	v6 =	vmul.f32 $1.131370830e+01, v4;
	v2 =	vld [tilespmem:s13+$0xD0]  }
0x159: {  	[tilespmem:s13+$0x70] =	vst v3;
	v5 =	vmul.f32 $1.131370830e+01, v7;
	v3 =	vld [tilespmem:s13+$0xE0]  }
0x15a: {  	s13 =	sadd.s32 $0x200, s13;
	v4 =	vld [tilespmem:s7+$0xFFFFFF00];
	[tilespmem:s7+$0x80] =	vst v6;
	v6 =	vmul.f32 $1.131370830e+01, v8  }
0x15b: {  	[tilespmem:s7+$0x90] =	vst v5;
	v0 =	vmul.f32 $1.131370830e+01, v0  }
0x15c: {  	[tilespmem:s7+$0xA0] =	vst v6;
	v1 =	vmul.f32 $1.131370830e+01, v1  }
0x15d: {  	[tilespmem:s7+$0xB0] =	vst v0;
	v0 =	vmul.f32 $1.131370830e+01, v2  }
0x15e: {  	[tilespmem:s7+$0xC0] =	vst v1;
	v1 =	vmul.f32 $1.131370830e+01, v3  }
0x15f: {  	s12 =	sadd.s32 s10, s23;
	v2 =	vmul.f32 $1.131370830e+01, v4;
	[tilespmem:s7+$0xD0] =	vst v0  }
0x160: {  	s12 =	sshrl.u32 s12, $0x3;
	[tilespmem:s7+$0xE0] =	vst v1  }
0x161: {  	s13 =	sadd.s32 s3, s12;
	[tilespmem:s7+$0xFFFFFF00] =	vst v2;
	s7 =	simm.s32 @!p0 $0xA  }
0x162: {  	[hbm4b:s13+s5] =	stream.linear.scatter [tilespmem:s22], [sflag:$0xA], $0x4000, $0x38;
	[tilespmem:$0x19900] =	vst v63  }
0x163: {  	_ =	swait.ge @!p0 [sflag:s7], $0x4000  }
0x164: {  	s12 =	simm.s32 @!p0 $0x80;
	[sflag:s7] =	ssyncset.done @!p0 $0x0  }
0x165: {  	s13 =	simm.s32 @!p0 $0xD900;
	[sflag:s7] =	ssyncadd.s32 @!p0 $0xFFFFC000;
	s7 =	sadd.s32 @!p0 $0x480, s21  }
0x166: {  	[tilespmem:s13], [sflag:$0x4] =	stream.indirect.gather @!p0 [hbm4b:s2+s12], $0x80, s7, s12, $0xb8;
	[tilespmem:$0x19900] =	vst v63  }
0x167: {  	_ =	swait.ge [sflag:s0], $0x4000  }
0x168: {  	[sflag:s0] =	ssyncset.done $0x0  }
0x169: {  	s7 =	simm.s32 $0x11A00;
	[sflag:s0] =	ssyncadd.s32 $0xFFFFC000  }
0x16a: {  	v0 =	vld [tilespmem:s7+$0xF0]  }
0x16b: {  	v1 =	vld [tilespmem:s7+$0xFFFFFF10]  }
0x16c: {  	v2 =	vld [tilespmem:s7+$0xFFFFFF20]  }
0x16d: {  	v3 =	vld [tilespmem:s7+$0xFFFFFF30]  }
0x16e: {  	v6 =	vld [tilespmem:s7+$0xFFFFFF60]  }
0x16f: {  	v4 =	vld [tilespmem:s7+$0xFFFFFF40]  }
0x170: {  	v5 =	vld [tilespmem:s7+$0xFFFFFF50];
	v0 =	vmul.f32 $1.131370830e+01, v0  }
0x171: {  	v8 =	vld [tilespmem:s7+$0xFFFFFF80];
	v1 =	vmul.f32 $1.131370830e+01, v1  }
0x172: {  	v7 =	vld [tilespmem:s7+$0xFFFFFF70];
	v2 =	vmul.f32 $1.131370830e+01, v2;
	[tilespmem:s7+$0xF0] =	vst v0  }
0x173: {  	v6 =	vmul.f32 $1.131370830e+01, v6;
	v0 =	vld [tilespmem:s7+$0xFFFFFF90];
	[tilespmem:s7+$0xFFFFFF10] =	vst v1  }
0x174: {  	v1 =	vmul.f32 $1.131370830e+01, v3;
	v3 =	vld [tilespmem:s7+$0xFFFFFFA0];
	[tilespmem:s7+$0xFFFFFF20] =	vst v2;
	v2 =	vmul.f32 $1.131370830e+01, v4  }
0x175: {  	[tilespmem:s7+$0xFFFFFF60] =	vst v6;
	v6 =	vld [tilespmem:s7+$0xFFFFFFF0]  }
0x176: {  	v4 =	vld [tilespmem:s7+$0xFFFFFFB0];
	[tilespmem:s7+$0xFFFFFF40] =	vst v2;
	v2 =	vmul.f32 $1.131370830e+01, v8  }
0x177: {  	[tilespmem:s7+$0xFFFFFF30] =	vst v1;
	v1 =	vmul.f32 $1.131370830e+01, v5;
	v5 =	vld [tilespmem:s7+$0xFFFFFFC0]  }
0x178: {  	v8 =	vld [tilespmem:s7+$0xFFFFFFD0];
	[tilespmem:s7+$0xFFFFFF80] =	vst v2;
	v2 =	vmul.f32 $1.131370830e+01, v7  }
0x179: {  	[tilespmem:s7+$0xFFFFFF50] =	vst v1;
	v1 =	vld [tilespmem:s7+$0xFFFFFFE0];
	v0 =	vmul.f32 $1.131370830e+01, v0  }
0x17a: {  	v7 =	vld [tilespmem:s7+$0x30];
	v6 =	vmul.f32 $1.131370830e+01, v6;
	[tilespmem:s7+$0xFFFFFF70] =	vst v2  }
0x17b: {  	v2 =	vmul.f32 $1.131370830e+01, v3;
	v3 =	vld [tilespmem:s7+$0x0];
	[tilespmem:s7+$0xFFFFFF90] =	vst v0  }
0x17c: {  	v0 =	vmul.f32 $1.131370830e+01, v4;
	v4 =	vld [tilespmem:s7+$0x10];
	[tilespmem:s7+$0xFFFFFFF0] =	vst v6  }
0x17d: {  	[tilespmem:s7+$0xFFFFFFA0] =	vst v2;
	v2 =	vmul.f32 $1.131370830e+01, v5;
	v5 =	vld [tilespmem:s7+$0x20]  }
0x17e: {  	v6 =	vld [tilespmem:s7+$0x80];
	[tilespmem:s7+$0xFFFFFFB0] =	vst v0;
	v0 =	vmul.f32 $1.131370830e+01, v8  }
0x17f: {  	v1 =	vmul.f32 $1.131370830e+01, v1;
	[tilespmem:s7+$0xFFFFFFC0] =	vst v2;
	v2 =	vld [tilespmem:s7+$0x40]  }
0x180: {  	[tilespmem:s7+$0xFFFFFFD0] =	vst v0;
	v0 =	vmul.f32 $1.131370830e+01, v3  }
0x181: {  	v3 =	vld [tilespmem:s7+$0x50];
	[tilespmem:s7+$0xFFFFFFE0] =	vst v1;
	v4 =	vmul.f32 $1.131370830e+01, v4  }
0x182: {  	v1 =	vld [tilespmem:s7+$0x60];
	[tilespmem:s7+$0x0] =	vst v0;
	v0 =	vmul.f32 $1.131370830e+01, v5  }
0x183: {  	v6 =	vmul.f32 $1.131370830e+01, v6;
	v5 =	vld [tilespmem:s7+$0x70];
	[tilespmem:s7+$0x10] =	vst v4  }
0x184: {  	v4 =	vmul.f32 $1.131370830e+01, v7;
	v7 =	vld [tilespmem:s7+$0x90];
	[tilespmem:s7+$0x20] =	vst v0;
	v0 =	vmul.f32 $1.131370830e+01, v2  }
0x185: {  	v8 =	vld [tilespmem:s7+$0xA0];
	[tilespmem:s7+$0x80] =	vst v6  }
0x186: {  	v2 =	vmul.f32 $1.131370830e+01, v3;
	[tilespmem:s7+$0x40] =	vst v0;
	v0 =	vld [tilespmem:s7+$0xB0]  }
0x187: {  	[tilespmem:s7+$0x30] =	vst v4;
	v3 =	vmul.f32 $1.131370830e+01, v1;
	v1 =	vld [tilespmem:s7+$0xC0]  }
0x188: {  	[tilespmem:s7+$0x50] =	vst v2;
	v4 =	vmul.f32 $1.131370830e+01, v5;
	v2 =	vld [tilespmem:s7+$0xD0]  }
0x189: {  	[tilespmem:s7+$0x60] =	vst v3;
	v3 =	vld [tilespmem:s7+$0xE0];
	v5 =	vmul.f32 $1.131370830e+01, v7  }
0x18a: {  	s12 =	simm.s32 $0x0;
	s13 =	simm.s32 $0x11C00;
	v6 =	vmul.f32 $1.131370830e+01, v8;
	[tilespmem:s7+$0x70] =	vst v4;
	v4 =	vld [tilespmem:s7+$0xFFFFFF00]  }
.LBB2_11:
0x18b: {  	v7 =	vld [tilespmem:s13+$0xF0];
	s12 =	sadd.s32 $0x4, s12;
	[tilespmem:s7+$0x90] =	vst v5;
	v0 =	vmul.f32 $1.131370830e+01, v0  }
0x18c: {  	v5 =	vld [tilespmem:s13+$0xFFFFFF10];
	p1 =	slt.u32 s12, $0x7C;
	[tilespmem:s7+$0xA0] =	vst v6;
	v1 =	vmul.f32 $1.131370830e+01, v1  }
0x18d: {  	v6 =	vld [tilespmem:s13+$0xFFFFFF20];
	[tilespmem:s7+$0xB0] =	vst v0;
	v0 =	vmul.f32 $1.131370830e+01, v2  }
0x18e: {  	v2 =	vld [tilespmem:s13+$0xFFFFFF30];
	[tilespmem:s7+$0xC0] =	vst v1;
	v1 =	vmul.f32 $1.131370830e+01, v3  }
0x18f: {  	v3 =	vld [tilespmem:s13+$0xFFFFFF40];
	v4 =	vmul.f32 $1.131370830e+01, v4;
	[tilespmem:s7+$0xD0] =	vst v0  }
0x190: {  	v0 =	vld [tilespmem:s13+$0xFFFFFF50];
	v7 =	vmul.f32 $1.131370830e+01, v7;
	[tilespmem:s7+$0xE0] =	vst v1  }
0x191: {  	v1 =	vmul.f32 $1.131370830e+01, v5;
	v5 =	vld [tilespmem:s13+$0xFFFFFF60];
	[tilespmem:s7+$0xFFFFFF00] =	vst v4;
	s7 =	smov.u32 s13  }
0x192: {  	v4 =	vmul.f32 $1.131370830e+01, v6;
	v6 =	vld [tilespmem:s13+$0xFFFFFF70];
	[tilespmem:s13+$0xF0] =	vst v7  }
0x193: {  	[tilespmem:s13+$0xFFFFFF10] =	vst v1;
	v1 =	vmul.f32 $1.131370830e+01, v2;
	v2 =	vld [tilespmem:s13+$0xFFFFFF80]  }
0x194: {  	[tilespmem:s13+$0xFFFFFF20] =	vst v4;
	v3 =	vmul.f32 $1.131370830e+01, v3;
	v4 =	vld [tilespmem:s13+$0xFFFFFF90]  }
0x195: {  	[tilespmem:s13+$0xFFFFFF30] =	vst v1;
	v0 =	vmul.f32 $1.131370830e+01, v0;
	v1 =	vld [tilespmem:s13+$0xFFFFFFA0]  }
0x196: {  	[tilespmem:s13+$0xFFFFFF40] =	vst v3;
	v3 =	vmul.f32 $1.131370830e+01, v5;
	v5 =	vld [tilespmem:s13+$0xFFFFFFB0]  }
0x197: {  	[tilespmem:s13+$0xFFFFFF50] =	vst v0;
	v0 =	vmul.f32 $1.131370830e+01, v6;
	v6 =	vld [tilespmem:s13+$0xFFFFFFC0]  }
0x198: {  	[tilespmem:s13+$0xFFFFFF60] =	vst v3;
	v2 =	vmul.f32 $1.131370830e+01, v2;
	v3 =	vld [tilespmem:s13+$0xFFFFFFD0]  }
0x199: {  	[tilespmem:s13+$0xFFFFFF70] =	vst v0;
	v0 =	vmul.f32 $1.131370830e+01, v4;
	v4 =	vld [tilespmem:s13+$0xFFFFFFE0]  }
0x19a: {  	[tilespmem:s13+$0xFFFFFF80] =	vst v2;
	v1 =	vmul.f32 $1.131370830e+01, v1;
	v2 =	vld [tilespmem:s13+$0xFFFFFFF0]  }
0x19b: {  	[tilespmem:s13+$0xFFFFFF90] =	vst v0;
	v0 =	vmul.f32 $1.131370830e+01, v5;
	v5 =	vld [tilespmem:s13+$0x0]  }
0x19c: {  	[tilespmem:s13+$0xFFFFFFA0] =	vst v1;
	v1 =	vmul.f32 $1.131370830e+01, v6;
	v6 =	vld [tilespmem:s13+$0x10]  }
0x19d: {  	[tilespmem:s13+$0xFFFFFFB0] =	vst v0;
	v0 =	vmul.f32 $1.131370830e+01, v3;
	v3 =	vld [tilespmem:s13+$0x20]  }
0x19e: {  	[tilespmem:s13+$0xFFFFFFC0] =	vst v1;
	v1 =	vmul.f32 $1.131370830e+01, v4;
	v4 =	vld [tilespmem:s13+$0x30]  }
0x19f: {  	[tilespmem:s13+$0xFFFFFFD0] =	vst v0;
	v0 =	vmul.f32 $1.131370830e+01, v2;
	v2 =	vld [tilespmem:s13+$0x40]  }
0x1a0: {  	[tilespmem:s13+$0xFFFFFFE0] =	vst v1;
	v1 =	vmul.f32 $1.131370830e+01, v5;
	v5 =	vld [tilespmem:s13+$0x50]  }
0x1a1: {  	[tilespmem:s13+$0xFFFFFFF0] =	vst v0;
	v0 =	vmul.f32 $1.131370830e+01, v6;
	v6 =	vld [tilespmem:s13+$0x60]  }
0x1a2: {  	[tilespmem:s13+$0x0] =	vst v1;
	v1 =	vmul.f32 $1.131370830e+01, v3;
	v3 =	vld [tilespmem:s13+$0x70]  }
0x1a3: {  	[tilespmem:s13+$0x10] =	vst v0;
	v0 =	vmul.f32 $1.131370830e+01, v4;
	v4 =	vld [tilespmem:s13+$0x80]  }
0x1a4: {  	[tilespmem:s13+$0x20] =	vst v1;
	v1 =	vmul.f32 $1.131370830e+01, v2;
	v7 =	vld [tilespmem:s13+$0x90]  }
0x1a5: {  	[tilespmem:s13+$0x30] =	vst v0;
	v2 =	vmul.f32 $1.131370830e+01, v5;
	v8 =	vld [tilespmem:s13+$0xA0]  }
.Ltmp4:
0x1a6: {  	[tilespmem:s13+$0x40] =	vst v1;
	v5 =	vmul.f32 $1.131370830e+01, v6;
	v0 =	vld [tilespmem:s13+$0xB0];
	(pc) =	sbr.rel @p1 .LBB2_11-.Ltmp4, $4  }
0x1a7: {  	[tilespmem:s13+$0x50] =	vst v2;
	v3 =	vmul.f32 $1.131370830e+01, v3;
	v1 =	vld [tilespmem:s13+$0xC0]  }
0x1a8: {  	[tilespmem:s13+$0x60] =	vst v5;
	v6 =	vmul.f32 $1.131370830e+01, v4;
	v2 =	vld [tilespmem:s13+$0xD0]  }
0x1a9: {  	[tilespmem:s13+$0x70] =	vst v3;
	v5 =	vmul.f32 $1.131370830e+01, v7;
	v3 =	vld [tilespmem:s13+$0xE0]  }
0x1aa: {  	s13 =	sadd.s32 $0x200, s13;
	v4 =	vld [tilespmem:s7+$0xFFFFFF00];
	[tilespmem:s7+$0x80] =	vst v6;
	v6 =	vmul.f32 $1.131370830e+01, v8  }
0x1ab: {  	[tilespmem:s7+$0x90] =	vst v5;
	v0 =	vmul.f32 $1.131370830e+01, v0  }
0x1ac: {  	[tilespmem:s7+$0xA0] =	vst v6;
	v1 =	vmul.f32 $1.131370830e+01, v1  }
0x1ad: {  	[tilespmem:s7+$0xB0] =	vst v0;
	v0 =	vmul.f32 $1.131370830e+01, v2  }
0x1ae: {  	[tilespmem:s7+$0xC0] =	vst v1;
	v1 =	vmul.f32 $1.131370830e+01, v3  }
0x1af: {  	s12 =	sadd.s32 s11, s23;
	v2 =	vmul.f32 $1.131370830e+01, v4;
	[tilespmem:s7+$0xD0] =	vst v0  }
0x1b0: {  	s12 =	sshrl.u32 s12, $0x3;
	[tilespmem:s7+$0xE0] =	vst v1  }
0x1b1: {  	s23 =	sadd.s32 s3, s12;
	[tilespmem:s7+$0xFFFFFF00] =	vst v2;
	s7 =	simm.s32 @!p0 $0xB  }
0x1b2: {  	[hbm4b:s23+s5] =	stream.linear.scatter [tilespmem:s24], [sflag:$0xB], $0x4000, $0x38;
	[tilespmem:$0x19900] =	vst v63  }
0x1b3: {  	_ =	swait.ge @!p0 [sflag:s7], $0x4000  }
0x1b4: {  	s13 =	simm.s32 @!p0 $0x11900;
	[sflag:s7] =	ssyncset.done @!p0 $0x0  }
0x1b5: {  	s12 =	simm.s32 @!p0 $0x80;
	[sflag:s7] =	ssyncadd.s32 @!p0 $0xFFFFC000;
	s7 =	sadd.s32 @!p0 $0x500, s21  }
0x1b6: {  	[tilespmem:s13], [sflag:$0x5] =	stream.indirect.gather @!p0 [hbm4b:s2+s12], $0x80, s7, s12, $0xb8;
	[tilespmem:$0x19900] =	vst v63  }
0x1b7: {  	_ =	swait.ge [sflag:s19], $0x4000  }
0x1b8: {  	[sflag:s19] =	ssyncset.done $0x0  }
0x1b9: {  	s7 =	simm.s32 $0x15A00;
	[sflag:s19] =	ssyncadd.s32 $0xFFFFC000  }
0x1ba: {  	v0 =	vld [tilespmem:s7+$0xF0]  }
0x1bb: {  	v1 =	vld [tilespmem:s7+$0xFFFFFF10]  }
0x1bc: {  	v2 =	vld [tilespmem:s7+$0xFFFFFF20]  }
0x1bd: {  	v3 =	vld [tilespmem:s7+$0xFFFFFF30]  }
0x1be: {  	v6 =	vld [tilespmem:s7+$0xFFFFFF60]  }
0x1bf: {  	v4 =	vld [tilespmem:s7+$0xFFFFFF40]  }
0x1c0: {  	v5 =	vld [tilespmem:s7+$0xFFFFFF50];
	v0 =	vmul.f32 $1.131370830e+01, v0  }
0x1c1: {  	v8 =	vld [tilespmem:s7+$0xFFFFFF80];
	v1 =	vmul.f32 $1.131370830e+01, v1  }
0x1c2: {  	v7 =	vld [tilespmem:s7+$0xFFFFFF70];
	v2 =	vmul.f32 $1.131370830e+01, v2;
	[tilespmem:s7+$0xF0] =	vst v0  }
0x1c3: {  	v6 =	vmul.f32 $1.131370830e+01, v6;
	v0 =	vld [tilespmem:s7+$0xFFFFFF90];
	[tilespmem:s7+$0xFFFFFF10] =	vst v1  }
0x1c4: {  	v1 =	vmul.f32 $1.131370830e+01, v3;
	v3 =	vld [tilespmem:s7+$0xFFFFFFA0];
	[tilespmem:s7+$0xFFFFFF20] =	vst v2;
	v2 =	vmul.f32 $1.131370830e+01, v4  }
0x1c5: {  	[tilespmem:s7+$0xFFFFFF60] =	vst v6;
	v6 =	vld [tilespmem:s7+$0xFFFFFFF0]  }
0x1c6: {  	v4 =	vld [tilespmem:s7+$0xFFFFFFB0];
	[tilespmem:s7+$0xFFFFFF40] =	vst v2;
	v2 =	vmul.f32 $1.131370830e+01, v8  }
0x1c7: {  	[tilespmem:s7+$0xFFFFFF30] =	vst v1;
	v1 =	vmul.f32 $1.131370830e+01, v5;
	v5 =	vld [tilespmem:s7+$0xFFFFFFC0]  }
0x1c8: {  	v8 =	vld [tilespmem:s7+$0xFFFFFFD0];
	[tilespmem:s7+$0xFFFFFF80] =	vst v2;
	v2 =	vmul.f32 $1.131370830e+01, v7  }
0x1c9: {  	[tilespmem:s7+$0xFFFFFF50] =	vst v1;
	v1 =	vld [tilespmem:s7+$0xFFFFFFE0];
	v0 =	vmul.f32 $1.131370830e+01, v0  }
0x1ca: {  	v7 =	vld [tilespmem:s7+$0x30];
	v6 =	vmul.f32 $1.131370830e+01, v6;
	[tilespmem:s7+$0xFFFFFF70] =	vst v2  }
0x1cb: {  	v2 =	vmul.f32 $1.131370830e+01, v3;
	v3 =	vld [tilespmem:s7+$0x0];
	[tilespmem:s7+$0xFFFFFF90] =	vst v0  }
0x1cc: {  	v0 =	vmul.f32 $1.131370830e+01, v4;
	v4 =	vld [tilespmem:s7+$0x10];
	[tilespmem:s7+$0xFFFFFFF0] =	vst v6  }
0x1cd: {  	[tilespmem:s7+$0xFFFFFFA0] =	vst v2;
	v2 =	vmul.f32 $1.131370830e+01, v5;
	v5 =	vld [tilespmem:s7+$0x20]  }
0x1ce: {  	v6 =	vld [tilespmem:s7+$0x80];
	[tilespmem:s7+$0xFFFFFFB0] =	vst v0;
	v0 =	vmul.f32 $1.131370830e+01, v8  }
0x1cf: {  	v1 =	vmul.f32 $1.131370830e+01, v1;
	[tilespmem:s7+$0xFFFFFFC0] =	vst v2;
	v2 =	vld [tilespmem:s7+$0x40]  }
0x1d0: {  	[tilespmem:s7+$0xFFFFFFD0] =	vst v0;
	v0 =	vmul.f32 $1.131370830e+01, v3  }
0x1d1: {  	v3 =	vld [tilespmem:s7+$0x50];
	[tilespmem:s7+$0xFFFFFFE0] =	vst v1;
	v4 =	vmul.f32 $1.131370830e+01, v4  }
0x1d2: {  	v1 =	vld [tilespmem:s7+$0x60];
	[tilespmem:s7+$0x0] =	vst v0;
	v0 =	vmul.f32 $1.131370830e+01, v5  }
0x1d3: {  	v6 =	vmul.f32 $1.131370830e+01, v6;
	v5 =	vld [tilespmem:s7+$0x70];
	[tilespmem:s7+$0x10] =	vst v4  }
0x1d4: {  	v4 =	vmul.f32 $1.131370830e+01, v7;
	v7 =	vld [tilespmem:s7+$0x90];
	[tilespmem:s7+$0x20] =	vst v0;
	v0 =	vmul.f32 $1.131370830e+01, v2  }
0x1d5: {  	v8 =	vld [tilespmem:s7+$0xA0];
	[tilespmem:s7+$0x80] =	vst v6  }
0x1d6: {  	v2 =	vmul.f32 $1.131370830e+01, v3;
	[tilespmem:s7+$0x40] =	vst v0;
	v0 =	vld [tilespmem:s7+$0xB0]  }
0x1d7: {  	[tilespmem:s7+$0x30] =	vst v4;
	v3 =	vmul.f32 $1.131370830e+01, v1;
	v1 =	vld [tilespmem:s7+$0xC0]  }
0x1d8: {  	[tilespmem:s7+$0x50] =	vst v2;
	v4 =	vmul.f32 $1.131370830e+01, v5;
	v2 =	vld [tilespmem:s7+$0xD0]  }
0x1d9: {  	[tilespmem:s7+$0x60] =	vst v3;
	v3 =	vld [tilespmem:s7+$0xE0];
	v5 =	vmul.f32 $1.131370830e+01, v7  }
0x1da: {  	s12 =	simm.s32 $0x0;
	s13 =	simm.s32 $0x15C00;
	v6 =	vmul.f32 $1.131370830e+01, v8;
	[tilespmem:s7+$0x70] =	vst v4;
	v4 =	vld [tilespmem:s7+$0xFFFFFF00]  }
.LBB2_13:
0x1db: {  	v7 =	vld [tilespmem:s13+$0xF0];
	s12 =	sadd.s32 $0x4, s12;
	[tilespmem:s7+$0x90] =	vst v5;
	v0 =	vmul.f32 $1.131370830e+01, v0  }
0x1dc: {  	v5 =	vld [tilespmem:s13+$0xFFFFFF10];
	p0 =	slt.u32 s12, $0x7C;
	[tilespmem:s7+$0xA0] =	vst v6;
	v1 =	vmul.f32 $1.131370830e+01, v1  }
0x1dd: {  	v6 =	vld [tilespmem:s13+$0xFFFFFF20];
	[tilespmem:s7+$0xB0] =	vst v0;
	v0 =	vmul.f32 $1.131370830e+01, v2  }
0x1de: {  	v2 =	vld [tilespmem:s13+$0xFFFFFF30];
	[tilespmem:s7+$0xC0] =	vst v1;
	v1 =	vmul.f32 $1.131370830e+01, v3  }
0x1df: {  	v3 =	vld [tilespmem:s13+$0xFFFFFF40];
	v4 =	vmul.f32 $1.131370830e+01, v4;
	[tilespmem:s7+$0xD0] =	vst v0  }
0x1e0: {  	v0 =	vld [tilespmem:s13+$0xFFFFFF50];
	v7 =	vmul.f32 $1.131370830e+01, v7;
	[tilespmem:s7+$0xE0] =	vst v1  }
0x1e1: {  	v1 =	vmul.f32 $1.131370830e+01, v5;
	v5 =	vld [tilespmem:s13+$0xFFFFFF60];
	[tilespmem:s7+$0xFFFFFF00] =	vst v4;
	s7 =	smov.u32 s13  }
0x1e2: {  	v4 =	vmul.f32 $1.131370830e+01, v6;
	v6 =	vld [tilespmem:s13+$0xFFFFFF70];
	[tilespmem:s13+$0xF0] =	vst v7  }
0x1e3: {  	[tilespmem:s13+$0xFFFFFF10] =	vst v1;
	v1 =	vmul.f32 $1.131370830e+01, v2;
	v2 =	vld [tilespmem:s13+$0xFFFFFF80]  }
0x1e4: {  	[tilespmem:s13+$0xFFFFFF20] =	vst v4;
	v3 =	vmul.f32 $1.131370830e+01, v3;
	v4 =	vld [tilespmem:s13+$0xFFFFFF90]  }
0x1e5: {  	[tilespmem:s13+$0xFFFFFF30] =	vst v1;
	v0 =	vmul.f32 $1.131370830e+01, v0;
	v1 =	vld [tilespmem:s13+$0xFFFFFFA0]  }
0x1e6: {  	[tilespmem:s13+$0xFFFFFF40] =	vst v3;
	v3 =	vmul.f32 $1.131370830e+01, v5;
	v5 =	vld [tilespmem:s13+$0xFFFFFFB0]  }
0x1e7: {  	[tilespmem:s13+$0xFFFFFF50] =	vst v0;
	v0 =	vmul.f32 $1.131370830e+01, v6;
	v6 =	vld [tilespmem:s13+$0xFFFFFFC0]  }
0x1e8: {  	[tilespmem:s13+$0xFFFFFF60] =	vst v3;
	v2 =	vmul.f32 $1.131370830e+01, v2;
	v3 =	vld [tilespmem:s13+$0xFFFFFFD0]  }
0x1e9: {  	[tilespmem:s13+$0xFFFFFF70] =	vst v0;
	v0 =	vmul.f32 $1.131370830e+01, v4;
	v4 =	vld [tilespmem:s13+$0xFFFFFFE0]  }
0x1ea: {  	[tilespmem:s13+$0xFFFFFF80] =	vst v2;
	v1 =	vmul.f32 $1.131370830e+01, v1;
	v2 =	vld [tilespmem:s13+$0xFFFFFFF0]  }
0x1eb: {  	[tilespmem:s13+$0xFFFFFF90] =	vst v0;
	v0 =	vmul.f32 $1.131370830e+01, v5;
	v5 =	vld [tilespmem:s13+$0x0]  }
0x1ec: {  	[tilespmem:s13+$0xFFFFFFA0] =	vst v1;
	v1 =	vmul.f32 $1.131370830e+01, v6;
	v6 =	vld [tilespmem:s13+$0x10]  }
0x1ed: {  	[tilespmem:s13+$0xFFFFFFB0] =	vst v0;
	v0 =	vmul.f32 $1.131370830e+01, v3;
	v3 =	vld [tilespmem:s13+$0x20]  }
0x1ee: {  	[tilespmem:s13+$0xFFFFFFC0] =	vst v1;
	v1 =	vmul.f32 $1.131370830e+01, v4;
	v4 =	vld [tilespmem:s13+$0x30]  }
0x1ef: {  	[tilespmem:s13+$0xFFFFFFD0] =	vst v0;
	v0 =	vmul.f32 $1.131370830e+01, v2;
	v2 =	vld [tilespmem:s13+$0x40]  }
0x1f0: {  	[tilespmem:s13+$0xFFFFFFE0] =	vst v1;
	v1 =	vmul.f32 $1.131370830e+01, v5;
	v5 =	vld [tilespmem:s13+$0x50]  }
0x1f1: {  	[tilespmem:s13+$0xFFFFFFF0] =	vst v0;
	v0 =	vmul.f32 $1.131370830e+01, v6;
	v6 =	vld [tilespmem:s13+$0x60]  }
0x1f2: {  	[tilespmem:s13+$0x0] =	vst v1;
	v1 =	vmul.f32 $1.131370830e+01, v3;
	v3 =	vld [tilespmem:s13+$0x70]  }
0x1f3: {  	[tilespmem:s13+$0x10] =	vst v0;
	v0 =	vmul.f32 $1.131370830e+01, v4;
	v4 =	vld [tilespmem:s13+$0x80]  }
0x1f4: {  	[tilespmem:s13+$0x20] =	vst v1;
	v1 =	vmul.f32 $1.131370830e+01, v2;
	v7 =	vld [tilespmem:s13+$0x90]  }
0x1f5: {  	[tilespmem:s13+$0x30] =	vst v0;
	v2 =	vmul.f32 $1.131370830e+01, v5;
	v8 =	vld [tilespmem:s13+$0xA0]  }
.Ltmp5:
0x1f6: {  	[tilespmem:s13+$0x40] =	vst v1;
	v5 =	vmul.f32 $1.131370830e+01, v6;
	v0 =	vld [tilespmem:s13+$0xB0];
	(pc) =	sbr.rel @p0 .LBB2_13-.Ltmp5, $4  }
0x1f7: {  	[tilespmem:s13+$0x50] =	vst v2;
	v3 =	vmul.f32 $1.131370830e+01, v3;
	v1 =	vld [tilespmem:s13+$0xC0]  }
0x1f8: {  	[tilespmem:s13+$0x60] =	vst v5;
	v6 =	vmul.f32 $1.131370830e+01, v4;
	v2 =	vld [tilespmem:s13+$0xD0]  }
0x1f9: {  	[tilespmem:s13+$0x70] =	vst v3;
	v5 =	vmul.f32 $1.131370830e+01, v7;
	v3 =	vld [tilespmem:s13+$0xE0]  }
0x1fa: {  	s13 =	sadd.s32 $0x200, s13;
	v4 =	vld [tilespmem:s7+$0xFFFFFF00];
	[tilespmem:s7+$0x80] =	vst v6;
	v6 =	vmul.f32 $1.131370830e+01, v8  }
0x1fb: {  	[tilespmem:s7+$0x90] =	vst v5;
	v0 =	vmul.f32 $1.131370830e+01, v0  }
0x1fc: {  	s14 =	sadd.s32 $0x1, s14;
	[tilespmem:s7+$0xA0] =	vst v6;
	v1 =	vmul.f32 $1.131370830e+01, v1  }
0x1fd: {  	p0 =	sne.s32 s14, $0x8;
	[tilespmem:s7+$0xB0] =	vst v0;
	v61 =	vmul.f32 $1.131370830e+01, v2  }
.Ltmp6:
0x1fe: {  	s12 =	sshll.u32 s15, $0xE;
	[tilespmem:s7+$0xC0] =	vst v1;
	v62 =	vmul.f32 $1.131370830e+01, v3;
	(pc) =	sbr.rel @p0 .LBB2_2-.Ltmp6, $4  }
0x1ff: {  	s12 =	sadd.s32 s6, s12;
	v63 =	vmul.f32 $1.131370830e+01, v4;
	[tilespmem:s7+$0xD0] =	vst v61  }
0x200: {  	s12 =	sshrl.u32 s12, $0x3;
	[tilespmem:s7+$0xE0] =	vst v62  }
0x201: {  	s23 =	sadd.s32 s3, s12;
	[tilespmem:s7+$0xFFFFFF00] =	vst v63  }
0x202: {  	[hbm4b:s23+s5] =	stream.linear.scatter [tilespmem:s25], [sflag:$0xC], $0x4000, $0x38;
	[tilespmem:$0x19900] =	vst v63  }
0x203: {  	_ =	swait.ge [sflag:s26], $0x4000  }
0x204: {  	[sflag:s26] =	ssyncset.done $0x0  }
0x205: {  	s7 =	simm.s32 $0x1A00;
	[sflag:s26] =	ssyncadd.s32 $0xFFFFC000  }
0x206: {  	v0 =	vld [tilespmem:s7+$0xF0]  }
0x207: {  	v1 =	vld [tilespmem:s7+$0xFFFFFF10]  }
0x208: {  	v2 =	vld [tilespmem:s7+$0xFFFFFF20]  }
0x209: {  	v3 =	vld [tilespmem:s7+$0xFFFFFF30]  }
0x20a: {  	v6 =	vld [tilespmem:s7+$0xFFFFFF60]  }
0x20b: {  	v4 =	vld [tilespmem:s7+$0xFFFFFF40]  }
0x20c: {  	v5 =	vld [tilespmem:s7+$0xFFFFFF50];
	v0 =	vmul.f32 $1.131370830e+01, v0  }
0x20d: {  	v8 =	vld [tilespmem:s7+$0xFFFFFF80];
	v1 =	vmul.f32 $1.131370830e+01, v1  }
0x20e: {  	v7 =	vld [tilespmem:s7+$0xFFFFFF70];
	v2 =	vmul.f32 $1.131370830e+01, v2;
	[tilespmem:s7+$0xF0] =	vst v0  }
0x20f: {  	v6 =	vmul.f32 $1.131370830e+01, v6;
	v0 =	vld [tilespmem:s7+$0xFFFFFF90];
	[tilespmem:s7+$0xFFFFFF10] =	vst v1  }
0x210: {  	v1 =	vmul.f32 $1.131370830e+01, v3;
	v3 =	vld [tilespmem:s7+$0xFFFFFFA0];
	[tilespmem:s7+$0xFFFFFF20] =	vst v2;
	v2 =	vmul.f32 $1.131370830e+01, v4  }
0x211: {  	[tilespmem:s7+$0xFFFFFF60] =	vst v6;
	v6 =	vld [tilespmem:s7+$0xFFFFFFF0]  }
0x212: {  	v4 =	vld [tilespmem:s7+$0xFFFFFFB0];
	[tilespmem:s7+$0xFFFFFF40] =	vst v2;
	v2 =	vmul.f32 $1.131370830e+01, v8  }
0x213: {  	[tilespmem:s7+$0xFFFFFF30] =	vst v1;
	v1 =	vmul.f32 $1.131370830e+01, v5;
	v5 =	vld [tilespmem:s7+$0xFFFFFFC0]  }
0x214: {  	v8 =	vld [tilespmem:s7+$0xFFFFFFD0];
	[tilespmem:s7+$0xFFFFFF80] =	vst v2;
	v2 =	vmul.f32 $1.131370830e+01, v7  }
0x215: {  	[tilespmem:s7+$0xFFFFFF50] =	vst v1;
	v1 =	vld [tilespmem:s7+$0xFFFFFFE0];
	v0 =	vmul.f32 $1.131370830e+01, v0  }
0x216: {  	v7 =	vld [tilespmem:s7+$0x30];
	v6 =	vmul.f32 $1.131370830e+01, v6;
	[tilespmem:s7+$0xFFFFFF70] =	vst v2  }
0x217: {  	v2 =	vmul.f32 $1.131370830e+01, v3;
	v3 =	vld [tilespmem:s7+$0x0];
	[tilespmem:s7+$0xFFFFFF90] =	vst v0  }
0x218: {  	v0 =	vmul.f32 $1.131370830e+01, v4;
	v4 =	vld [tilespmem:s7+$0x10];
	[tilespmem:s7+$0xFFFFFFF0] =	vst v6  }
0x219: {  	[tilespmem:s7+$0xFFFFFFA0] =	vst v2;
	v2 =	vmul.f32 $1.131370830e+01, v5;
	v5 =	vld [tilespmem:s7+$0x20]  }
0x21a: {  	v6 =	vld [tilespmem:s7+$0x80];
	[tilespmem:s7+$0xFFFFFFB0] =	vst v0;
	v0 =	vmul.f32 $1.131370830e+01, v8  }
0x21b: {  	v1 =	vmul.f32 $1.131370830e+01, v1;
	[tilespmem:s7+$0xFFFFFFC0] =	vst v2;
	v2 =	vld [tilespmem:s7+$0x40]  }
0x21c: {  	[tilespmem:s7+$0xFFFFFFD0] =	vst v0;
	v0 =	vmul.f32 $1.131370830e+01, v3  }
0x21d: {  	v3 =	vld [tilespmem:s7+$0x50];
	[tilespmem:s7+$0xFFFFFFE0] =	vst v1;
	v4 =	vmul.f32 $1.131370830e+01, v4  }
0x21e: {  	v1 =	vld [tilespmem:s7+$0x60];
	[tilespmem:s7+$0x0] =	vst v0;
	v0 =	vmul.f32 $1.131370830e+01, v5  }
0x21f: {  	v6 =	vmul.f32 $1.131370830e+01, v6;
	v5 =	vld [tilespmem:s7+$0x70];
	[tilespmem:s7+$0x10] =	vst v4  }
0x220: {  	v4 =	vmul.f32 $1.131370830e+01, v7;
	v7 =	vld [tilespmem:s7+$0x90];
	[tilespmem:s7+$0x20] =	vst v0;
	v0 =	vmul.f32 $1.131370830e+01, v2  }
0x221: {  	v8 =	vld [tilespmem:s7+$0xA0];
	[tilespmem:s7+$0x80] =	vst v6  }
0x222: {  	v2 =	vmul.f32 $1.131370830e+01, v3;
	[tilespmem:s7+$0x40] =	vst v0;
	v0 =	vld [tilespmem:s7+$0xB0]  }
0x223: {  	[tilespmem:s7+$0x30] =	vst v4;
	v3 =	vmul.f32 $1.131370830e+01, v1;
	v1 =	vld [tilespmem:s7+$0xC0]  }
0x224: {  	[tilespmem:s7+$0x50] =	vst v2;
	v4 =	vmul.f32 $1.131370830e+01, v5;
	v2 =	vld [tilespmem:s7+$0xD0]  }
0x225: {  	[tilespmem:s7+$0x60] =	vst v3;
	v3 =	vld [tilespmem:s7+$0xE0];
	v5 =	vmul.f32 $1.131370830e+01, v7  }
0x226: {  	s12 =	simm.s32 $0x0;
	s13 =	simm.s32 $0x1C00;
	v6 =	vmul.f32 $1.131370830e+01, v8;
	[tilespmem:s7+$0x70] =	vst v4;
	v4 =	vld [tilespmem:s7+$0xFFFFFF00]  }
.LBB2_16:
0x227: {  	v7 =	vld [tilespmem:s13+$0xF0];
	s12 =	sadd.s32 $0x4, s12;
	[tilespmem:s7+$0x90] =	vst v5;
	v0 =	vmul.f32 $1.131370830e+01, v0  }
0x228: {  	v5 =	vld [tilespmem:s13+$0xFFFFFF10];
	p0 =	slt.u32 s12, $0x7C;
	[tilespmem:s7+$0xA0] =	vst v6;
	v1 =	vmul.f32 $1.131370830e+01, v1  }
0x229: {  	v6 =	vld [tilespmem:s13+$0xFFFFFF20];
	[tilespmem:s7+$0xB0] =	vst v0;
	v0 =	vmul.f32 $1.131370830e+01, v2  }
0x22a: {  	v2 =	vld [tilespmem:s13+$0xFFFFFF30];
	[tilespmem:s7+$0xC0] =	vst v1;
	v1 =	vmul.f32 $1.131370830e+01, v3  }
0x22b: {  	v3 =	vld [tilespmem:s13+$0xFFFFFF40];
	v4 =	vmul.f32 $1.131370830e+01, v4;
	[tilespmem:s7+$0xD0] =	vst v0  }
0x22c: {  	v0 =	vld [tilespmem:s13+$0xFFFFFF50];
	v7 =	vmul.f32 $1.131370830e+01, v7;
	[tilespmem:s7+$0xE0] =	vst v1  }
0x22d: {  	v1 =	vmul.f32 $1.131370830e+01, v5;
	v5 =	vld [tilespmem:s13+$0xFFFFFF60];
	[tilespmem:s7+$0xFFFFFF00] =	vst v4;
	s7 =	smov.u32 s13  }
0x22e: {  	v4 =	vmul.f32 $1.131370830e+01, v6;
	v6 =	vld [tilespmem:s13+$0xFFFFFF70];
	[tilespmem:s13+$0xF0] =	vst v7  }
0x22f: {  	[tilespmem:s13+$0xFFFFFF10] =	vst v1;
	v1 =	vmul.f32 $1.131370830e+01, v2;
	v2 =	vld [tilespmem:s13+$0xFFFFFF80]  }
0x230: {  	[tilespmem:s13+$0xFFFFFF20] =	vst v4;
	v3 =	vmul.f32 $1.131370830e+01, v3;
	v4 =	vld [tilespmem:s13+$0xFFFFFF90]  }
0x231: {  	[tilespmem:s13+$0xFFFFFF30] =	vst v1;
	v0 =	vmul.f32 $1.131370830e+01, v0;
	v1 =	vld [tilespmem:s13+$0xFFFFFFA0]  }
0x232: {  	[tilespmem:s13+$0xFFFFFF40] =	vst v3;
	v3 =	vmul.f32 $1.131370830e+01, v5;
	v5 =	vld [tilespmem:s13+$0xFFFFFFB0]  }
0x233: {  	[tilespmem:s13+$0xFFFFFF50] =	vst v0;
	v0 =	vmul.f32 $1.131370830e+01, v6;
	v6 =	vld [tilespmem:s13+$0xFFFFFFC0]  }
0x234: {  	[tilespmem:s13+$0xFFFFFF60] =	vst v3;
	v2 =	vmul.f32 $1.131370830e+01, v2;
	v3 =	vld [tilespmem:s13+$0xFFFFFFD0]  }
0x235: {  	[tilespmem:s13+$0xFFFFFF70] =	vst v0;
	v0 =	vmul.f32 $1.131370830e+01, v4;
	v4 =	vld [tilespmem:s13+$0xFFFFFFE0]  }
0x236: {  	[tilespmem:s13+$0xFFFFFF80] =	vst v2;
	v1 =	vmul.f32 $1.131370830e+01, v1;
	v2 =	vld [tilespmem:s13+$0xFFFFFFF0]  }
0x237: {  	[tilespmem:s13+$0xFFFFFF90] =	vst v0;
	v0 =	vmul.f32 $1.131370830e+01, v5;
	v5 =	vld [tilespmem:s13+$0x0]  }
0x238: {  	[tilespmem:s13+$0xFFFFFFA0] =	vst v1;
	v1 =	vmul.f32 $1.131370830e+01, v6;
	v6 =	vld [tilespmem:s13+$0x10]  }
0x239: {  	[tilespmem:s13+$0xFFFFFFB0] =	vst v0;
	v0 =	vmul.f32 $1.131370830e+01, v3;
	v3 =	vld [tilespmem:s13+$0x20]  }
0x23a: {  	[tilespmem:s13+$0xFFFFFFC0] =	vst v1;
	v1 =	vmul.f32 $1.131370830e+01, v4;
	v4 =	vld [tilespmem:s13+$0x30]  }
0x23b: {  	[tilespmem:s13+$0xFFFFFFD0] =	vst v0;
	v0 =	vmul.f32 $1.131370830e+01, v2;
	v2 =	vld [tilespmem:s13+$0x40]  }
0x23c: {  	[tilespmem:s13+$0xFFFFFFE0] =	vst v1;
	v1 =	vmul.f32 $1.131370830e+01, v5;
	v5 =	vld [tilespmem:s13+$0x50]  }
0x23d: {  	[tilespmem:s13+$0xFFFFFFF0] =	vst v0;
	v0 =	vmul.f32 $1.131370830e+01, v6;
	v6 =	vld [tilespmem:s13+$0x60]  }
0x23e: {  	[tilespmem:s13+$0x0] =	vst v1;
	v1 =	vmul.f32 $1.131370830e+01, v3;
	v3 =	vld [tilespmem:s13+$0x70]  }
0x23f: {  	[tilespmem:s13+$0x10] =	vst v0;
	v0 =	vmul.f32 $1.131370830e+01, v4;
	v4 =	vld [tilespmem:s13+$0x80]  }
0x240: {  	[tilespmem:s13+$0x20] =	vst v1;
	v1 =	vmul.f32 $1.131370830e+01, v2;
	v7 =	vld [tilespmem:s13+$0x90]  }
0x241: {  	[tilespmem:s13+$0x30] =	vst v0;
	v2 =	vmul.f32 $1.131370830e+01, v5;
	v8 =	vld [tilespmem:s13+$0xA0]  }
.Ltmp7:
0x242: {  	[tilespmem:s13+$0x40] =	vst v1;
	v5 =	vmul.f32 $1.131370830e+01, v6;
	v0 =	vld [tilespmem:s13+$0xB0];
	(pc) =	sbr.rel @p0 .LBB2_16-.Ltmp7, $4  }
0x243: {  	[tilespmem:s13+$0x50] =	vst v2;
	v3 =	vmul.f32 $1.131370830e+01, v3;
	v1 =	vld [tilespmem:s13+$0xC0]  }
0x244: {  	[tilespmem:s13+$0x60] =	vst v5;
	v6 =	vmul.f32 $1.131370830e+01, v4;
	v2 =	vld [tilespmem:s13+$0xD0]  }
0x245: {  	[tilespmem:s13+$0x70] =	vst v3;
	v5 =	vmul.f32 $1.131370830e+01, v7;
	v3 =	vld [tilespmem:s13+$0xE0]  }
0x246: {  	s13 =	sadd.s32 $0x200, s13;
	v4 =	vld [tilespmem:s7+$0xFFFFFF00];
	[tilespmem:s7+$0x80] =	vst v6;
	v6 =	vmul.f32 $1.131370830e+01, v8  }
0x247: {  	[tilespmem:s7+$0x90] =	vst v5;
	v0 =	vmul.f32 $1.131370830e+01, v0  }
0x248: {  	[tilespmem:s7+$0xA0] =	vst v6;
	v1 =	vmul.f32 $1.131370830e+01, v1  }
0x249: {  	[tilespmem:s7+$0xB0] =	vst v0;
	v0 =	vmul.f32 $1.131370830e+01, v2  }
0x24a: {  	[tilespmem:s7+$0xC0] =	vst v1;
	v1 =	vmul.f32 $1.131370830e+01, v3  }
0x24b: {  	v2 =	vmul.f32 $1.131370830e+01, v4;
	[tilespmem:s7+$0xD0] =	vst v0  }
0x24c: {  	[tilespmem:s7+$0xE0] =	vst v1  }
0x24d: {  	[tilespmem:s7+$0xFFFFFF00] =	vst v2  }
0x24e: {  	s7 =	rddreg [dreg:$0x5]  }
0x24f: {  	[hbm4b:s7+s5] =	stream.linear.scatter [tilespmem:s17], [sflag:$0x7], $0x4000, $0x38;
	[tilespmem:$0x19900] =	vst v63  }
0x250: {  	_ =	swait.ge [sflag:s29], $0x4000  }
0x251: {  	[sflag:s29] =	ssyncset.done $0x0  }
0x252: {  	s7 =	simm.s32 $0x5A00;
	[sflag:s29] =	ssyncadd.s32 $0xFFFFC000  }
0x253: {  	v0 =	vld [tilespmem:s7+$0xF0]  }
0x254: {  	v1 =	vld [tilespmem:s7+$0xFFFFFF10]  }
0x255: {  	v2 =	vld [tilespmem:s7+$0xFFFFFF20]  }
0x256: {  	v3 =	vld [tilespmem:s7+$0xFFFFFF30]  }
0x257: {  	v6 =	vld [tilespmem:s7+$0xFFFFFF60]  }
0x258: {  	v4 =	vld [tilespmem:s7+$0xFFFFFF40]  }
0x259: {  	v5 =	vld [tilespmem:s7+$0xFFFFFF50];
	v0 =	vmul.f32 $1.131370830e+01, v0  }
0x25a: {  	v8 =	vld [tilespmem:s7+$0xFFFFFF80];
	v1 =	vmul.f32 $1.131370830e+01, v1  }
0x25b: {  	v7 =	vld [tilespmem:s7+$0xFFFFFF70];
	v2 =	vmul.f32 $1.131370830e+01, v2;
	[tilespmem:s7+$0xF0] =	vst v0  }
0x25c: {  	v6 =	vmul.f32 $1.131370830e+01, v6;
	v0 =	vld [tilespmem:s7+$0xFFFFFF90];
	[tilespmem:s7+$0xFFFFFF10] =	vst v1  }
0x25d: {  	v1 =	vmul.f32 $1.131370830e+01, v3;
	v3 =	vld [tilespmem:s7+$0xFFFFFFA0];
	[tilespmem:s7+$0xFFFFFF20] =	vst v2;
	v2 =	vmul.f32 $1.131370830e+01, v4  }
0x25e: {  	[tilespmem:s7+$0xFFFFFF60] =	vst v6;
	v6 =	vld [tilespmem:s7+$0xFFFFFFF0]  }
0x25f: {  	v4 =	vld [tilespmem:s7+$0xFFFFFFB0];
	[tilespmem:s7+$0xFFFFFF40] =	vst v2;
	v2 =	vmul.f32 $1.131370830e+01, v8  }
0x260: {  	[tilespmem:s7+$0xFFFFFF30] =	vst v1;
	v1 =	vmul.f32 $1.131370830e+01, v5;
	v5 =	vld [tilespmem:s7+$0xFFFFFFC0]  }
0x261: {  	v8 =	vld [tilespmem:s7+$0xFFFFFFD0];
	[tilespmem:s7+$0xFFFFFF80] =	vst v2;
	v2 =	vmul.f32 $1.131370830e+01, v7  }
0x262: {  	[tilespmem:s7+$0xFFFFFF50] =	vst v1;
	v1 =	vld [tilespmem:s7+$0xFFFFFFE0];
	v0 =	vmul.f32 $1.131370830e+01, v0  }
0x263: {  	v7 =	vld [tilespmem:s7+$0x30];
	v6 =	vmul.f32 $1.131370830e+01, v6;
	[tilespmem:s7+$0xFFFFFF70] =	vst v2  }
0x264: {  	v2 =	vmul.f32 $1.131370830e+01, v3;
	v3 =	vld [tilespmem:s7+$0x0];
	[tilespmem:s7+$0xFFFFFF90] =	vst v0  }
0x265: {  	v0 =	vmul.f32 $1.131370830e+01, v4;
	v4 =	vld [tilespmem:s7+$0x10];
	[tilespmem:s7+$0xFFFFFFF0] =	vst v6  }
0x266: {  	[tilespmem:s7+$0xFFFFFFA0] =	vst v2;
	v2 =	vmul.f32 $1.131370830e+01, v5;
	v5 =	vld [tilespmem:s7+$0x20]  }
0x267: {  	v6 =	vld [tilespmem:s7+$0x80];
	[tilespmem:s7+$0xFFFFFFB0] =	vst v0;
	v0 =	vmul.f32 $1.131370830e+01, v8  }
0x268: {  	v1 =	vmul.f32 $1.131370830e+01, v1;
	[tilespmem:s7+$0xFFFFFFC0] =	vst v2;
	v2 =	vld [tilespmem:s7+$0x40]  }
0x269: {  	[tilespmem:s7+$0xFFFFFFD0] =	vst v0;
	v0 =	vmul.f32 $1.131370830e+01, v3  }
0x26a: {  	v3 =	vld [tilespmem:s7+$0x50];
	[tilespmem:s7+$0xFFFFFFE0] =	vst v1;
	v4 =	vmul.f32 $1.131370830e+01, v4  }
0x26b: {  	v1 =	vld [tilespmem:s7+$0x60];
	[tilespmem:s7+$0x0] =	vst v0;
	v0 =	vmul.f32 $1.131370830e+01, v5  }
0x26c: {  	v6 =	vmul.f32 $1.131370830e+01, v6;
	v5 =	vld [tilespmem:s7+$0x70];
	[tilespmem:s7+$0x10] =	vst v4  }
0x26d: {  	v4 =	vmul.f32 $1.131370830e+01, v7;
	v7 =	vld [tilespmem:s7+$0x90];
	[tilespmem:s7+$0x20] =	vst v0;
	v0 =	vmul.f32 $1.131370830e+01, v2  }
0x26e: {  	v8 =	vld [tilespmem:s7+$0xA0];
	[tilespmem:s7+$0x80] =	vst v6  }
0x26f: {  	v2 =	vmul.f32 $1.131370830e+01, v3;
	[tilespmem:s7+$0x40] =	vst v0;
	v0 =	vld [tilespmem:s7+$0xB0]  }
0x270: {  	[tilespmem:s7+$0x30] =	vst v4;
	v3 =	vmul.f32 $1.131370830e+01, v1;
	v1 =	vld [tilespmem:s7+$0xC0]  }
0x271: {  	[tilespmem:s7+$0x50] =	vst v2;
	v4 =	vmul.f32 $1.131370830e+01, v5;
	v2 =	vld [tilespmem:s7+$0xD0]  }
0x272: {  	[tilespmem:s7+$0x60] =	vst v3;
	v3 =	vld [tilespmem:s7+$0xE0];
	v5 =	vmul.f32 $1.131370830e+01, v7  }
0x273: {  	s12 =	simm.s32 $0x0;
	s13 =	simm.s32 $0x5C00;
	v6 =	vmul.f32 $1.131370830e+01, v8;
	[tilespmem:s7+$0x70] =	vst v4;
	v4 =	vld [tilespmem:s7+$0xFFFFFF00]  }
.LBB2_18:
0x274: {  	v7 =	vld [tilespmem:s13+$0xF0];
	s12 =	sadd.s32 $0x4, s12;
	[tilespmem:s7+$0x90] =	vst v5;
	v0 =	vmul.f32 $1.131370830e+01, v0  }
0x275: {  	v5 =	vld [tilespmem:s13+$0xFFFFFF10];
	p0 =	slt.u32 s12, $0x7C;
	[tilespmem:s7+$0xA0] =	vst v6;
	v1 =	vmul.f32 $1.131370830e+01, v1  }
0x276: {  	v6 =	vld [tilespmem:s13+$0xFFFFFF20];
	[tilespmem:s7+$0xB0] =	vst v0;
	v0 =	vmul.f32 $1.131370830e+01, v2  }
0x277: {  	v2 =	vld [tilespmem:s13+$0xFFFFFF30];
	[tilespmem:s7+$0xC0] =	vst v1;
	v1 =	vmul.f32 $1.131370830e+01, v3  }
0x278: {  	v3 =	vld [tilespmem:s13+$0xFFFFFF40];
	v4 =	vmul.f32 $1.131370830e+01, v4;
	[tilespmem:s7+$0xD0] =	vst v0  }
0x279: {  	v0 =	vld [tilespmem:s13+$0xFFFFFF50];
	v7 =	vmul.f32 $1.131370830e+01, v7;
	[tilespmem:s7+$0xE0] =	vst v1  }
0x27a: {  	v1 =	vmul.f32 $1.131370830e+01, v5;
	v5 =	vld [tilespmem:s13+$0xFFFFFF60];
	[tilespmem:s7+$0xFFFFFF00] =	vst v4;
	s7 =	smov.u32 s13  }
0x27b: {  	v4 =	vmul.f32 $1.131370830e+01, v6;
	v6 =	vld [tilespmem:s13+$0xFFFFFF70];
	[tilespmem:s13+$0xF0] =	vst v7  }
0x27c: {  	[tilespmem:s13+$0xFFFFFF10] =	vst v1;
	v1 =	vmul.f32 $1.131370830e+01, v2;
	v2 =	vld [tilespmem:s13+$0xFFFFFF80]  }
0x27d: {  	[tilespmem:s13+$0xFFFFFF20] =	vst v4;
	v3 =	vmul.f32 $1.131370830e+01, v3;
	v4 =	vld [tilespmem:s13+$0xFFFFFF90]  }
0x27e: {  	[tilespmem:s13+$0xFFFFFF30] =	vst v1;
	v0 =	vmul.f32 $1.131370830e+01, v0;
	v1 =	vld [tilespmem:s13+$0xFFFFFFA0]  }
0x27f: {  	[tilespmem:s13+$0xFFFFFF40] =	vst v3;
	v3 =	vmul.f32 $1.131370830e+01, v5;
	v5 =	vld [tilespmem:s13+$0xFFFFFFB0]  }
0x280: {  	[tilespmem:s13+$0xFFFFFF50] =	vst v0;
	v0 =	vmul.f32 $1.131370830e+01, v6;
	v6 =	vld [tilespmem:s13+$0xFFFFFFC0]  }
0x281: {  	[tilespmem:s13+$0xFFFFFF60] =	vst v3;
	v2 =	vmul.f32 $1.131370830e+01, v2;
	v3 =	vld [tilespmem:s13+$0xFFFFFFD0]  }
0x282: {  	[tilespmem:s13+$0xFFFFFF70] =	vst v0;
	v0 =	vmul.f32 $1.131370830e+01, v4;
	v4 =	vld [tilespmem:s13+$0xFFFFFFE0]  }
0x283: {  	[tilespmem:s13+$0xFFFFFF80] =	vst v2;
	v1 =	vmul.f32 $1.131370830e+01, v1;
	v2 =	vld [tilespmem:s13+$0xFFFFFFF0]  }
0x284: {  	[tilespmem:s13+$0xFFFFFF90] =	vst v0;
	v0 =	vmul.f32 $1.131370830e+01, v5;
	v5 =	vld [tilespmem:s13+$0x0]  }
0x285: {  	[tilespmem:s13+$0xFFFFFFA0] =	vst v1;
	v1 =	vmul.f32 $1.131370830e+01, v6;
	v6 =	vld [tilespmem:s13+$0x10]  }
0x286: {  	[tilespmem:s13+$0xFFFFFFB0] =	vst v0;
	v0 =	vmul.f32 $1.131370830e+01, v3;
	v3 =	vld [tilespmem:s13+$0x20]  }
0x287: {  	[tilespmem:s13+$0xFFFFFFC0] =	vst v1;
	v1 =	vmul.f32 $1.131370830e+01, v4;
	v4 =	vld [tilespmem:s13+$0x30]  }
0x288: {  	[tilespmem:s13+$0xFFFFFFD0] =	vst v0;
	v0 =	vmul.f32 $1.131370830e+01, v2;
	v2 =	vld [tilespmem:s13+$0x40]  }
0x289: {  	[tilespmem:s13+$0xFFFFFFE0] =	vst v1;
	v1 =	vmul.f32 $1.131370830e+01, v5;
	v5 =	vld [tilespmem:s13+$0x50]  }
0x28a: {  	[tilespmem:s13+$0xFFFFFFF0] =	vst v0;
	v0 =	vmul.f32 $1.131370830e+01, v6;
	v6 =	vld [tilespmem:s13+$0x60]  }
0x28b: {  	[tilespmem:s13+$0x0] =	vst v1;
	v1 =	vmul.f32 $1.131370830e+01, v3;
	v3 =	vld [tilespmem:s13+$0x70]  }
0x28c: {  	[tilespmem:s13+$0x10] =	vst v0;
	v0 =	vmul.f32 $1.131370830e+01, v4;
	v4 =	vld [tilespmem:s13+$0x80]  }
0x28d: {  	[tilespmem:s13+$0x20] =	vst v1;
	v1 =	vmul.f32 $1.131370830e+01, v2;
	v7 =	vld [tilespmem:s13+$0x90]  }
0x28e: {  	[tilespmem:s13+$0x30] =	vst v0;
	v2 =	vmul.f32 $1.131370830e+01, v5;
	v8 =	vld [tilespmem:s13+$0xA0]  }
.Ltmp8:
0x28f: {  	[tilespmem:s13+$0x40] =	vst v1;
	v5 =	vmul.f32 $1.131370830e+01, v6;
	v0 =	vld [tilespmem:s13+$0xB0];
	(pc) =	sbr.rel @p0 .LBB2_18-.Ltmp8, $4  }
0x290: {  	[tilespmem:s13+$0x50] =	vst v2;
	v3 =	vmul.f32 $1.131370830e+01, v3;
	v1 =	vld [tilespmem:s13+$0xC0]  }
0x291: {  	[tilespmem:s13+$0x60] =	vst v5;
	v6 =	vmul.f32 $1.131370830e+01, v4;
	v2 =	vld [tilespmem:s13+$0xD0]  }
0x292: {  	[tilespmem:s13+$0x70] =	vst v3;
	v5 =	vmul.f32 $1.131370830e+01, v7;
	v3 =	vld [tilespmem:s13+$0xE0]  }
0x293: {  	s13 =	sadd.s32 $0x200, s13;
	v4 =	vld [tilespmem:s7+$0xFFFFFF00];
	[tilespmem:s7+$0x80] =	vst v6;
	v6 =	vmul.f32 $1.131370830e+01, v8  }
0x294: {  	[tilespmem:s7+$0x90] =	vst v5;
	v0 =	vmul.f32 $1.131370830e+01, v0  }
0x295: {  	[tilespmem:s7+$0xA0] =	vst v6;
	v1 =	vmul.f32 $1.131370830e+01, v1  }
0x296: {  	[tilespmem:s7+$0xB0] =	vst v0;
	v61 =	vmul.f32 $1.131370830e+01, v2  }
0x297: {  	[tilespmem:s7+$0xC0] =	vst v1;
	v62 =	vmul.f32 $1.131370830e+01, v3  }
0x298: {  	v63 =	vmul.f32 $1.131370830e+01, v4;
	[tilespmem:s7+$0xD0] =	vst v61  }
0x299: {  	[tilespmem:s7+$0xE0] =	vst v62  }
0x29a: {  	[tilespmem:s7+$0xFFFFFF00] =	vst v63  }
0x29b: {  	s13 =	simm.s32 $0x9;
	s7 =	rddreg [dreg:$0x6]  }
0x29c: {  	[hbm4b:s7+s5] =	stream.linear.scatter [tilespmem:s18], [sflag:$0x8], $0x4000, $0x38;
	[tilespmem:$0x19900] =	vst v63  }
0x29d: {  	_ =	swait.ge [sflag:s13], $0x4000  }
0x29e: {  	[sflag:s13] =	ssyncset.done $0x0  }
0x29f: {  	s14 =	simm.s32 $0xA;
	[sflag:s13] =	ssyncadd.s32 $0xFFFFC000  }
0x2a0: {  	_ =	swait.ge [sflag:s14], $0x4000  }
0x2a1: {  	[sflag:s14] =	ssyncset.done $0x0  }
0x2a2: {  	s15 =	simm.s32 $0xB;
	[sflag:s14] =	ssyncadd.s32 $0xFFFFC000  }
0x2a3: {  	_ =	swait.ge [sflag:s15], $0x4000  }
0x2a4: {  	[sflag:s15] =	ssyncset.done $0x0  }
0x2a5: {  	s21 =	simm.s32 $0xC;
	[sflag:s15] =	ssyncadd.s32 $0xFFFFC000  }
0x2a6: {  	_ =	swait.ge [sflag:s21], $0x4000  }
0x2a7: {  	[sflag:s21] =	ssyncset.done $0x0  }
0x2a8: {  	[sflag:s21] =	ssyncadd.s32 $0xFFFFC000  }
0x2a9: {  	_ =	swait.ge [sflag:s28], $0x4000  }
0x2aa: {  	[sflag:s28] =	ssyncset.done $0x0  }
0x2ab: {  	[sflag:s28] =	ssyncadd.s32 $0xFFFFC000  }
0x2ac: {  	_ =	swait.ge [sflag:s30], $0x4000  }
0x2ad: {  	s12 =	rddreg [dreg:$0x8]  }
0x2ae: {  	s23 =	rddreg [dreg:$0x7];
	s12 =	sadd.s32 $0x1, s12  }
0x2af: {  	p0 =	sne.s32 s12, s23  }
.Ltmp9:
0x2b0: {  	_ = 	snop;
	(pc) =	sbr.rel @p0 .LBB2_1-.Ltmp9, $3  }
0x2b1: {  	_ =	sdelay $0x1  }
0x2b2: {  	[sflag:s30] =	ssyncset.done $0x0  }
0x2b3: {  	[sflag:s30] =	ssyncadd.s32 $0xFFFFC000  }
0x2b4: {  	_ =	sfence.sel $0x180000  }
0x2b5: {  	[bflag:$0x0] =	sbarrier.arrive $0xFFFF  }
0x2b6: {  	_ =	strace $0x90000047  }
0x2b7: {  	s0 =	stileid.u32;
	[bflag:$0x2] =	sbarrier.arrive $0xFFFF  }
0x2b8: {  	p0 =	sne.s32 s0, $0x0;
	s0 =	rddreg [dreg:$0x3]  }
0x2b9: {  	s0 =	sadd.s32 @!p0 $0x100000, s0  }
0x2ba: {  	[sflag:s0] =	ssyncadd.tile.s32 @!p0 $0x1;
	_ =	shalt  }
.Lfunc_end2:
_tile_overlayer_lowered:
.L_overlay_start_2:
0x2bb: {  	(tag) =	ssettag $0x2  }
0x2bc: {  	s0 =	rddreg [dreg:$0x0];
	s2 =	stileid.u32  }
0x2bd: {  	s1 =	rddreg [dreg:$0x1];
	p0 =	sne.s32 s2, $0x0  }
0x2be: {  	s3 =	rddreg [dreg:$0x2];
	[bflag:$0x3] =	sbarrier.arrive $0xFFFF;
	s2 =	simm.s32 @!p0 $0x1C0D  }
0x2bf: {  	[timem:s3], [sflag:s2] =	dma.local @!p0 [hbm:s0], s1  }
0x2c0: {  	s0 =	simm.s32 @!p0 $0xD  }
0x2c1: {  	_ =	swait.ge @!p0 [sflag:s0], s1  }
0x2c2: {  	s1 =	ssub.s32 @!p0 $0x0, s1;
	[sflag:s0] =	ssyncset.done @!p0 $0x0  }
0x2c3: {  	[sflag:s0] =	ssyncadd.s32 @!p0 s1  }
0x2c4: {  	[bflag:$0x3] =	sbarrier.arrive $0xFFFF  }
0x2c5: {  	_ =	shalt  }

</sc_bundles>
